<compile_context>
chip_gen: v7x
topology: tpu7x:2x2x1
jax: 0.10.2.dev20260603
libtpu: 0.0.44.dev20260713+nightly
codegen_flags: <defaults>
</compile_context>

<pallas_src>
import jax
import jax.numpy as jnp
from jax import lax
from jax.experimental import pallas as pl
from jax.experimental.pallas import tpu as pltpu
from jax.experimental.pallas import tpu_sc as plsc

B = 16384
K = 50
D = 64
V = 1000000
NC = 2
NS = 16
NW = NC * NS
SENT_PER_W = B // NW
S = 16
CHUNKS = SENT_PER_W // S
ROWS = S * K
LANES = 16
DV = D // LANES
KP = 64
KG = (K + LANES - 1) // LANES
OFF = 1 << 18
BT = 8192
NBQ = OFF // BT


def _tr_body(t0_ref, t1_ref, t2_ref, t3_ref, out_ref):
    parts = []
    half = jnp.uint32(0x8000)
    himask = jnp.uint32(0xFFFF0000)
    for tq in (t0_ref, t1_ref, t2_ref, t3_ref):
        bits = lax.bitcast_convert_type(tq[...], jnp.uint32)
        lo = lax.shift_right_logical(bits[0:D // 2, :] + half, jnp.uint32(16))
        hi = lax.bitwise_and(bits[D // 2:D, :] + half, himask)
        parts.append(lax.bitwise_or(lo, hi))
    xc = jnp.concatenate(parts, axis=0)
    out_ref[...] = lax.bitcast_convert_type(
        lax.transpose(xc, (1, 0)), jnp.int32)


def _sc_body(ids_hbm, idsp_hbm, w_hbm, table_hbm, out_hbm,
             idx_v, gidx_v, ip_v, w_v, rows_v, out_v, sem):
    wid = lax.axis_index("s") * NC + lax.axis_index("c")
    base_s = wid * SENT_PER_W

    def chunk_body(c, carry):
        s0 = pl.multiple_of(base_s + c * S, S)
        f0 = pl.multiple_of(s0 * K, S * K)
        p0 = pl.multiple_of(s0 * KP, S * KP)
        pltpu.sync_copy(ids_hbm.at[pl.ds(f0, ROWS)], idx_v)
        pltpu.sync_copy(idsp_hbm.at[pl.ds(p0, S * KP)], ip_v)
        pltpu.sync_copy(w_hbm.at[pl.ds(p0, S * KP)], w_v)
        row_mask = jnp.full((LANES,), OFF - 1, jnp.int32)
        for g in range(ROWS // LANES):
            sl = pl.ds(g * LANES, LANES)
            gidx_v[sl] = lax.bitwise_and(idx_v[sl], row_mask)
        pltpu.async_copy(table_hbm.at[gidx_v], rows_v, sem).wait()

        himask = jnp.full((LANES,), -65536, jnp.int32)

        def sent_body(s, carry2):
            r0 = s * K
            wb = s * KP
            zero = jnp.zeros((LANES,), jnp.float32)
            accs = [zero] * DV
            for g in range(KG):
                cnt = min(LANES, K - g * LANES)
                sl = pl.ds(wb + g * LANES, LANES)
                w16 = w_v[sl]
                o16 = lax.shift_left(lax.shift_right_logical(ip_v[sl], 18), 5)
                for j in range(cnt):
                    wv = lax.broadcast(w16[j], (LANES,))
                    off = o16[j]
                    fi = r0 + g * LANES + j
                    for h in range(D // 32):
                        xi = rows_v[fi, pl.ds(off + h * LANES, LANES)]
                        lo = lax.bitcast_convert_type(
                            lax.shift_left(xi, 16), jnp.float32)
                        hi = lax.bitcast_convert_type(
                            lax.bitwise_and(xi, himask), jnp.float32)
                        accs[h] = accs[h] + wv * lo
                        accs[2 + h] = accs[2 + h] + wv * hi
            inv_k = jnp.float32(1.0 / K)
            orow = lax.shift_right_logical(s, 1)
            obase = lax.shift_left(lax.bitwise_and(s, 1), 6)
            for d in range(DV):
                out_v[orow, pl.ds(obase + d * LANES, LANES)] = accs[d] * inv_k
            return carry2

        lax.fori_loop(0, S, sent_body, 0)
        pltpu.sync_copy(out_v, out_hbm.at[pl.ds(pl.multiple_of(s0 // 2, S // 2), S // 2)])
        return carry

    lax.fori_loop(0, CHUNKS, chunk_body, 0)


@jax.jit
def kernel(token_ids, weights, table):
    ids = token_ids.astype(jnp.int32)
    ids_flat = ids.reshape(-1)
    ids_pad = jnp.pad(ids, ((0, 0), (0, KP - K))).reshape(-1)
    w_flat = jnp.pad(weights, ((0, 0), (0, KP - K))).reshape(-1)

    table_t = table.T
    last_blk = (V + BT - 1) // BT - 1
    in_specs = [
        pl.BlockSpec((D, BT), lambda i, q=q: (0, jnp.minimum(i + q * NBQ, last_blk)))
        for q in range(4)
    ]
    table_pk = pl.pallas_call(
        _tr_body,
        grid=(NBQ,),
        in_specs=in_specs,
        out_specs=pl.BlockSpec((BT, 2 * D), lambda i: (i, 0)),
        out_shape=jax.ShapeDtypeStruct((OFF, 2 * D), jnp.int32),
    )(table_t, table_t, table_t, table_t)

    mesh = plsc.VectorSubcoreMesh(core_axis_name="c", subcore_axis_name="s")
    out2 = pl.kernel(
        _sc_body,
        out_type=jax.ShapeDtypeStruct((B // 2, 2 * D), jnp.float32),
        mesh=mesh,
        scratch_types=[
            pltpu.VMEM((ROWS,), jnp.int32),
            pltpu.VMEM((ROWS,), jnp.int32),
            pltpu.VMEM((S * KP,), jnp.int32),
            pltpu.VMEM((S * KP,), jnp.float32),
            pltpu.VMEM((ROWS, 2 * D), jnp.int32),
            pltpu.VMEM((S // 2, 2 * D), jnp.float32),
            pltpu.SemaphoreType.DMA,
        ],
    )(ids_flat, ids_pad, w_flat, table_pk)
    return out2.reshape(B, D)

# --- scband reference (transcript-rebuilt; emitter-appended) ---
"""Pipeline reference for scband-tfidfbased-vec-cn-8847632630389 (READ-ONLY COPY).

The authoritative reference and input builder live on the scoring server;
editing this copy changes nothing except your own understanding.
"""

import jax, jax.numpy as jnp
import numpy as np

VOCAB = 1000000
EMB_DIM = 64
BATCH = 16384
TOP_K = 50


def setup_inputs(seed: int = 0) -> dict:
    key = jax.random.key(seed)
    k1, k2, k3 = jax.random.split(key, 3)
    token_ids = jax.random.randint(k1, (BATCH, TOP_K), 0, VOCAB, dtype=jnp.int64 if jax.config.jax_enable_x64 else jnp.int32)
    weights = jax.random.uniform(k2, (BATCH, TOP_K), dtype=jnp.float32)
    table = jax.random.normal(k3, (VOCAB, EMB_DIM), dtype=jnp.float32)
    return {"token_ids": token_ids, "weights": weights, "table": table}


def reference(token_ids, weights, table):
    # Core of TFIDFBasedVec_CN.forward with aug_type=None:
    #   token_ids : top-K tfidf token indices per sentence  [B, K]
    #   weights   : corresponding tfidf weights             [B, K]
    #   table     : embedding matrix (nn.Embedding weight)  [V, D]
    # X = self.embedding(token_ids)
    X = jnp.take(table, token_ids, axis=0)            # [B, K, D]
    # sent_vec = (weights * X).mean(dim=1)
    w = weights[..., None]                            # [B, K, 1]
    sent_vec = (w * X).mean(axis=1)                   # [B, D]
    return sent_vec

if __name__ == "__main__":
    import jax
    _d = setup_inputs()
    print(jax.jit(kernel)(*tuple(_d.values())))

</pallas_src>

<mosaic_0001>
#map = affine_map<(d0, d1) -> (0)>
#map1 = affine_map<(d0, d1) -> (0, 0)>
module attributes {stable_mosaic.version = 14 : i64} {
  func.func @_sc_body(%arg0: i32, %arg1: i32, %arg2: memref<819200xi32, #tpu.memory_space<hbm>>, %arg3: memref<1048576xi32, #tpu.memory_space<hbm>>, %arg4: memref<1048576xf32, #tpu.memory_space<hbm>>, %arg5: memref<262144x128xi32, #tpu.memory_space<hbm>>, %arg6: memref<8192x128xf32, #tpu.memory_space<hbm>>, %arg7: memref<800xi32, #tpu.memory_space<vmem>>, %arg8: memref<800xi32, #tpu.memory_space<vmem>>, %arg9: memref<1024xi32, #tpu.memory_space<vmem>>, %arg10: memref<1024xf32, #tpu.memory_space<vmem>>, %arg11: memref<800x128xi32, #tpu.memory_space<vmem>>, %arg12: memref<8x128xf32, #tpu.memory_space<vmem>>, %arg13: memref<!tpu.dma_semaphore, #tpu.memory_space<semaphore_mem>>) attributes {dimension_semantics = [#tpu.dimension_semantics<core_parallel>, #tpu.dimension_semantics<subcore_parallel>], iteration_bounds = array<i64: 2, 16>, scalar_prefetch = 0 : i64, scratch_operands = 7 : i64, tpu.core_type = #tpu.core_type<sc_vector_subcore>, window_params = [{transform_indices = #map}, {transform_indices = #map}, {transform_indices = #map}, {transform_indices = #map1}, {transform_indices = #map1}]} {
    %mul3A = arith.constant 2 : i32
    %mul3A_0 = arith.muli %arg1, %mul3A : i32
    %add3A = arith.addi %mul3A_0, %arg0 : i32
    %mul3A_1 = arith.constant 512 : i32
    %mul3A_2 = arith.muli %add3A, %mul3A_1 : i32
    %scan3A = arith.constant 0 : i32
    %scan3A_3 = arith.constant 0 : i32
    %scan3A_4 = arith.constant 32 : i32
    %scan3A_5 = arith.addi %scan3A_3, %scan3A_4 : i32
    %scan3A_6 = arith.constant 1 : i32
    scf.for %scan3A_8 = %scan3A_3 to %scan3A_5 step %scan3A_6  : i32 {
      %mul3A_9 = arith.constant 16 : i32
      %mul3A_10 = arith.muli %scan3A_8, %mul3A_9 : i32
      %add3A_11 = arith.addi %mul3A_2, %mul3A_10 : i32
      %multiple_of3A = tpu.assume_multiple %add3A_11, 16 : i32
      %mul3A_12 = arith.constant 50 : i32
      %mul3A_13 = arith.muli %multiple_of3A, %mul3A_12 : i32
      %multiple_of3A_14 = tpu.assume_multiple %mul3A_13, 800 : i32
      %mul3A_15 = arith.constant 64 : i32
      %mul3A_16 = arith.muli %multiple_of3A, %mul3A_15 : i32
      %multiple_of3A_17 = tpu.assume_multiple %mul3A_16, 1024 : i32
      "tpu.region"() ({
        %run_scoped3A = tpu.sem_alloc : memref<!tpu.dma_semaphore, #tpu.memory_space<semaphore_mem>>
        %dma_start3A_446 = tpu.memref_slice %arg2[%multiple_of3A_14] : memref<819200xi32, #tpu.memory_space<hbm>> -> memref<800xi32, #tpu.memory_space<hbm>>
        %dma_start3A_447 = tpu.memref_slice %arg2[%multiple_of3A_14] : memref<819200xi32, #tpu.memory_space<hbm>> -> memref<800xi32, #tpu.memory_space<hbm>>
        tpu.enqueue_dma source(%dma_start3A_447 : memref<800xi32, #tpu.memory_space<hbm>>) target(%arg7 : memref<800xi32, #tpu.memory_space<vmem>>) target_semaphore(%run_scoped3A : memref<!tpu.dma_semaphore, #tpu.memory_space<semaphore_mem>>)
        %dma_wait3A_448 = tpu.memref_slice %arg2[%multiple_of3A_14] : memref<819200xi32, #tpu.memory_space<hbm>> -> memref<800xi32, #tpu.memory_space<hbm>>
        %dma_wait3A_449 = tpu.memref_slice %arg2[%multiple_of3A_14] : memref<819200xi32, #tpu.memory_space<hbm>> -> memref<800xi32, #tpu.memory_space<hbm>>
        tpu.wait_dma2 semaphore(%run_scoped3A : memref<!tpu.dma_semaphore, #tpu.memory_space<semaphore_mem>>) src(%dma_wait3A_449 : memref<800xi32, #tpu.memory_space<hbm>>) dst(%arg7 : memref<800xi32, #tpu.memory_space<vmem>>)
        tpu.yield
      }) : () -> ()
      "tpu.region"() ({
        %run_scoped3A = tpu.sem_alloc : memref<!tpu.dma_semaphore, #tpu.memory_space<semaphore_mem>>
        %dma_start3A_446 = tpu.memref_slice %arg3[%multiple_of3A_17] : memref<1048576xi32, #tpu.memory_space<hbm>> -> memref<1024xi32, #tpu.memory_space<hbm>>
        %dma_start3A_447 = tpu.memref_slice %arg3[%multiple_of3A_17] : memref<1048576xi32, #tpu.memory_space<hbm>> -> memref<1024xi32, #tpu.memory_space<hbm>>
        tpu.enqueue_dma source(%dma_start3A_447 : memref<1024xi32, #tpu.memory_space<hbm>>) target(%arg9 : memref<1024xi32, #tpu.memory_space<vmem>>) target_semaphore(%run_scoped3A : memref<!tpu.dma_semaphore, #tpu.memory_space<semaphore_mem>>)
        %dma_wait3A_448 = tpu.memref_slice %arg3[%multiple_of3A_17] : memref<1048576xi32, #tpu.memory_space<hbm>> -> memref<1024xi32, #tpu.memory_space<hbm>>
        %dma_wait3A_449 = tpu.memref_slice %arg3[%multiple_of3A_17] : memref<1048576xi32, #tpu.memory_space<hbm>> -> memref<1024xi32, #tpu.memory_space<hbm>>
        tpu.wait_dma2 semaphore(%run_scoped3A : memref<!tpu.dma_semaphore, #tpu.memory_space<semaphore_mem>>) src(%dma_wait3A_449 : memref<1024xi32, #tpu.memory_space<hbm>>) dst(%arg9 : memref<1024xi32, #tpu.memory_space<vmem>>)
        tpu.yield
      }) : () -> ()
      "tpu.region"() ({
        %run_scoped3A = tpu.sem_alloc : memref<!tpu.dma_semaphore, #tpu.memory_space<semaphore_mem>>
        %dma_start3A_446 = tpu.memref_slice %arg4[%multiple_of3A_17] : memref<1048576xf32, #tpu.memory_space<hbm>> -> memref<1024xf32, #tpu.memory_space<hbm>>
        %dma_start3A_447 = tpu.memref_slice %arg4[%multiple_of3A_17] : memref<1048576xf32, #tpu.memory_space<hbm>> -> memref<1024xf32, #tpu.memory_space<hbm>>
        tpu.enqueue_dma source(%dma_start3A_447 : memref<1024xf32, #tpu.memory_space<hbm>>) target(%arg10 : memref<1024xf32, #tpu.memory_space<vmem>>) target_semaphore(%run_scoped3A : memref<!tpu.dma_semaphore, #tpu.memory_space<semaphore_mem>>)
        %dma_wait3A_448 = tpu.memref_slice %arg4[%multiple_of3A_17] : memref<1048576xf32, #tpu.memory_space<hbm>> -> memref<1024xf32, #tpu.memory_space<hbm>>
        %dma_wait3A_449 = tpu.memref_slice %arg4[%multiple_of3A_17] : memref<1048576xf32, #tpu.memory_space<hbm>> -> memref<1024xf32, #tpu.memory_space<hbm>>
        tpu.wait_dma2 semaphore(%run_scoped3A : memref<!tpu.dma_semaphore, #tpu.memory_space<semaphore_mem>>) src(%dma_wait3A_449 : memref<1024xf32, #tpu.memory_space<hbm>>) dst(%arg10 : memref<1024xf32, #tpu.memory_space<vmem>>)
        tpu.yield
      }) : () -> ()
      %broadcast_in_dim3A = arith.constant 262143 : i32
      %broadcast_in_dim3A_18 = vector.broadcast %broadcast_in_dim3A : i32 to vector<16xi32>
      %get3A = arith.constant 0 : index
      %get3A_19 = tpu.vector_load %arg7[%get3A] {strides = array<i32>} : memref<800xi32, #tpu.memory_space<vmem>>, vector<16xi32>,
      %get3A_20 = vector.shape_cast %get3A_19 : vector<16xi32> to vector<16xi32>
      %and3A = arith.andi %get3A_20, %broadcast_in_dim3A_18 : vector<16xi32>
      %swap3A = arith.constant 0 : index
      %swap3A_21 = tpu.vector_load %arg8[%swap3A] {strides = array<i32>} : memref<800xi32, #tpu.memory_space<vmem>>, vector<16xi32>,
      %swap3A_22 = vector.shape_cast %swap3A_21 : vector<16xi32> to vector<16xi32>
      %swap3A_23 = vector.shape_cast %and3A : vector<16xi32> to vector<16xi32>
      tpu.vector_store %arg8[%swap3A], %swap3A_23 {strides = array<i32>} : memref<800xi32, #tpu.memory_space<vmem>>, vector<16xi32>,
      %get3A_24 = arith.constant 16 : index
      %get3A_25 = tpu.vector_load %arg7[%get3A_24] {strides = array<i32>} : memref<800xi32, #tpu.memory_space<vmem>>, vector<16xi32>,
      %get3A_26 = vector.shape_cast %get3A_25 : vector<16xi32> to vector<16xi32>
      %and3A_27 = arith.andi %get3A_26, %broadcast_in_dim3A_18 : vector<16xi32>
      %swap3A_28 = arith.constant 16 : index
      %swap3A_29 = tpu.vector_load %arg8[%swap3A_28] {strides = array<i32>} : memref<800xi32, #tpu.memory_space<vmem>>, vector<16xi32>,
      %swap3A_30 = vector.shape_cast %swap3A_29 : vector<16xi32> to vector<16xi32>
      %swap3A_31 = vector.shape_cast %and3A_27 : vector<16xi32> to vector<16xi32>
      tpu.vector_store %arg8[%swap3A_28], %swap3A_31 {strides = array<i32>} : memref<800xi32, #tpu.memory_space<vmem>>, vector<16xi32>,
      %get3A_32 = arith.constant 32 : index
      %get3A_33 = tpu.vector_load %arg7[%get3A_32] {strides = array<i32>} : memref<800xi32, #tpu.memory_space<vmem>>, vector<16xi32>,
      %get3A_34 = vector.shape_cast %get3A_33 : vector<16xi32> to vector<16xi32>
      %and3A_35 = arith.andi %get3A_34, %broadcast_in_dim3A_18 : vector<16xi32>
      %swap3A_36 = arith.constant 32 : index
      %swap3A_37 = tpu.vector_load %arg8[%swap3A_36] {strides = array<i32>} : memref<800xi32, #tpu.memory_space<vmem>>, vector<16xi32>,
      %swap3A_38 = vector.shape_cast %swap3A_37 : vector<16xi32> to vector<16xi32>
      %swap3A_39 = vector.shape_cast %and3A_35 : vector<16xi32> to vector<16xi32>
      tpu.vector_store %arg8[%swap3A_36], %swap3A_39 {strides = array<i32>} : memref<800xi32, #tpu.memory_space<vmem>>, vector<16xi32>,
      %get3A_40 = arith.constant 48 : index
      %get3A_41 = tpu.vector_load %arg7[%get3A_40] {strides = array<i32>} : memref<800xi32, #tpu.memory_space<vmem>>, vector<16xi32>,
      %get3A_42 = vector.shape_cast %get3A_41 : vector<16xi32> to vector<16xi32>
      %and3A_43 = arith.andi %get3A_42, %broadcast_in_dim3A_18 : vector<16xi32>
      %swap3A_44 = arith.constant 48 : index
      %swap3A_45 = tpu.vector_load %arg8[%swap3A_44] {strides = array<i32>} : memref<800xi32, #tpu.memory_space<vmem>>, vector<16xi32>,
      %swap3A_46 = vector.shape_cast %swap3A_45 : vector<16xi32> to vector<16xi32>
      %swap3A_47 = vector.shape_cast %and3A_43 : vector<16xi32> to vector<16xi32>
      tpu.vector_store %arg8[%swap3A_44], %swap3A_47 {strides = array<i32>} : memref<800xi32, #tpu.memory_space<vmem>>, vector<16xi32>,
      %get3A_48 = arith.constant 64 : index
      %get3A_49 = tpu.vector_load %arg7[%get3A_48] {strides = array<i32>} : memref<800xi32, #tpu.memory_space<vmem>>, vector<16xi32>,
      %get3A_50 = vector.shape_cast %get3A_49 : vector<16xi32> to vector<16xi32>
      %and3A_51 = arith.andi %get3A_50, %broadcast_in_dim3A_18 : vector<16xi32>
      %swap3A_52 = arith.constant 64 : index
      %swap3A_53 = tpu.vector_load %arg8[%swap3A_52] {strides = array<i32>} : memref<800xi32, #tpu.memory_space<vmem>>, vector<16xi32>,
      %swap3A_54 = vector.shape_cast %swap3A_53 : vector<16xi32> to vector<16xi32>
      %swap3A_55 = vector.shape_cast %and3A_51 : vector<16xi32> to vector<16xi32>
      tpu.vector_store %arg8[%swap3A_52], %swap3A_55 {strides = array<i32>} : memref<800xi32, #tpu.memory_space<vmem>>, vector<16xi32>,
      %get3A_56 = arith.constant 80 : index
      %get3A_57 = tpu.vector_load %arg7[%get3A_56] {strides = array<i32>} : memref<800xi32, #tpu.memory_space<vmem>>, vector<16xi32>,
      %get3A_58 = vector.shape_cast %get3A_57 : vector<16xi32> to vector<16xi32>
      %and3A_59 = arith.andi %get3A_58, %broadcast_in_dim3A_18 : vector<16xi32>
      %swap3A_60 = arith.constant 80 : index
      %swap3A_61 = tpu.vector_load %arg8[%swap3A_60] {strides = array<i32>} : memref<800xi32, #tpu.memory_space<vmem>>, vector<16xi32>,
      %swap3A_62 = vector.shape_cast %swap3A_61 : vector<16xi32> to vector<16xi32>
      %swap3A_63 = vector.shape_cast %and3A_59 : vector<16xi32> to vector<16xi32>
      tpu.vector_store %arg8[%swap3A_60], %swap3A_63 {strides = array<i32>} : memref<800xi32, #tpu.memory_space<vmem>>, vector<16xi32>,
      %get3A_64 = arith.constant 96 : index
      %get3A_65 = tpu.vector_load %arg7[%get3A_64] {strides = array<i32>} : memref<800xi32, #tpu.memory_space<vmem>>, vector<16xi32>,
      %get3A_66 = vector.shape_cast %get3A_65 : vector<16xi32> to vector<16xi32>
      %and3A_67 = arith.andi %get3A_66, %broadcast_in_dim3A_18 : vector<16xi32>
      %swap3A_68 = arith.constant 96 : index
      %swap3A_69 = tpu.vector_load %arg8[%swap3A_68] {strides = array<i32>} : memref<800xi32, #tpu.memory_space<vmem>>, vector<16xi32>,
      %swap3A_70 = vector.shape_cast %swap3A_69 : vector<16xi32> to vector<16xi32>
      %swap3A_71 = vector.shape_cast %and3A_67 : vector<16xi32> to vector<16xi32>
      tpu.vector_store %arg8[%swap3A_68], %swap3A_71 {strides = array<i32>} : memref<800xi32, #tpu.memory_space<vmem>>, vector<16xi32>,
      %get3A_72 = arith.constant 112 : index
      %get3A_73 = tpu.vector_load %arg7[%get3A_72] {strides = array<i32>} : memref<800xi32, #tpu.memory_space<vmem>>, vector<16xi32>,
      %get3A_74 = vector.shape_cast %get3A_73 : vector<16xi32> to vector<16xi32>
      %and3A_75 = arith.andi %get3A_74, %broadcast_in_dim3A_18 : vector<16xi32>
      %swap3A_76 = arith.constant 112 : index
      %swap3A_77 = tpu.vector_load %arg8[%swap3A_76] {strides = array<i32>} : memref<800xi32, #tpu.memory_space<vmem>>, vector<16xi32>,
      %swap3A_78 = vector.shape_cast %swap3A_77 : vector<16xi32> to vector<16xi32>
      %swap3A_79 = vector.shape_cast %and3A_75 : vector<16xi32> to vector<16xi32>
      tpu.vector_store %arg8[%swap3A_76], %swap3A_79 {strides = array<i32>} : memref<800xi32, #tpu.memory_space<vmem>>, vector<16xi32>,
      %get3A_80 = arith.constant 128 : index
      %get3A_81 = tpu.vector_load %arg7[%get3A_80] {strides = array<i32>} : memref<800xi32, #tpu.memory_space<vmem>>, vector<16xi32>,
      %get3A_82 = vector.shape_cast %get3A_81 : vector<16xi32> to vector<16xi32>
      %and3A_83 = arith.andi %get3A_82, %broadcast_in_dim3A_18 : vector<16xi32>
      %swap3A_84 = arith.constant 128 : index
      %swap3A_85 = tpu.vector_load %arg8[%swap3A_84] {strides = array<i32>} : memref<800xi32, #tpu.memory_space<vmem>>, vector<16xi32>,
      %swap3A_86 = vector.shape_cast %swap3A_85 : vector<16xi32> to vector<16xi32>
      %swap3A_87 = vector.shape_cast %and3A_83 : vector<16xi32> to vector<16xi32>
      tpu.vector_store %arg8[%swap3A_84], %swap3A_87 {strides = array<i32>} : memref<800xi32, #tpu.memory_space<vmem>>, vector<16xi32>,
      %get3A_88 = arith.constant 144 : index
      %get3A_89 = tpu.vector_load %arg7[%get3A_88] {strides = array<i32>} : memref<800xi32, #tpu.memory_space<vmem>>, vector<16xi32>,
      %get3A_90 = vector.shape_cast %get3A_89 : vector<16xi32> to vector<16xi32>
      %and3A_91 = arith.andi %get3A_90, %broadcast_in_dim3A_18 : vector<16xi32>
      %swap3A_92 = arith.constant 144 : index
      %swap3A_93 = tpu.vector_load %arg8[%swap3A_92] {strides = array<i32>} : memref<800xi32, #tpu.memory_space<vmem>>, vector<16xi32>,
      %swap3A_94 = vector.shape_cast %swap3A_93 : vector<16xi32> to vector<16xi32>
      %swap3A_95 = vector.shape_cast %and3A_91 : vector<16xi32> to vector<16xi32>
      tpu.vector_store %arg8[%swap3A_92], %swap3A_95 {strides = array<i32>} : memref<800xi32, #tpu.memory_space<vmem>>, vector<16xi32>,
      %get3A_96 = arith.constant 160 : index
      %get3A_97 = tpu.vector_load %arg7[%get3A_96] {strides = array<i32>} : memref<800xi32, #tpu.memory_space<vmem>>, vector<16xi32>,
      %get3A_98 = vector.shape_cast %get3A_97 : vector<16xi32> to vector<16xi32>
      %and3A_99 = arith.andi %get3A_98, %broadcast_in_dim3A_18 : vector<16xi32>
      %swap3A_100 = arith.constant 160 : index
      %swap3A_101 = tpu.vector_load %arg8[%swap3A_100] {strides = array<i32>} : memref<800xi32, #tpu.memory_space<vmem>>, vector<16xi32>,
      %swap3A_102 = vector.shape_cast %swap3A_101 : vector<16xi32> to vector<16xi32>
      %swap3A_103 = vector.shape_cast %and3A_99 : vector<16xi32> to vector<16xi32>
      tpu.vector_store %arg8[%swap3A_100], %swap3A_103 {strides = array<i32>} : memref<800xi32, #tpu.memory_space<vmem>>, vector<16xi32>,
      %get3A_104 = arith.constant 176 : index
      %get3A_105 = tpu.vector_load %arg7[%get3A_104] {strides = array<i32>} : memref<800xi32, #tpu.memory_space<vmem>>, vector<16xi32>,
      %get3A_106 = vector.shape_cast %get3A_105 : vector<16xi32> to vector<16xi32>
      %and3A_107 = arith.andi %get3A_106, %broadcast_in_dim3A_18 : vector<16xi32>
      %swap3A_108 = arith.constant 176 : index
      %swap3A_109 = tpu.vector_load %arg8[%swap3A_108] {strides = array<i32>} : memref<800xi32, #tpu.memory_space<vmem>>, vector<16xi32>,
      %swap3A_110 = vector.shape_cast %swap3A_109 : vector<16xi32> to vector<16xi32>
      %swap3A_111 = vector.shape_cast %and3A_107 : vector<16xi32> to vector<16xi32>
      tpu.vector_store %arg8[%swap3A_108], %swap3A_111 {strides = array<i32>} : memref<800xi32, #tpu.memory_space<vmem>>, vector<16xi32>,
      %get3A_112 = arith.constant 192 : index
      %get3A_113 = tpu.vector_load %arg7[%get3A_112] {strides = array<i32>} : memref<800xi32, #tpu.memory_space<vmem>>, vector<16xi32>,
      %get3A_114 = vector.shape_cast %get3A_113 : vector<16xi32> to vector<16xi32>
      %and3A_115 = arith.andi %get3A_114, %broadcast_in_dim3A_18 : vector<16xi32>
      %swap3A_116 = arith.constant 192 : index
      %swap3A_117 = tpu.vector_load %arg8[%swap3A_116] {strides = array<i32>} : memref<800xi32, #tpu.memory_space<vmem>>, vector<16xi32>,
      %swap3A_118 = vector.shape_cast %swap3A_117 : vector<16xi32> to vector<16xi32>
      %swap3A_119 = vector.shape_cast %and3A_115 : vector<16xi32> to vector<16xi32>
      tpu.vector_store %arg8[%swap3A_116], %swap3A_119 {strides = array<i32>} : memref<800xi32, #tpu.memory_space<vmem>>, vector<16xi32>,
      %get3A_120 = arith.constant 208 : index
      %get3A_121 = tpu.vector_load %arg7[%get3A_120] {strides = array<i32>} : memref<800xi32, #tpu.memory_space<vmem>>, vector<16xi32>,
      %get3A_122 = vector.shape_cast %get3A_121 : vector<16xi32> to vector<16xi32>
      %and3A_123 = arith.andi %get3A_122, %broadcast_in_dim3A_18 : vector<16xi32>
      %swap3A_124 = arith.constant 208 : index
      %swap3A_125 = tpu.vector_load %arg8[%swap3A_124] {strides = array<i32>} : memref<800xi32, #tpu.memory_space<vmem>>, vector<16xi32>,
      %swap3A_126 = vector.shape_cast %swap3A_125 : vector<16xi32> to vector<16xi32>
      %swap3A_127 = vector.shape_cast %and3A_123 : vector<16xi32> to vector<16xi32>
      tpu.vector_store %arg8[%swap3A_124], %swap3A_127 {strides = array<i32>} : memref<800xi32, #tpu.memory_space<vmem>>, vector<16xi32>,
      %get3A_128 = arith.constant 224 : index
      %get3A_129 = tpu.vector_load %arg7[%get3A_128] {strides = array<i32>} : memref<800xi32, #tpu.memory_space<vmem>>, vector<16xi32>,
      %get3A_130 = vector.shape_cast %get3A_129 : vector<16xi32> to vector<16xi32>
      %and3A_131 = arith.andi %get3A_130, %broadcast_in_dim3A_18 : vector<16xi32>
      %swap3A_132 = arith.constant 224 : index
      %swap3A_133 = tpu.vector_load %arg8[%swap3A_132] {strides = array<i32>} : memref<800xi32, #tpu.memory_space<vmem>>, vector<16xi32>,
      %swap3A_134 = vector.shape_cast %swap3A_133 : vector<16xi32> to vector<16xi32>
      %swap3A_135 = vector.shape_cast %and3A_131 : vector<16xi32> to vector<16xi32>
      tpu.vector_store %arg8[%swap3A_132], %swap3A_135 {strides = array<i32>} : memref<800xi32, #tpu.memory_space<vmem>>, vector<16xi32>,
      %get3A_136 = arith.constant 240 : index
      %get3A_137 = tpu.vector_load %arg7[%get3A_136] {strides = array<i32>} : memref<800xi32, #tpu.memory_space<vmem>>, vector<16xi32>,
      %get3A_138 = vector.shape_cast %get3A_137 : vector<16xi32> to vector<16xi32>
      %and3A_139 = arith.andi %get3A_138, %broadcast_in_dim3A_18 : vector<16xi32>
      %swap3A_140 = arith.constant 240 : index
      %swap3A_141 = tpu.vector_load %arg8[%swap3A_140] {strides = array<i32>} : memref<800xi32, #tpu.memory_space<vmem>>, vector<16xi32>,
      %swap3A_142 = vector.shape_cast %swap3A_141 : vector<16xi32> to vector<16xi32>
      %swap3A_143 = vector.shape_cast %and3A_139 : vector<16xi32> to vector<16xi32>
      tpu.vector_store %arg8[%swap3A_140], %swap3A_143 {strides = array<i32>} : memref<800xi32, #tpu.memory_space<vmem>>, vector<16xi32>,
      %get3A_144 = arith.constant 256 : index
      %get3A_145 = tpu.vector_load %arg7[%get3A_144] {strides = array<i32>} : memref<800xi32, #tpu.memory_space<vmem>>, vector<16xi32>,
      %get3A_146 = vector.shape_cast %get3A_145 : vector<16xi32> to vector<16xi32>
      %and3A_147 = arith.andi %get3A_146, %broadcast_in_dim3A_18 : vector<16xi32>
      %swap3A_148 = arith.constant 256 : index
      %swap3A_149 = tpu.vector_load %arg8[%swap3A_148] {strides = array<i32>} : memref<800xi32, #tpu.memory_space<vmem>>, vector<16xi32>,
      %swap3A_150 = vector.shape_cast %swap3A_149 : vector<16xi32> to vector<16xi32>
      %swap3A_151 = vector.shape_cast %and3A_147 : vector<16xi32> to vector<16xi32>
      tpu.vector_store %arg8[%swap3A_148], %swap3A_151 {strides = array<i32>} : memref<800xi32, #tpu.memory_space<vmem>>, vector<16xi32>,
      %get3A_152 = arith.constant 272 : index
      %get3A_153 = tpu.vector_load %arg7[%get3A_152] {strides = array<i32>} : memref<800xi32, #tpu.memory_space<vmem>>, vector<16xi32>,
      %get3A_154 = vector.shape_cast %get3A_153 : vector<16xi32> to vector<16xi32>
      %and3A_155 = arith.andi %get3A_154, %broadcast_in_dim3A_18 : vector<16xi32>
      %swap3A_156 = arith.constant 272 : index
      %swap3A_157 = tpu.vector_load %arg8[%swap3A_156] {strides = array<i32>} : memref<800xi32, #tpu.memory_space<vmem>>, vector<16xi32>,
      %swap3A_158 = vector.shape_cast %swap3A_157 : vector<16xi32> to vector<16xi32>
      %swap3A_159 = vector.shape_cast %and3A_155 : vector<16xi32> to vector<16xi32>
      tpu.vector_store %arg8[%swap3A_156], %swap3A_159 {strides = array<i32>} : memref<800xi32, #tpu.memory_space<vmem>>, vector<16xi32>,
      %get3A_160 = arith.constant 288 : index
      %get3A_161 = tpu.vector_load %arg7[%get3A_160] {strides = array<i32>} : memref<800xi32, #tpu.memory_space<vmem>>, vector<16xi32>,
      %get3A_162 = vector.shape_cast %get3A_161 : vector<16xi32> to vector<16xi32>
      %and3A_163 = arith.andi %get3A_162, %broadcast_in_dim3A_18 : vector<16xi32>
      %swap3A_164 = arith.constant 288 : index
      %swap3A_165 = tpu.vector_load %arg8[%swap3A_164] {strides = array<i32>} : memref<800xi32, #tpu.memory_space<vmem>>, vector<16xi32>,
      %swap3A_166 = vector.shape_cast %swap3A_165 : vector<16xi32> to vector<16xi32>
      %swap3A_167 = vector.shape_cast %and3A_163 : vector<16xi32> to vector<16xi32>
      tpu.vector_store %arg8[%swap3A_164], %swap3A_167 {strides = array<i32>} : memref<800xi32, #tpu.memory_space<vmem>>, vector<16xi32>,
      %get3A_168 = arith.constant 304 : index
      %get3A_169 = tpu.vector_load %arg7[%get3A_168] {strides = array<i32>} : memref<800xi32, #tpu.memory_space<vmem>>, vector<16xi32>,
      %get3A_170 = vector.shape_cast %get3A_169 : vector<16xi32> to vector<16xi32>
      %and3A_171 = arith.andi %get3A_170, %broadcast_in_dim3A_18 : vector<16xi32>
      %swap3A_172 = arith.constant 304 : index
      %swap3A_173 = tpu.vector_load %arg8[%swap3A_172] {strides = array<i32>} : memref<800xi32, #tpu.memory_space<vmem>>, vector<16xi32>,
      %swap3A_174 = vector.shape_cast %swap3A_173 : vector<16xi32> to vector<16xi32>
      %swap3A_175 = vector.shape_cast %and3A_171 : vector<16xi32> to vector<16xi32>
      tpu.vector_store %arg8[%swap3A_172], %swap3A_175 {strides = array<i32>} : memref<800xi32, #tpu.memory_space<vmem>>, vector<16xi32>,
      %get3A_176 = arith.constant 320 : index
      %get3A_177 = tpu.vector_load %arg7[%get3A_176] {strides = array<i32>} : memref<800xi32, #tpu.memory_space<vmem>>, vector<16xi32>,
      %get3A_178 = vector.shape_cast %get3A_177 : vector<16xi32> to vector<16xi32>
      %and3A_179 = arith.andi %get3A_178, %broadcast_in_dim3A_18 : vector<16xi32>
      %swap3A_180 = arith.constant 320 : index
      %swap3A_181 = tpu.vector_load %arg8[%swap3A_180] {strides = array<i32>} : memref<800xi32, #tpu.memory_space<vmem>>, vector<16xi32>,
      %swap3A_182 = vector.shape_cast %swap3A_181 : vector<16xi32> to vector<16xi32>
      %swap3A_183 = vector.shape_cast %and3A_179 : vector<16xi32> to vector<16xi32>
      tpu.vector_store %arg8[%swap3A_180], %swap3A_183 {strides = array<i32>} : memref<800xi32, #tpu.memory_space<vmem>>, vector<16xi32>,
      %get3A_184 = arith.constant 336 : index
      %get3A_185 = tpu.vector_load %arg7[%get3A_184] {strides = array<i32>} : memref<800xi32, #tpu.memory_space<vmem>>, vector<16xi32>,
      %get3A_186 = vector.shape_cast %get3A_185 : vector<16xi32> to vector<16xi32>
      %and3A_187 = arith.andi %get3A_186, %broadcast_in_dim3A_18 : vector<16xi32>
      %swap3A_188 = arith.constant 336 : index
      %swap3A_189 = tpu.vector_load %arg8[%swap3A_188] {strides = array<i32>} : memref<800xi32, #tpu.memory_space<vmem>>, vector<16xi32>,
      %swap3A_190 = vector.shape_cast %swap3A_189 : vector<16xi32> to vector<16xi32>
      %swap3A_191 = vector.shape_cast %and3A_187 : vector<16xi32> to vector<16xi32>
      tpu.vector_store %arg8[%swap3A_188], %swap3A_191 {strides = array<i32>} : memref<800xi32, #tpu.memory_space<vmem>>, vector<16xi32>,
      %get3A_192 = arith.constant 352 : index
      %get3A_193 = tpu.vector_load %arg7[%get3A_192] {strides = array<i32>} : memref<800xi32, #tpu.memory_space<vmem>>, vector<16xi32>,
      %get3A_194 = vector.shape_cast %get3A_193 : vector<16xi32> to vector<16xi32>
      %and3A_195 = arith.andi %get3A_194, %broadcast_in_dim3A_18 : vector<16xi32>
      %swap3A_196 = arith.constant 352 : index
      %swap3A_197 = tpu.vector_load %arg8[%swap3A_196] {strides = array<i32>} : memref<800xi32, #tpu.memory_space<vmem>>, vector<16xi32>,
      %swap3A_198 = vector.shape_cast %swap3A_197 : vector<16xi32> to vector<16xi32>
      %swap3A_199 = vector.shape_cast %and3A_195 : vector<16xi32> to vector<16xi32>
      tpu.vector_store %arg8[%swap3A_196], %swap3A_199 {strides = array<i32>} : memref<800xi32, #tpu.memory_space<vmem>>, vector<16xi32>,
      %get3A_200 = arith.constant 368 : index
      %get3A_201 = tpu.vector_load %arg7[%get3A_200] {strides = array<i32>} : memref<800xi32, #tpu.memory_space<vmem>>, vector<16xi32>,
      %get3A_202 = vector.shape_cast %get3A_201 : vector<16xi32> to vector<16xi32>
      %and3A_203 = arith.andi %get3A_202, %broadcast_in_dim3A_18 : vector<16xi32>
      %swap3A_204 = arith.constant 368 : index
      %swap3A_205 = tpu.vector_load %arg8[%swap3A_204] {strides = array<i32>} : memref<800xi32, #tpu.memory_space<vmem>>, vector<16xi32>,
      %swap3A_206 = vector.shape_cast %swap3A_205 : vector<16xi32> to vector<16xi32>
      %swap3A_207 = vector.shape_cast %and3A_203 : vector<16xi32> to vector<16xi32>
      tpu.vector_store %arg8[%swap3A_204], %swap3A_207 {strides = array<i32>} : memref<800xi32, #tpu.memory_space<vmem>>, vector<16xi32>,
      %get3A_208 = arith.constant 384 : index
      %get3A_209 = tpu.vector_load %arg7[%get3A_208] {strides = array<i32>} : memref<800xi32, #tpu.memory_space<vmem>>, vector<16xi32>,
      %get3A_210 = vector.shape_cast %get3A_209 : vector<16xi32> to vector<16xi32>
      %and3A_211 = arith.andi %get3A_210, %broadcast_in_dim3A_18 : vector<16xi32>
      %swap3A_212 = arith.constant 384 : index
      %swap3A_213 = tpu.vector_load %arg8[%swap3A_212] {strides = array<i32>} : memref<800xi32, #tpu.memory_space<vmem>>, vector<16xi32>,
      %swap3A_214 = vector.shape_cast %swap3A_213 : vector<16xi32> to vector<16xi32>
      %swap3A_215 = vector.shape_cast %and3A_211 : vector<16xi32> to vector<16xi32>
      tpu.vector_store %arg8[%swap3A_212], %swap3A_215 {strides = array<i32>} : memref<800xi32, #tpu.memory_space<vmem>>, vector<16xi32>,
      %get3A_216 = arith.constant 400 : index
      %get3A_217 = tpu.vector_load %arg7[%get3A_216] {strides = array<i32>} : memref<800xi32, #tpu.memory_space<vmem>>, vector<16xi32>,
      %get3A_218 = vector.shape_cast %get3A_217 : vector<16xi32> to vector<16xi32>
      %and3A_219 = arith.andi %get3A_218, %broadcast_in_dim3A_18 : vector<16xi32>
      %swap3A_220 = arith.constant 400 : index
      %swap3A_221 = tpu.vector_load %arg8[%swap3A_220] {strides = array<i32>} : memref<800xi32, #tpu.memory_space<vmem>>, vector<16xi32>,
      %swap3A_222 = vector.shape_cast %swap3A_221 : vector<16xi32> to vector<16xi32>
      %swap3A_223 = vector.shape_cast %and3A_219 : vector<16xi32> to vector<16xi32>
      tpu.vector_store %arg8[%swap3A_220], %swap3A_223 {strides = array<i32>} : memref<800xi32, #tpu.memory_space<vmem>>, vector<16xi32>,
      %get3A_224 = arith.constant 416 : index
      %get3A_225 = tpu.vector_load %arg7[%get3A_224] {strides = array<i32>} : memref<800xi32, #tpu.memory_space<vmem>>, vector<16xi32>,
      %get3A_226 = vector.shape_cast %get3A_225 : vector<16xi32> to vector<16xi32>
      %and3A_227 = arith.andi %get3A_226, %broadcast_in_dim3A_18 : vector<16xi32>
      %swap3A_228 = arith.constant 416 : index
      %swap3A_229 = tpu.vector_load %arg8[%swap3A_228] {strides = array<i32>} : memref<800xi32, #tpu.memory_space<vmem>>, vector<16xi32>,
      %swap3A_230 = vector.shape_cast %swap3A_229 : vector<16xi32> to vector<16xi32>
      %swap3A_231 = vector.shape_cast %and3A_227 : vector<16xi32> to vector<16xi32>
      tpu.vector_store %arg8[%swap3A_228], %swap3A_231 {strides = array<i32>} : memref<800xi32, #tpu.memory_space<vmem>>, vector<16xi32>,
      %get3A_232 = arith.constant 432 : index
      %get3A_233 = tpu.vector_load %arg7[%get3A_232] {strides = array<i32>} : memref<800xi32, #tpu.memory_space<vmem>>, vector<16xi32>,
      %get3A_234 = vector.shape_cast %get3A_233 : vector<16xi32> to vector<16xi32>
      %and3A_235 = arith.andi %get3A_234, %broadcast_in_dim3A_18 : vector<16xi32>
      %swap3A_236 = arith.constant 432 : index
      %swap3A_237 = tpu.vector_load %arg8[%swap3A_236] {strides = array<i32>} : memref<800xi32, #tpu.memory_space<vmem>>, vector<16xi32>,
      %swap3A_238 = vector.shape_cast %swap3A_237 : vector<16xi32> to vector<16xi32>
      %swap3A_239 = vector.shape_cast %and3A_235 : vector<16xi32> to vector<16xi32>
      tpu.vector_store %arg8[%swap3A_236], %swap3A_239 {strides = array<i32>} : memref<800xi32, #tpu.memory_space<vmem>>, vector<16xi32>,
      %get3A_240 = arith.constant 448 : index
      %get3A_241 = tpu.vector_load %arg7[%get3A_240] {strides = array<i32>} : memref<800xi32, #tpu.memory_space<vmem>>, vector<16xi32>,
      %get3A_242 = vector.shape_cast %get3A_241 : vector<16xi32> to vector<16xi32>
      %and3A_243 = arith.andi %get3A_242, %broadcast_in_dim3A_18 : vector<16xi32>
      %swap3A_244 = arith.constant 448 : index
      %swap3A_245 = tpu.vector_load %arg8[%swap3A_244] {strides = array<i32>} : memref<800xi32, #tpu.memory_space<vmem>>, vector<16xi32>,
      %swap3A_246 = vector.shape_cast %swap3A_245 : vector<16xi32> to vector<16xi32>
      %swap3A_247 = vector.shape_cast %and3A_243 : vector<16xi32> to vector<16xi32>
      tpu.vector_store %arg8[%swap3A_244], %swap3A_247 {strides = array<i32>} : memref<800xi32, #tpu.memory_space<vmem>>, vector<16xi32>,
      %get3A_248 = arith.constant 464 : index
      %get3A_249 = tpu.vector_load %arg7[%get3A_248] {strides = array<i32>} : memref<800xi32, #tpu.memory_space<vmem>>, vector<16xi32>,
      %get3A_250 = vector.shape_cast %get3A_249 : vector<16xi32> to vector<16xi32>
      %and3A_251 = arith.andi %get3A_250, %broadcast_in_dim3A_18 : vector<16xi32>
      %swap3A_252 = arith.constant 464 : index
      %swap3A_253 = tpu.vector_load %arg8[%swap3A_252] {strides = array<i32>} : memref<800xi32, #tpu.memory_space<vmem>>, vector<16xi32>,
      %swap3A_254 = vector.shape_cast %swap3A_253 : vector<16xi32> to vector<16xi32>
      %swap3A_255 = vector.shape_cast %and3A_251 : vector<16xi32> to vector<16xi32>
      tpu.vector_store %arg8[%swap3A_252], %swap3A_255 {strides = array<i32>} : memref<800xi32, #tpu.memory_space<vmem>>, vector<16xi32>,
      %get3A_256 = arith.constant 480 : index
      %get3A_257 = tpu.vector_load %arg7[%get3A_256] {strides = array<i32>} : memref<800xi32, #tpu.memory_space<vmem>>, vector<16xi32>,
      %get3A_258 = vector.shape_cast %get3A_257 : vector<16xi32> to vector<16xi32>
      %and3A_259 = arith.andi %get3A_258, %broadcast_in_dim3A_18 : vector<16xi32>
      %swap3A_260 = arith.constant 480 : index
      %swap3A_261 = tpu.vector_load %arg8[%swap3A_260] {strides = array<i32>} : memref<800xi32, #tpu.memory_space<vmem>>, vector<16xi32>,
      %swap3A_262 = vector.shape_cast %swap3A_261 : vector<16xi32> to vector<16xi32>
      %swap3A_263 = vector.shape_cast %and3A_259 : vector<16xi32> to vector<16xi32>
      tpu.vector_store %arg8[%swap3A_260], %swap3A_263 {strides = array<i32>} : memref<800xi32, #tpu.memory_space<vmem>>, vector<16xi32>,
      %get3A_264 = arith.constant 496 : index
      %get3A_265 = tpu.vector_load %arg7[%get3A_264] {strides = array<i32>} : memref<800xi32, #tpu.memory_space<vmem>>, vector<16xi32>,
      %get3A_266 = vector.shape_cast %get3A_265 : vector<16xi32> to vector<16xi32>
      %and3A_267 = arith.andi %get3A_266, %broadcast_in_dim3A_18 : vector<16xi32>
      %swap3A_268 = arith.constant 496 : index
      %swap3A_269 = tpu.vector_load %arg8[%swap3A_268] {strides = array<i32>} : memref<800xi32, #tpu.memory_space<vmem>>, vector<16xi32>,
      %swap3A_270 = vector.shape_cast %swap3A_269 : vector<16xi32> to vector<16xi32>
      %swap3A_271 = vector.shape_cast %and3A_267 : vector<16xi32> to vector<16xi32>
      tpu.vector_store %arg8[%swap3A_268], %swap3A_271 {strides = array<i32>} : memref<800xi32, #tpu.memory_space<vmem>>, vector<16xi32>,
      %get3A_272 = arith.constant 512 : index
      %get3A_273 = tpu.vector_load %arg7[%get3A_272] {strides = array<i32>} : memref<800xi32, #tpu.memory_space<vmem>>, vector<16xi32>,
      %get3A_274 = vector.shape_cast %get3A_273 : vector<16xi32> to vector<16xi32>
      %and3A_275 = arith.andi %get3A_274, %broadcast_in_dim3A_18 : vector<16xi32>
      %swap3A_276 = arith.constant 512 : index
      %swap3A_277 = tpu.vector_load %arg8[%swap3A_276] {strides = array<i32>} : memref<800xi32, #tpu.memory_space<vmem>>, vector<16xi32>,
      %swap3A_278 = vector.shape_cast %swap3A_277 : vector<16xi32> to vector<16xi32>
      %swap3A_279 = vector.shape_cast %and3A_275 : vector<16xi32> to vector<16xi32>
      tpu.vector_store %arg8[%swap3A_276], %swap3A_279 {strides = array<i32>} : memref<800xi32, #tpu.memory_space<vmem>>, vector<16xi32>,
      %get3A_280 = arith.constant 528 : index
      %get3A_281 = tpu.vector_load %arg7[%get3A_280] {strides = array<i32>} : memref<800xi32, #tpu.memory_space<vmem>>, vector<16xi32>,
      %get3A_282 = vector.shape_cast %get3A_281 : vector<16xi32> to vector<16xi32>
      %and3A_283 = arith.andi %get3A_282, %broadcast_in_dim3A_18 : vector<16xi32>
      %swap3A_284 = arith.constant 528 : index
      %swap3A_285 = tpu.vector_load %arg8[%swap3A_284] {strides = array<i32>} : memref<800xi32, #tpu.memory_space<vmem>>, vector<16xi32>,
      %swap3A_286 = vector.shape_cast %swap3A_285 : vector<16xi32> to vector<16xi32>
      %swap3A_287 = vector.shape_cast %and3A_283 : vector<16xi32> to vector<16xi32>
      tpu.vector_store %arg8[%swap3A_284], %swap3A_287 {strides = array<i32>} : memref<800xi32, #tpu.memory_space<vmem>>, vector<16xi32>,
      %get3A_288 = arith.constant 544 : index
      %get3A_289 = tpu.vector_load %arg7[%get3A_288] {strides = array<i32>} : memref<800xi32, #tpu.memory_space<vmem>>, vector<16xi32>,
      %get3A_290 = vector.shape_cast %get3A_289 : vector<16xi32> to vector<16xi32>
      %and3A_291 = arith.andi %get3A_290, %broadcast_in_dim3A_18 : vector<16xi32>
      %swap3A_292 = arith.constant 544 : index
      %swap3A_293 = tpu.vector_load %arg8[%swap3A_292] {strides = array<i32>} : memref<800xi32, #tpu.memory_space<vmem>>, vector<16xi32>,
      %swap3A_294 = vector.shape_cast %swap3A_293 : vector<16xi32> to vector<16xi32>
      %swap3A_295 = vector.shape_cast %and3A_291 : vector<16xi32> to vector<16xi32>
      tpu.vector_store %arg8[%swap3A_292], %swap3A_295 {strides = array<i32>} : memref<800xi32, #tpu.memory_space<vmem>>, vector<16xi32>,
      %get3A_296 = arith.constant 560 : index
      %get3A_297 = tpu.vector_load %arg7[%get3A_296] {strides = array<i32>} : memref<800xi32, #tpu.memory_space<vmem>>, vector<16xi32>,
      %get3A_298 = vector.shape_cast %get3A_297 : vector<16xi32> to vector<16xi32>
      %and3A_299 = arith.andi %get3A_298, %broadcast_in_dim3A_18 : vector<16xi32>
      %swap3A_300 = arith.constant 560 : index
      %swap3A_301 = tpu.vector_load %arg8[%swap3A_300] {strides = array<i32>} : memref<800xi32, #tpu.memory_space<vmem>>, vector<16xi32>,
      %swap3A_302 = vector.shape_cast %swap3A_301 : vector<16xi32> to vector<16xi32>
      %swap3A_303 = vector.shape_cast %and3A_299 : vector<16xi32> to vector<16xi32>
      tpu.vector_store %arg8[%swap3A_300], %swap3A_303 {strides = array<i32>} : memref<800xi32, #tpu.memory_space<vmem>>, vector<16xi32>,
      %get3A_304 = arith.constant 576 : index
      %get3A_305 = tpu.vector_load %arg7[%get3A_304] {strides = array<i32>} : memref<800xi32, #tpu.memory_space<vmem>>, vector<16xi32>,
      %get3A_306 = vector.shape_cast %get3A_305 : vector<16xi32> to vector<16xi32>
      %and3A_307 = arith.andi %get3A_306, %broadcast_in_dim3A_18 : vector<16xi32>
      %swap3A_308 = arith.constant 576 : index
      %swap3A_309 = tpu.vector_load %arg8[%swap3A_308] {strides = array<i32>} : memref<800xi32, #tpu.memory_space<vmem>>, vector<16xi32>,
      %swap3A_310 = vector.shape_cast %swap3A_309 : vector<16xi32> to vector<16xi32>
      %swap3A_311 = vector.shape_cast %and3A_307 : vector<16xi32> to vector<16xi32>
      tpu.vector_store %arg8[%swap3A_308], %swap3A_311 {strides = array<i32>} : memref<800xi32, #tpu.memory_space<vmem>>, vector<16xi32>,
      %get3A_312 = arith.constant 592 : index
      %get3A_313 = tpu.vector_load %arg7[%get3A_312] {strides = array<i32>} : memref<800xi32, #tpu.memory_space<vmem>>, vector<16xi32>,
      %get3A_314 = vector.shape_cast %get3A_313 : vector<16xi32> to vector<16xi32>
      %and3A_315 = arith.andi %get3A_314, %broadcast_in_dim3A_18 : vector<16xi32>
      %swap3A_316 = arith.constant 592 : index
      %swap3A_317 = tpu.vector_load %arg8[%swap3A_316] {strides = array<i32>} : memref<800xi32, #tpu.memory_space<vmem>>, vector<16xi32>,
      %swap3A_318 = vector.shape_cast %swap3A_317 : vector<16xi32> to vector<16xi32>
      %swap3A_319 = vector.shape_cast %and3A_315 : vector<16xi32> to vector<16xi32>
      tpu.vector_store %arg8[%swap3A_316], %swap3A_319 {strides = array<i32>} : memref<800xi32, #tpu.memory_space<vmem>>, vector<16xi32>,
      %get3A_320 = arith.constant 608 : index
      %get3A_321 = tpu.vector_load %arg7[%get3A_320] {strides = array<i32>} : memref<800xi32, #tpu.memory_space<vmem>>, vector<16xi32>,
      %get3A_322 = vector.shape_cast %get3A_321 : vector<16xi32> to vector<16xi32>
      %and3A_323 = arith.andi %get3A_322, %broadcast_in_dim3A_18 : vector<16xi32>
      %swap3A_324 = arith.constant 608 : index
      %swap3A_325 = tpu.vector_load %arg8[%swap3A_324] {strides = array<i32>} : memref<800xi32, #tpu.memory_space<vmem>>, vector<16xi32>,
      %swap3A_326 = vector.shape_cast %swap3A_325 : vector<16xi32> to vector<16xi32>
      %swap3A_327 = vector.shape_cast %and3A_323 : vector<16xi32> to vector<16xi32>
      tpu.vector_store %arg8[%swap3A_324], %swap3A_327 {strides = array<i32>} : memref<800xi32, #tpu.memory_space<vmem>>, vector<16xi32>,
      %get3A_328 = arith.constant 624 : index
      %get3A_329 = tpu.vector_load %arg7[%get3A_328] {strides = array<i32>} : memref<800xi32, #tpu.memory_space<vmem>>, vector<16xi32>,
      %get3A_330 = vector.shape_cast %get3A_329 : vector<16xi32> to vector<16xi32>
      %and3A_331 = arith.andi %get3A_330, %broadcast_in_dim3A_18 : vector<16xi32>
      %swap3A_332 = arith.constant 624 : index
      %swap3A_333 = tpu.vector_load %arg8[%swap3A_332] {strides = array<i32>} : memref<800xi32, #tpu.memory_space<vmem>>, vector<16xi32>,
      %swap3A_334 = vector.shape_cast %swap3A_333 : vector<16xi32> to vector<16xi32>
      %swap3A_335 = vector.shape_cast %and3A_331 : vector<16xi32> to vector<16xi32>
      tpu.vector_store %arg8[%swap3A_332], %swap3A_335 {strides = array<i32>} : memref<800xi32, #tpu.memory_space<vmem>>, vector<16xi32>,
      %get3A_336 = arith.constant 640 : index
      %get3A_337 = tpu.vector_load %arg7[%get3A_336] {strides = array<i32>} : memref<800xi32, #tpu.memory_space<vmem>>, vector<16xi32>,
      %get3A_338 = vector.shape_cast %get3A_337 : vector<16xi32> to vector<16xi32>
      %and3A_339 = arith.andi %get3A_338, %broadcast_in_dim3A_18 : vector<16xi32>
      %swap3A_340 = arith.constant 640 : index
      %swap3A_341 = tpu.vector_load %arg8[%swap3A_340] {strides = array<i32>} : memref<800xi32, #tpu.memory_space<vmem>>, vector<16xi32>,
      %swap3A_342 = vector.shape_cast %swap3A_341 : vector<16xi32> to vector<16xi32>
      %swap3A_343 = vector.shape_cast %and3A_339 : vector<16xi32> to vector<16xi32>
      tpu.vector_store %arg8[%swap3A_340], %swap3A_343 {strides = array<i32>} : memref<800xi32, #tpu.memory_space<vmem>>, vector<16xi32>,
      %get3A_344 = arith.constant 656 : index
      %get3A_345 = tpu.vector_load %arg7[%get3A_344] {strides = array<i32>} : memref<800xi32, #tpu.memory_space<vmem>>, vector<16xi32>,
      %get3A_346 = vector.shape_cast %get3A_345 : vector<16xi32> to vector<16xi32>
      %and3A_347 = arith.andi %get3A_346, %broadcast_in_dim3A_18 : vector<16xi32>
      %swap3A_348 = arith.constant 656 : index
      %swap3A_349 = tpu.vector_load %arg8[%swap3A_348] {strides = array<i32>} : memref<800xi32, #tpu.memory_space<vmem>>, vector<16xi32>,
      %swap3A_350 = vector.shape_cast %swap3A_349 : vector<16xi32> to vector<16xi32>
      %swap3A_351 = vector.shape_cast %and3A_347 : vector<16xi32> to vector<16xi32>
      tpu.vector_store %arg8[%swap3A_348], %swap3A_351 {strides = array<i32>} : memref<800xi32, #tpu.memory_space<vmem>>, vector<16xi32>,
      %get3A_352 = arith.constant 672 : index
      %get3A_353 = tpu.vector_load %arg7[%get3A_352] {strides = array<i32>} : memref<800xi32, #tpu.memory_space<vmem>>, vector<16xi32>,
      %get3A_354 = vector.shape_cast %get3A_353 : vector<16xi32> to vector<16xi32>
      %and3A_355 = arith.andi %get3A_354, %broadcast_in_dim3A_18 : vector<16xi32>
      %swap3A_356 = arith.constant 672 : index
      %swap3A_357 = tpu.vector_load %arg8[%swap3A_356] {strides = array<i32>} : memref<800xi32, #tpu.memory_space<vmem>>, vector<16xi32>,
      %swap3A_358 = vector.shape_cast %swap3A_357 : vector<16xi32> to vector<16xi32>
      %swap3A_359 = vector.shape_cast %and3A_355 : vector<16xi32> to vector<16xi32>
      tpu.vector_store %arg8[%swap3A_356], %swap3A_359 {strides = array<i32>} : memref<800xi32, #tpu.memory_space<vmem>>, vector<16xi32>,
      %get3A_360 = arith.constant 688 : index
      %get3A_361 = tpu.vector_load %arg7[%get3A_360] {strides = array<i32>} : memref<800xi32, #tpu.memory_space<vmem>>, vector<16xi32>,
      %get3A_362 = vector.shape_cast %get3A_361 : vector<16xi32> to vector<16xi32>
      %and3A_363 = arith.andi %get3A_362, %broadcast_in_dim3A_18 : vector<16xi32>
      %swap3A_364 = arith.constant 688 : index
      %swap3A_365 = tpu.vector_load %arg8[%swap3A_364] {strides = array<i32>} : memref<800xi32, #tpu.memory_space<vmem>>, vector<16xi32>,
      %swap3A_366 = vector.shape_cast %swap3A_365 : vector<16xi32> to vector<16xi32>
      %swap3A_367 = vector.shape_cast %and3A_363 : vector<16xi32> to vector<16xi32>
      tpu.vector_store %arg8[%swap3A_364], %swap3A_367 {strides = array<i32>} : memref<800xi32, #tpu.memory_space<vmem>>, vector<16xi32>,
      %get3A_368 = arith.constant 704 : index
      %get3A_369 = tpu.vector_load %arg7[%get3A_368] {strides = array<i32>} : memref<800xi32, #tpu.memory_space<vmem>>, vector<16xi32>,
      %get3A_370 = vector.shape_cast %get3A_369 : vector<16xi32> to vector<16xi32>
      %and3A_371 = arith.andi %get3A_370, %broadcast_in_dim3A_18 : vector<16xi32>
      %swap3A_372 = arith.constant 704 : index
      %swap3A_373 = tpu.vector_load %arg8[%swap3A_372] {strides = array<i32>} : memref<800xi32, #tpu.memory_space<vmem>>, vector<16xi32>,
      %swap3A_374 = vector.shape_cast %swap3A_373 : vector<16xi32> to vector<16xi32>
      %swap3A_375 = vector.shape_cast %and3A_371 : vector<16xi32> to vector<16xi32>
      tpu.vector_store %arg8[%swap3A_372], %swap3A_375 {strides = array<i32>} : memref<800xi32, #tpu.memory_space<vmem>>, vector<16xi32>,
      %get3A_376 = arith.constant 720 : index
      %get3A_377 = tpu.vector_load %arg7[%get3A_376] {strides = array<i32>} : memref<800xi32, #tpu.memory_space<vmem>>, vector<16xi32>,
      %get3A_378 = vector.shape_cast %get3A_377 : vector<16xi32> to vector<16xi32>
      %and3A_379 = arith.andi %get3A_378, %broadcast_in_dim3A_18 : vector<16xi32>
      %swap3A_380 = arith.constant 720 : index
      %swap3A_381 = tpu.vector_load %arg8[%swap3A_380] {strides = array<i32>} : memref<800xi32, #tpu.memory_space<vmem>>, vector<16xi32>,
      %swap3A_382 = vector.shape_cast %swap3A_381 : vector<16xi32> to vector<16xi32>
      %swap3A_383 = vector.shape_cast %and3A_379 : vector<16xi32> to vector<16xi32>
      tpu.vector_store %arg8[%swap3A_380], %swap3A_383 {strides = array<i32>} : memref<800xi32, #tpu.memory_space<vmem>>, vector<16xi32>,
      %get3A_384 = arith.constant 736 : index
      %get3A_385 = tpu.vector_load %arg7[%get3A_384] {strides = array<i32>} : memref<800xi32, #tpu.memory_space<vmem>>, vector<16xi32>,
      %get3A_386 = vector.shape_cast %get3A_385 : vector<16xi32> to vector<16xi32>
      %and3A_387 = arith.andi %get3A_386, %broadcast_in_dim3A_18 : vector<16xi32>
      %swap3A_388 = arith.constant 736 : index
      %swap3A_389 = tpu.vector_load %arg8[%swap3A_388] {strides = array<i32>} : memref<800xi32, #tpu.memory_space<vmem>>, vector<16xi32>,
      %swap3A_390 = vector.shape_cast %swap3A_389 : vector<16xi32> to vector<16xi32>
      %swap3A_391 = vector.shape_cast %and3A_387 : vector<16xi32> to vector<16xi32>
      tpu.vector_store %arg8[%swap3A_388], %swap3A_391 {strides = array<i32>} : memref<800xi32, #tpu.memory_space<vmem>>, vector<16xi32>,
      %get3A_392 = arith.constant 752 : index
      %get3A_393 = tpu.vector_load %arg7[%get3A_392] {strides = array<i32>} : memref<800xi32, #tpu.memory_space<vmem>>, vector<16xi32>,
      %get3A_394 = vector.shape_cast %get3A_393 : vector<16xi32> to vector<16xi32>
      %and3A_395 = arith.andi %get3A_394, %broadcast_in_dim3A_18 : vector<16xi32>
      %swap3A_396 = arith.constant 752 : index
      %swap3A_397 = tpu.vector_load %arg8[%swap3A_396] {strides = array<i32>} : memref<800xi32, #tpu.memory_space<vmem>>, vector<16xi32>,
      %swap3A_398 = vector.shape_cast %swap3A_397 : vector<16xi32> to vector<16xi32>
      %swap3A_399 = vector.shape_cast %and3A_395 : vector<16xi32> to vector<16xi32>
      tpu.vector_store %arg8[%swap3A_396], %swap3A_399 {strides = array<i32>} : memref<800xi32, #tpu.memory_space<vmem>>, vector<16xi32>,
      %get3A_400 = arith.constant 768 : index
      %get3A_401 = tpu.vector_load %arg7[%get3A_400] {strides = array<i32>} : memref<800xi32, #tpu.memory_space<vmem>>, vector<16xi32>,
      %get3A_402 = vector.shape_cast %get3A_401 : vector<16xi32> to vector<16xi32>
      %and3A_403 = arith.andi %get3A_402, %broadcast_in_dim3A_18 : vector<16xi32>
      %swap3A_404 = arith.constant 768 : index
      %swap3A_405 = tpu.vector_load %arg8[%swap3A_404] {strides = array<i32>} : memref<800xi32, #tpu.memory_space<vmem>>, vector<16xi32>,
      %swap3A_406 = vector.shape_cast %swap3A_405 : vector<16xi32> to vector<16xi32>
      %swap3A_407 = vector.shape_cast %and3A_403 : vector<16xi32> to vector<16xi32>
      tpu.vector_store %arg8[%swap3A_404], %swap3A_407 {strides = array<i32>} : memref<800xi32, #tpu.memory_space<vmem>>, vector<16xi32>,
      %get3A_408 = arith.constant 784 : index
      %get3A_409 = tpu.vector_load %arg7[%get3A_408] {strides = array<i32>} : memref<800xi32, #tpu.memory_space<vmem>>, vector<16xi32>,
      %get3A_410 = vector.shape_cast %get3A_409 : vector<16xi32> to vector<16xi32>
      %and3A_411 = arith.andi %get3A_410, %broadcast_in_dim3A_18 : vector<16xi32>
      %swap3A_412 = arith.constant 784 : index
      %swap3A_413 = tpu.vector_load %arg8[%swap3A_412] {strides = array<i32>} : memref<800xi32, #tpu.memory_space<vmem>>, vector<16xi32>,
      %swap3A_414 = vector.shape_cast %swap3A_413 : vector<16xi32> to vector<16xi32>
      %swap3A_415 = vector.shape_cast %and3A_411 : vector<16xi32> to vector<16xi32>
      tpu.vector_store %arg8[%swap3A_412], %swap3A_415 {strides = array<i32>} : memref<800xi32, #tpu.memory_space<vmem>>, vector<16xi32>,
      %dma_start3A = arith.constant 0 : i32
      %dma_start3A_416 = arith.constant 0 : i32
      %dma_start3A_417 = tpu.memref_slice %arg5[%dma_start3A, %dma_start3A_416] : memref<262144x128xi32, #tpu.memory_space<hbm>> -> memref<262144x128xi32, #tpu.memory_space<hbm>>
      tpu.enqueue_indirect_dma source(%dma_start3A_417 : memref<262144x128xi32, #tpu.memory_space<hbm>>) target(%arg11 : memref<800x128xi32, #tpu.memory_space<vmem>>) offsets(%arg8 : memref<800xi32, #tpu.memory_space<vmem>>) semaphore(%arg13 : memref<!tpu.dma_semaphore, #tpu.memory_space<semaphore_mem>>)
      %dma_wait3A = arith.constant 0 : i32
      %dma_wait3A_418 = arith.constant 0 : i32
      %dma_wait3A_419 = tpu.memref_slice %arg5[%dma_wait3A, %dma_wait3A_418] : memref<262144x128xi32, #tpu.memory_space<hbm>> -> memref<262144x128xi32, #tpu.memory_space<hbm>>
      tpu.wait_indirect_dma semaphore(%arg13 : memref<!tpu.dma_semaphore, #tpu.memory_space<semaphore_mem>>) src(%dma_wait3A_419 : memref<262144x128xi32, #tpu.memory_space<hbm>>) dst(%arg11 : memref<800x128xi32, #tpu.memory_space<vmem>>)
      %broadcast_in_dim3A_420 = arith.constant -65536 : i32
      %broadcast_in_dim3A_421 = vector.broadcast %broadcast_in_dim3A_420 : i32 to vector<16xi32>
      %scan3A_422 = arith.constant 0 : i32
      %scan3A_423 = arith.constant 0 : i32
      %scan3A_424 = arith.constant 16 : i32
      %scan3A_425 = arith.addi %scan3A_423, %scan3A_424 : i32
      %scan3A_426 = arith.constant 1 : i32
      scf.for %scan3A_446 = %scan3A_423 to %scan3A_425 step %scan3A_426  : i32 {
        %mul3A_447 = arith.constant 50 : i32
        %mul3A_448 = arith.muli %scan3A_446, %mul3A_447 : i32
        %mul3A_449 = arith.constant 64 : i32
        %mul3A_450 = arith.muli %scan3A_446, %mul3A_449 : i32
        %broadcast_in_dim3A_451 = arith.constant 0.000000e+00 : f32
        %broadcast_in_dim3A_452 = vector.broadcast %broadcast_in_dim3A_451 : f32 to vector<16xf32>
        %add3A_453 = arith.constant 0 : i32
        %add3A_454 = arith.addi %mul3A_450, %add3A_453 : i32
        %get3A_455 = arith.index_cast %add3A_454 : i32 to index
        %get3A_456 = tpu.vector_load %arg10[%get3A_455] {strides = array<i32>} : memref<1024xf32, #tpu.memory_space<vmem>>, vector<16xf32>,
        %get3A_457 = vector.shape_cast %get3A_456 : vector<16xf32> to vector<16xf32>
        %get3A_458 = arith.index_cast %add3A_454 : i32 to index
        %get3A_459 = tpu.vector_load %arg9[%get3A_458] {strides = array<i32>} : memref<1024xi32, #tpu.memory_space<vmem>>, vector<16xi32>,
        %get3A_460 = vector.shape_cast %get3A_459 : vector<16xi32> to vector<16xi32>
        %shift_right_logical3A = arith.constant 18 : i32
        %shift_right_logical3A_461 = vector.broadcast %shift_right_logical3A : i32 to vector<16xi32>
        %shift_right_logical3A_462 = arith.shrui %get3A_460, %shift_right_logical3A_461 : vector<16xi32>
        %shift_left3A = arith.constant 5 : i32
        %shift_left3A_463 = vector.broadcast %shift_left3A : i32 to vector<16xi32>
        %shift_left3A_464 = arith.shli %shift_right_logical3A_462, %shift_left3A_463 : vector<16xi32>
        %slice3A = vector.extract_strided_slice %get3A_457 {offsets = [0], sizes = [1], strides = [1]} : vector<16xf32> to vector<1xf32>
        %squeeze3A = vector.extract %slice3A[0] : f32 from vector<1xf32>
        %broadcast_in_dim3A_465 = vector.broadcast %squeeze3A : f32 to vector<16xf32>
        %slice3A_466 = vector.extract_strided_slice %shift_left3A_464 {offsets = [0], sizes = [1], strides = [1]} : vector<16xi32> to vector<1xi32>
        %squeeze3A_467 = vector.extract %slice3A_466[0] : i32 from vector<1xi32>
        %add3A_468 = arith.constant 0 : i32
        %add3A_469 = arith.addi %mul3A_448, %add3A_468 : i32
        %add3A_470 = arith.constant 0 : i32
        %add3A_471 = arith.addi %add3A_469, %add3A_470 : i32
        %add3A_472 = arith.constant 0 : i32
        %add3A_473 = arith.addi %squeeze3A_467, %add3A_472 : i32
        %get3A_474 = arith.index_cast %add3A_471 : i32 to index
        %get3A_475 = arith.index_cast %add3A_473 : i32 to index
        %get3A_476 = tpu.vector_load %arg11[%get3A_474, %get3A_475] {strides = array<i32>} : memref<800x128xi32, #tpu.memory_space<vmem>>, vector<1x16xi32>,
        %get3A_477 = vector.shape_cast %get3A_476 : vector<1x16xi32> to vector<16xi32>
        %shift_left3A_478 = arith.constant 16 : i32
        %shift_left3A_479 = vector.broadcast %shift_left3A_478 : i32 to vector<16xi32>
        %shift_left3A_480 = arith.shli %get3A_477, %shift_left3A_479 : vector<16xi32>
        %bitcast_convert_type3A = tpu.bitcast %shift_left3A_480 : vector<16xi32> -> vector<16xf32>
        %and3A_481 = arith.andi %get3A_477, %broadcast_in_dim3A_421 : vector<16xi32>
        %bitcast_convert_type3A_482 = tpu.bitcast %and3A_481 : vector<16xi32> -> vector<16xf32>
        %mul3A_483 = arith.mulf %broadcast_in_dim3A_465, %bitcast_convert_type3A : vector<16xf32>
        %add3A_484 = arith.addf %broadcast_in_dim3A_452, %mul3A_483 : vector<16xf32>
        %mul3A_485 = arith.mulf %broadcast_in_dim3A_465, %bitcast_convert_type3A_482 : vector<16xf32>
        %add3A_486 = arith.addf %broadcast_in_dim3A_452, %mul3A_485 : vector<16xf32>
        %add3A_487 = arith.constant 16 : i32
        %add3A_488 = arith.addi %squeeze3A_467, %add3A_487 : i32
        %get3A_489 = arith.index_cast %add3A_471 : i32 to index
        %get3A_490 = arith.index_cast %add3A_488 : i32 to index
        %get3A_491 = tpu.vector_load %arg11[%get3A_489, %get3A_490] {strides = array<i32>} : memref<800x128xi32, #tpu.memory_space<vmem>>, vector<1x16xi32>,
        %get3A_492 = vector.shape_cast %get3A_491 : vector<1x16xi32> to vector<16xi32>
        %shift_left3A_493 = arith.constant 16 : i32
        %shift_left3A_494 = vector.broadcast %shift_left3A_493 : i32 to vector<16xi32>
        %shift_left3A_495 = arith.shli %get3A_492, %shift_left3A_494 : vector<16xi32>
        %bitcast_convert_type3A_496 = tpu.bitcast %shift_left3A_495 : vector<16xi32> -> vector<16xf32>
        %and3A_497 = arith.andi %get3A_492, %broadcast_in_dim3A_421 : vector<16xi32>
        %bitcast_convert_type3A_498 = tpu.bitcast %and3A_497 : vector<16xi32> -> vector<16xf32>
        %mul3A_499 = arith.mulf %broadcast_in_dim3A_465, %bitcast_convert_type3A_496 : vector<16xf32>
        %add3A_500 = arith.addf %broadcast_in_dim3A_452, %mul3A_499 : vector<16xf32>
        %mul3A_501 = arith.mulf %broadcast_in_dim3A_465, %bitcast_convert_type3A_498 : vector<16xf32>
        %add3A_502 = arith.addf %broadcast_in_dim3A_452, %mul3A_501 : vector<16xf32>
        %slice3A_503 = vector.extract_strided_slice %get3A_457 {offsets = [1], sizes = [1], strides = [1]} : vector<16xf32> to vector<1xf32>
        %squeeze3A_504 = vector.extract %slice3A_503[0] : f32 from vector<1xf32>
        %broadcast_in_dim3A_505 = vector.broadcast %squeeze3A_504 : f32 to vector<16xf32>
        %slice3A_506 = vector.extract_strided_slice %shift_left3A_464 {offsets = [1], sizes = [1], strides = [1]} : vector<16xi32> to vector<1xi32>
        %squeeze3A_507 = vector.extract %slice3A_506[0] : i32 from vector<1xi32>
        %add3A_508 = arith.constant 0 : i32
        %add3A_509 = arith.addi %mul3A_448, %add3A_508 : i32
        %add3A_510 = arith.constant 1 : i32
        %add3A_511 = arith.addi %add3A_509, %add3A_510 : i32
        %add3A_512 = arith.constant 0 : i32
        %add3A_513 = arith.addi %squeeze3A_507, %add3A_512 : i32
        %get3A_514 = arith.index_cast %add3A_511 : i32 to index
        %get3A_515 = arith.index_cast %add3A_513 : i32 to index
        %get3A_516 = tpu.vector_load %arg11[%get3A_514, %get3A_515] {strides = array<i32>} : memref<800x128xi32, #tpu.memory_space<vmem>>, vector<1x16xi32>,
        %get3A_517 = vector.shape_cast %get3A_516 : vector<1x16xi32> to vector<16xi32>
        %shift_left3A_518 = arith.constant 16 : i32
        %shift_left3A_519 = vector.broadcast %shift_left3A_518 : i32 to vector<16xi32>
        %shift_left3A_520 = arith.shli %get3A_517, %shift_left3A_519 : vector<16xi32>
        %bitcast_convert_type3A_521 = tpu.bitcast %shift_left3A_520 : vector<16xi32> -> vector<16xf32>
        %and3A_522 = arith.andi %get3A_517, %broadcast_in_dim3A_421 : vector<16xi32>
        %bitcast_convert_type3A_523 = tpu.bitcast %and3A_522 : vector<16xi32> -> vector<16xf32>
        %mul3A_524 = arith.mulf %broadcast_in_dim3A_505, %bitcast_convert_type3A_521 : vector<16xf32>
        %add3A_525 = arith.addf %add3A_484, %mul3A_524 : vector<16xf32>
        %mul3A_526 = arith.mulf %broadcast_in_dim3A_505, %bitcast_convert_type3A_523 : vector<16xf32>
        %add3A_527 = arith.addf %add3A_486, %mul3A_526 : vector<16xf32>
        %add3A_528 = arith.constant 16 : i32
        %add3A_529 = arith.addi %squeeze3A_507, %add3A_528 : i32
        %get3A_530 = arith.index_cast %add3A_511 : i32 to index
        %get3A_531 = arith.index_cast %add3A_529 : i32 to index
        %get3A_532 = tpu.vector_load %arg11[%get3A_530, %get3A_531] {strides = array<i32>} : memref<800x128xi32, #tpu.memory_space<vmem>>, vector<1x16xi32>,
        %get3A_533 = vector.shape_cast %get3A_532 : vector<1x16xi32> to vector<16xi32>
        %shift_left3A_534 = arith.constant 16 : i32
        %shift_left3A_535 = vector.broadcast %shift_left3A_534 : i32 to vector<16xi32>
        %shift_left3A_536 = arith.shli %get3A_533, %shift_left3A_535 : vector<16xi32>
        %bitcast_convert_type3A_537 = tpu.bitcast %shift_left3A_536 : vector<16xi32> -> vector<16xf32>
        %and3A_538 = arith.andi %get3A_533, %broadcast_in_dim3A_421 : vector<16xi32>
        %bitcast_convert_type3A_539 = tpu.bitcast %and3A_538 : vector<16xi32> -> vector<16xf32>
        %mul3A_540 = arith.mulf %broadcast_in_dim3A_505, %bitcast_convert_type3A_537 : vector<16xf32>
        %add3A_541 = arith.addf %add3A_500, %mul3A_540 : vector<16xf32>
        %mul3A_542 = arith.mulf %broadcast_in_dim3A_505, %bitcast_convert_type3A_539 : vector<16xf32>
        %add3A_543 = arith.addf %add3A_502, %mul3A_542 : vector<16xf32>
        %slice3A_544 = vector.extract_strided_slice %get3A_457 {offsets = [2], sizes = [1], strides = [1]} : vector<16xf32> to vector<1xf32>
        %squeeze3A_545 = vector.extract %slice3A_544[0] : f32 from vector<1xf32>
        %broadcast_in_dim3A_546 = vector.broadcast %squeeze3A_545 : f32 to vector<16xf32>
        %slice3A_547 = vector.extract_strided_slice %shift_left3A_464 {offsets = [2], sizes = [1], strides = [1]} : vector<16xi32> to vector<1xi32>
        %squeeze3A_548 = vector.extract %slice3A_547[0] : i32 from vector<1xi32>
        %add3A_549 = arith.constant 0 : i32
        %add3A_550 = arith.addi %mul3A_448, %add3A_549 : i32
        %add3A_551 = arith.constant 2 : i32
        %add3A_552 = arith.addi %add3A_550, %add3A_551 : i32
        %add3A_553 = arith.constant 0 : i32
        %add3A_554 = arith.addi %squeeze3A_548, %add3A_553 : i32
        %get3A_555 = arith.index_cast %add3A_552 : i32 to index
        %get3A_556 = arith.index_cast %add3A_554 : i32 to index
        %get3A_557 = tpu.vector_load %arg11[%get3A_555, %get3A_556] {strides = array<i32>} : memref<800x128xi32, #tpu.memory_space<vmem>>, vector<1x16xi32>,
        %get3A_558 = vector.shape_cast %get3A_557 : vector<1x16xi32> to vector<16xi32>
        %shift_left3A_559 = arith.constant 16 : i32
        %shift_left3A_560 = vector.broadcast %shift_left3A_559 : i32 to vector<16xi32>
        %shift_left3A_561 = arith.shli %get3A_558, %shift_left3A_560 : vector<16xi32>
        %bitcast_convert_type3A_562 = tpu.bitcast %shift_left3A_561 : vector<16xi32> -> vector<16xf32>
        %and3A_563 = arith.andi %get3A_558, %broadcast_in_dim3A_421 : vector<16xi32>
        %bitcast_convert_type3A_564 = tpu.bitcast %and3A_563 : vector<16xi32> -> vector<16xf32>
        %mul3A_565 = arith.mulf %broadcast_in_dim3A_546, %bitcast_convert_type3A_562 : vector<16xf32>
        %add3A_566 = arith.addf %add3A_525, %mul3A_565 : vector<16xf32>
        %mul3A_567 = arith.mulf %broadcast_in_dim3A_546, %bitcast_convert_type3A_564 : vector<16xf32>
        %add3A_568 = arith.addf %add3A_527, %mul3A_567 : vector<16xf32>
        %add3A_569 = arith.constant 16 : i32
        %add3A_570 = arith.addi %squeeze3A_548, %add3A_569 : i32
        %get3A_571 = arith.index_cast %add3A_552 : i32 to index
        %get3A_572 = arith.index_cast %add3A_570 : i32 to index
        %get3A_573 = tpu.vector_load %arg11[%get3A_571, %get3A_572] {strides = array<i32>} : memref<800x128xi32, #tpu.memory_space<vmem>>, vector<1x16xi32>,
        %get3A_574 = vector.shape_cast %get3A_573 : vector<1x16xi32> to vector<16xi32>
        %shift_left3A_575 = arith.constant 16 : i32
        %shift_left3A_576 = vector.broadcast %shift_left3A_575 : i32 to vector<16xi32>
        %shift_left3A_577 = arith.shli %get3A_574, %shift_left3A_576 : vector<16xi32>
        %bitcast_convert_type3A_578 = tpu.bitcast %shift_left3A_577 : vector<16xi32> -> vector<16xf32>
        %and3A_579 = arith.andi %get3A_574, %broadcast_in_dim3A_421 : vector<16xi32>
        %bitcast_convert_type3A_580 = tpu.bitcast %and3A_579 : vector<16xi32> -> vector<16xf32>
        %mul3A_581 = arith.mulf %broadcast_in_dim3A_546, %bitcast_convert_type3A_578 : vector<16xf32>
        %add3A_582 = arith.addf %add3A_541, %mul3A_581 : vector<16xf32>
        %mul3A_583 = arith.mulf %broadcast_in_dim3A_546, %bitcast_convert_type3A_580 : vector<16xf32>
        %add3A_584 = arith.addf %add3A_543, %mul3A_583 : vector<16xf32>
        %slice3A_585 = vector.extract_strided_slice %get3A_457 {offsets = [3], sizes = [1], strides = [1]} : vector<16xf32> to vector<1xf32>
        %squeeze3A_586 = vector.extract %slice3A_585[0] : f32 from vector<1xf32>
        %broadcast_in_dim3A_587 = vector.broadcast %squeeze3A_586 : f32 to vector<16xf32>
        %slice3A_588 = vector.extract_strided_slice %shift_left3A_464 {offsets = [3], sizes = [1], strides = [1]} : vector<16xi32> to vector<1xi32>
        %squeeze3A_589 = vector.extract %slice3A_588[0] : i32 from vector<1xi32>
        %add3A_590 = arith.constant 0 : i32
        %add3A_591 = arith.addi %mul3A_448, %add3A_590 : i32
        %add3A_592 = arith.constant 3 : i32
        %add3A_593 = arith.addi %add3A_591, %add3A_592 : i32
        %add3A_594 = arith.constant 0 : i32
        %add3A_595 = arith.addi %squeeze3A_589, %add3A_594 : i32
        %get3A_596 = arith.index_cast %add3A_593 : i32 to index
        %get3A_597 = arith.index_cast %add3A_595 : i32 to index
        %get3A_598 = tpu.vector_load %arg11[%get3A_596, %get3A_597] {strides = array<i32>} : memref<800x128xi32, #tpu.memory_space<vmem>>, vector<1x16xi32>,
        %get3A_599 = vector.shape_cast %get3A_598 : vector<1x16xi32> to vector<16xi32>
        %shift_left3A_600 = arith.constant 16 : i32
        %shift_left3A_601 = vector.broadcast %shift_left3A_600 : i32 to vector<16xi32>
        %shift_left3A_602 = arith.shli %get3A_599, %shift_left3A_601 : vector<16xi32>
        %bitcast_convert_type3A_603 = tpu.bitcast %shift_left3A_602 : vector<16xi32> -> vector<16xf32>
        %and3A_604 = arith.andi %get3A_599, %broadcast_in_dim3A_421 : vector<16xi32>
        %bitcast_convert_type3A_605 = tpu.bitcast %and3A_604 : vector<16xi32> -> vector<16xf32>
        %mul3A_606 = arith.mulf %broadcast_in_dim3A_587, %bitcast_convert_type3A_603 : vector<16xf32>
        %add3A_607 = arith.addf %add3A_566, %mul3A_606 : vector<16xf32>
        %mul3A_608 = arith.mulf %broadcast_in_dim3A_587, %bitcast_convert_type3A_605 : vector<16xf32>
        %add3A_609 = arith.addf %add3A_568, %mul3A_608 : vector<16xf32>
        %add3A_610 = arith.constant 16 : i32
        %add3A_611 = arith.addi %squeeze3A_589, %add3A_610 : i32
        %get3A_612 = arith.index_cast %add3A_593 : i32 to index
        %get3A_613 = arith.index_cast %add3A_611 : i32 to index
        %get3A_614 = tpu.vector_load %arg11[%get3A_612, %get3A_613] {strides = array<i32>} : memref<800x128xi32, #tpu.memory_space<vmem>>, vector<1x16xi32>,
        %get3A_615 = vector.shape_cast %get3A_614 : vector<1x16xi32> to vector<16xi32>
        %shift_left3A_616 = arith.constant 16 : i32
        %shift_left3A_617 = vector.broadcast %shift_left3A_616 : i32 to vector<16xi32>
        %shift_left3A_618 = arith.shli %get3A_615, %shift_left3A_617 : vector<16xi32>
        %bitcast_convert_type3A_619 = tpu.bitcast %shift_left3A_618 : vector<16xi32> -> vector<16xf32>
        %and3A_620 = arith.andi %get3A_615, %broadcast_in_dim3A_421 : vector<16xi32>
        %bitcast_convert_type3A_621 = tpu.bitcast %and3A_620 : vector<16xi32> -> vector<16xf32>
        %mul3A_622 = arith.mulf %broadcast_in_dim3A_587, %bitcast_convert_type3A_619 : vector<16xf32>
        %add3A_623 = arith.addf %add3A_582, %mul3A_622 : vector<16xf32>
        %mul3A_624 = arith.mulf %broadcast_in_dim3A_587, %bitcast_convert_type3A_621 : vector<16xf32>
        %add3A_625 = arith.addf %add3A_584, %mul3A_624 : vector<16xf32>
        %slice3A_626 = vector.extract_strided_slice %get3A_457 {offsets = [4], sizes = [1], strides = [1]} : vector<16xf32> to vector<1xf32>
        %squeeze3A_627 = vector.extract %slice3A_626[0] : f32 from vector<1xf32>
        %broadcast_in_dim3A_628 = vector.broadcast %squeeze3A_627 : f32 to vector<16xf32>
        %slice3A_629 = vector.extract_strided_slice %shift_left3A_464 {offsets = [4], sizes = [1], strides = [1]} : vector<16xi32> to vector<1xi32>
        %squeeze3A_630 = vector.extract %slice3A_629[0] : i32 from vector<1xi32>
        %add3A_631 = arith.constant 0 : i32
        %add3A_632 = arith.addi %mul3A_448, %add3A_631 : i32
        %add3A_633 = arith.constant 4 : i32
        %add3A_634 = arith.addi %add3A_632, %add3A_633 : i32
        %add3A_635 = arith.constant 0 : i32
        %add3A_636 = arith.addi %squeeze3A_630, %add3A_635 : i32
        %get3A_637 = arith.index_cast %add3A_634 : i32 to index
        %get3A_638 = arith.index_cast %add3A_636 : i32 to index
        %get3A_639 = tpu.vector_load %arg11[%get3A_637, %get3A_638] {strides = array<i32>} : memref<800x128xi32, #tpu.memory_space<vmem>>, vector<1x16xi32>,
        %get3A_640 = vector.shape_cast %get3A_639 : vector<1x16xi32> to vector<16xi32>
        %shift_left3A_641 = arith.constant 16 : i32
        %shift_left3A_642 = vector.broadcast %shift_left3A_641 : i32 to vector<16xi32>
        %shift_left3A_643 = arith.shli %get3A_640, %shift_left3A_642 : vector<16xi32>
        %bitcast_convert_type3A_644 = tpu.bitcast %shift_left3A_643 : vector<16xi32> -> vector<16xf32>
        %and3A_645 = arith.andi %get3A_640, %broadcast_in_dim3A_421 : vector<16xi32>
        %bitcast_convert_type3A_646 = tpu.bitcast %and3A_645 : vector<16xi32> -> vector<16xf32>
        %mul3A_647 = arith.mulf %broadcast_in_dim3A_628, %bitcast_convert_type3A_644 : vector<16xf32>
        %add3A_648 = arith.addf %add3A_607, %mul3A_647 : vector<16xf32>
        %mul3A_649 = arith.mulf %broadcast_in_dim3A_628, %bitcast_convert_type3A_646 : vector<16xf32>
        %add3A_650 = arith.addf %add3A_609, %mul3A_649 : vector<16xf32>
        %add3A_651 = arith.constant 16 : i32
        %add3A_652 = arith.addi %squeeze3A_630, %add3A_651 : i32
        %get3A_653 = arith.index_cast %add3A_634 : i32 to index
        %get3A_654 = arith.index_cast %add3A_652 : i32 to index
        %get3A_655 = tpu.vector_load %arg11[%get3A_653, %get3A_654] {strides = array<i32>} : memref<800x128xi32, #tpu.memory_space<vmem>>, vector<1x16xi32>,
        %get3A_656 = vector.shape_cast %get3A_655 : vector<1x16xi32> to vector<16xi32>
        %shift_left3A_657 = arith.constant 16 : i32
        %shift_left3A_658 = vector.broadcast %shift_left3A_657 : i32 to vector<16xi32>
        %shift_left3A_659 = arith.shli %get3A_656, %shift_left3A_658 : vector<16xi32>
        %bitcast_convert_type3A_660 = tpu.bitcast %shift_left3A_659 : vector<16xi32> -> vector<16xf32>
        %and3A_661 = arith.andi %get3A_656, %broadcast_in_dim3A_421 : vector<16xi32>
        %bitcast_convert_type3A_662 = tpu.bitcast %and3A_661 : vector<16xi32> -> vector<16xf32>
        %mul3A_663 = arith.mulf %broadcast_in_dim3A_628, %bitcast_convert_type3A_660 : vector<16xf32>
        %add3A_664 = arith.addf %add3A_623, %mul3A_663 : vector<16xf32>
        %mul3A_665 = arith.mulf %broadcast_in_dim3A_628, %bitcast_convert_type3A_662 : vector<16xf32>
        %add3A_666 = arith.addf %add3A_625, %mul3A_665 : vector<16xf32>
        %slice3A_667 = vector.extract_strided_slice %get3A_457 {offsets = [5], sizes = [1], strides = [1]} : vector<16xf32> to vector<1xf32>
        %squeeze3A_668 = vector.extract %slice3A_667[0] : f32 from vector<1xf32>
        %broadcast_in_dim3A_669 = vector.broadcast %squeeze3A_668 : f32 to vector<16xf32>
        %slice3A_670 = vector.extract_strided_slice %shift_left3A_464 {offsets = [5], sizes = [1], strides = [1]} : vector<16xi32> to vector<1xi32>
        %squeeze3A_671 = vector.extract %slice3A_670[0] : i32 from vector<1xi32>
        %add3A_672 = arith.constant 0 : i32
        %add3A_673 = arith.addi %mul3A_448, %add3A_672 : i32
        %add3A_674 = arith.constant 5 : i32
        %add3A_675 = arith.addi %add3A_673, %add3A_674 : i32
        %add3A_676 = arith.constant 0 : i32
        %add3A_677 = arith.addi %squeeze3A_671, %add3A_676 : i32
        %get3A_678 = arith.index_cast %add3A_675 : i32 to index
        %get3A_679 = arith.index_cast %add3A_677 : i32 to index
        %get3A_680 = tpu.vector_load %arg11[%get3A_678, %get3A_679] {strides = array<i32>} : memref<800x128xi32, #tpu.memory_space<vmem>>, vector<1x16xi32>,
        %get3A_681 = vector.shape_cast %get3A_680 : vector<1x16xi32> to vector<16xi32>
        %shift_left3A_682 = arith.constant 16 : i32
        %shift_left3A_683 = vector.broadcast %shift_left3A_682 : i32 to vector<16xi32>
        %shift_left3A_684 = arith.shli %get3A_681, %shift_left3A_683 : vector<16xi32>
        %bitcast_convert_type3A_685 = tpu.bitcast %shift_left3A_684 : vector<16xi32> -> vector<16xf32>
        %and3A_686 = arith.andi %get3A_681, %broadcast_in_dim3A_421 : vector<16xi32>
        %bitcast_convert_type3A_687 = tpu.bitcast %and3A_686 : vector<16xi32> -> vector<16xf32>
        %mul3A_688 = arith.mulf %broadcast_in_dim3A_669, %bitcast_convert_type3A_685 : vector<16xf32>
        %add3A_689 = arith.addf %add3A_648, %mul3A_688 : vector<16xf32>
        %mul3A_690 = arith.mulf %broadcast_in_dim3A_669, %bitcast_convert_type3A_687 : vector<16xf32>
        %add3A_691 = arith.addf %add3A_650, %mul3A_690 : vector<16xf32>
        %add3A_692 = arith.constant 16 : i32
        %add3A_693 = arith.addi %squeeze3A_671, %add3A_692 : i32
        %get3A_694 = arith.index_cast %add3A_675 : i32 to index
        %get3A_695 = arith.index_cast %add3A_693 : i32 to index
        %get3A_696 = tpu.vector_load %arg11[%get3A_694, %get3A_695] {strides = array<i32>} : memref<800x128xi32, #tpu.memory_space<vmem>>, vector<1x16xi32>,
        %get3A_697 = vector.shape_cast %get3A_696 : vector<1x16xi32> to vector<16xi32>
        %shift_left3A_698 = arith.constant 16 : i32
        %shift_left3A_699 = vector.broadcast %shift_left3A_698 : i32 to vector<16xi32>
        %shift_left3A_700 = arith.shli %get3A_697, %shift_left3A_699 : vector<16xi32>
        %bitcast_convert_type3A_701 = tpu.bitcast %shift_left3A_700 : vector<16xi32> -> vector<16xf32>
        %and3A_702 = arith.andi %get3A_697, %broadcast_in_dim3A_421 : vector<16xi32>
        %bitcast_convert_type3A_703 = tpu.bitcast %and3A_702 : vector<16xi32> -> vector<16xf32>
        %mul3A_704 = arith.mulf %broadcast_in_dim3A_669, %bitcast_convert_type3A_701 : vector<16xf32>
        %add3A_705 = arith.addf %add3A_664, %mul3A_704 : vector<16xf32>
        %mul3A_706 = arith.mulf %broadcast_in_dim3A_669, %bitcast_convert_type3A_703 : vector<16xf32>
        %add3A_707 = arith.addf %add3A_666, %mul3A_706 : vector<16xf32>
        %slice3A_708 = vector.extract_strided_slice %get3A_457 {offsets = [6], sizes = [1], strides = [1]} : vector<16xf32> to vector<1xf32>
        %squeeze3A_709 = vector.extract %slice3A_708[0] : f32 from vector<1xf32>
        %broadcast_in_dim3A_710 = vector.broadcast %squeeze3A_709 : f32 to vector<16xf32>
        %slice3A_711 = vector.extract_strided_slice %shift_left3A_464 {offsets = [6], sizes = [1], strides = [1]} : vector<16xi32> to vector<1xi32>
        %squeeze3A_712 = vector.extract %slice3A_711[0] : i32 from vector<1xi32>
        %add3A_713 = arith.constant 0 : i32
        %add3A_714 = arith.addi %mul3A_448, %add3A_713 : i32
        %add3A_715 = arith.constant 6 : i32
        %add3A_716 = arith.addi %add3A_714, %add3A_715 : i32
        %add3A_717 = arith.constant 0 : i32
        %add3A_718 = arith.addi %squeeze3A_712, %add3A_717 : i32
        %get3A_719 = arith.index_cast %add3A_716 : i32 to index
        %get3A_720 = arith.index_cast %add3A_718 : i32 to index
        %get3A_721 = tpu.vector_load %arg11[%get3A_719, %get3A_720] {strides = array<i32>} : memref<800x128xi32, #tpu.memory_space<vmem>>, vector<1x16xi32>,
        %get3A_722 = vector.shape_cast %get3A_721 : vector<1x16xi32> to vector<16xi32>
        %shift_left3A_723 = arith.constant 16 : i32
        %shift_left3A_724 = vector.broadcast %shift_left3A_723 : i32 to vector<16xi32>
        %shift_left3A_725 = arith.shli %get3A_722, %shift_left3A_724 : vector<16xi32>
        %bitcast_convert_type3A_726 = tpu.bitcast %shift_left3A_725 : vector<16xi32> -> vector<16xf32>
        %and3A_727 = arith.andi %get3A_722, %broadcast_in_dim3A_421 : vector<16xi32>
        %bitcast_convert_type3A_728 = tpu.bitcast %and3A_727 : vector<16xi32> -> vector<16xf32>
        %mul3A_729 = arith.mulf %broadcast_in_dim3A_710, %bitcast_convert_type3A_726 : vector<16xf32>
        %add3A_730 = arith.addf %add3A_689, %mul3A_729 : vector<16xf32>
        %mul3A_731 = arith.mulf %broadcast_in_dim3A_710, %bitcast_convert_type3A_728 : vector<16xf32>
        %add3A_732 = arith.addf %add3A_691, %mul3A_731 : vector<16xf32>
        %add3A_733 = arith.constant 16 : i32
        %add3A_734 = arith.addi %squeeze3A_712, %add3A_733 : i32
        %get3A_735 = arith.index_cast %add3A_716 : i32 to index
        %get3A_736 = arith.index_cast %add3A_734 : i32 to index
        %get3A_737 = tpu.vector_load %arg11[%get3A_735, %get3A_736] {strides = array<i32>} : memref<800x128xi32, #tpu.memory_space<vmem>>, vector<1x16xi32>,
        %get3A_738 = vector.shape_cast %get3A_737 : vector<1x16xi32> to vector<16xi32>
        %shift_left3A_739 = arith.constant 16 : i32
        %shift_left3A_740 = vector.broadcast %shift_left3A_739 : i32 to vector<16xi32>
        %shift_left3A_741 = arith.shli %get3A_738, %shift_left3A_740 : vector<16xi32>
        %bitcast_convert_type3A_742 = tpu.bitcast %shift_left3A_741 : vector<16xi32> -> vector<16xf32>
        %and3A_743 = arith.andi %get3A_738, %broadcast_in_dim3A_421 : vector<16xi32>
        %bitcast_convert_type3A_744 = tpu.bitcast %and3A_743 : vector<16xi32> -> vector<16xf32>
        %mul3A_745 = arith.mulf %broadcast_in_dim3A_710, %bitcast_convert_type3A_742 : vector<16xf32>
        %add3A_746 = arith.addf %add3A_705, %mul3A_745 : vector<16xf32>
        %mul3A_747 = arith.mulf %broadcast_in_dim3A_710, %bitcast_convert_type3A_744 : vector<16xf32>
        %add3A_748 = arith.addf %add3A_707, %mul3A_747 : vector<16xf32>
        %slice3A_749 = vector.extract_strided_slice %get3A_457 {offsets = [7], sizes = [1], strides = [1]} : vector<16xf32> to vector<1xf32>
        %squeeze3A_750 = vector.extract %slice3A_749[0] : f32 from vector<1xf32>
        %broadcast_in_dim3A_751 = vector.broadcast %squeeze3A_750 : f32 to vector<16xf32>
        %slice3A_752 = vector.extract_strided_slice %shift_left3A_464 {offsets = [7], sizes = [1], strides = [1]} : vector<16xi32> to vector<1xi32>
        %squeeze3A_753 = vector.extract %slice3A_752[0] : i32 from vector<1xi32>
        %add3A_754 = arith.constant 0 : i32
        %add3A_755 = arith.addi %mul3A_448, %add3A_754 : i32
        %add3A_756 = arith.constant 7 : i32
        %add3A_757 = arith.addi %add3A_755, %add3A_756 : i32
        %add3A_758 = arith.constant 0 : i32
        %add3A_759 = arith.addi %squeeze3A_753, %add3A_758 : i32
        %get3A_760 = arith.index_cast %add3A_757 : i32 to index
        %get3A_761 = arith.index_cast %add3A_759 : i32 to index
        %get3A_762 = tpu.vector_load %arg11[%get3A_760, %get3A_761] {strides = array<i32>} : memref<800x128xi32, #tpu.memory_space<vmem>>, vector<1x16xi32>,
        %get3A_763 = vector.shape_cast %get3A_762 : vector<1x16xi32> to vector<16xi32>
        %shift_left3A_764 = arith.constant 16 : i32
        %shift_left3A_765 = vector.broadcast %shift_left3A_764 : i32 to vector<16xi32>
        %shift_left3A_766 = arith.shli %get3A_763, %shift_left3A_765 : vector<16xi32>
        %bitcast_convert_type3A_767 = tpu.bitcast %shift_left3A_766 : vector<16xi32> -> vector<16xf32>
        %and3A_768 = arith.andi %get3A_763, %broadcast_in_dim3A_421 : vector<16xi32>
        %bitcast_convert_type3A_769 = tpu.bitcast %and3A_768 : vector<16xi32> -> vector<16xf32>
        %mul3A_770 = arith.mulf %broadcast_in_dim3A_751, %bitcast_convert_type3A_767 : vector<16xf32>
        %add3A_771 = arith.addf %add3A_730, %mul3A_770 : vector<16xf32>
        %mul3A_772 = arith.mulf %broadcast_in_dim3A_751, %bitcast_convert_type3A_769 : vector<16xf32>
        %add3A_773 = arith.addf %add3A_732, %mul3A_772 : vector<16xf32>
        %add3A_774 = arith.constant 16 : i32
        %add3A_775 = arith.addi %squeeze3A_753, %add3A_774 : i32
        %get3A_776 = arith.index_cast %add3A_757 : i32 to index
        %get3A_777 = arith.index_cast %add3A_775 : i32 to index
        %get3A_778 = tpu.vector_load %arg11[%get3A_776, %get3A_777] {strides = array<i32>} : memref<800x128xi32, #tpu.memory_space<vmem>>, vector<1x16xi32>,
        %get3A_779 = vector.shape_cast %get3A_778 : vector<1x16xi32> to vector<16xi32>
        %shift_left3A_780 = arith.constant 16 : i32
        %shift_left3A_781 = vector.broadcast %shift_left3A_780 : i32 to vector<16xi32>
        %shift_left3A_782 = arith.shli %get3A_779, %shift_left3A_781 : vector<16xi32>
        %bitcast_convert_type3A_783 = tpu.bitcast %shift_left3A_782 : vector<16xi32> -> vector<16xf32>
        %and3A_784 = arith.andi %get3A_779, %broadcast_in_dim3A_421 : vector<16xi32>
        %bitcast_convert_type3A_785 = tpu.bitcast %and3A_784 : vector<16xi32> -> vector<16xf32>
        %mul3A_786 = arith.mulf %broadcast_in_dim3A_751, %bitcast_convert_type3A_783 : vector<16xf32>
        %add3A_787 = arith.addf %add3A_746, %mul3A_786 : vector<16xf32>
        %mul3A_788 = arith.mulf %broadcast_in_dim3A_751, %bitcast_convert_type3A_785 : vector<16xf32>
        %add3A_789 = arith.addf %add3A_748, %mul3A_788 : vector<16xf32>
        %slice3A_790 = vector.extract_strided_slice %get3A_457 {offsets = [8], sizes = [1], strides = [1]} : vector<16xf32> to vector<1xf32>
        %squeeze3A_791 = vector.extract %slice3A_790[0] : f32 from vector<1xf32>
        %broadcast_in_dim3A_792 = vector.broadcast %squeeze3A_791 : f32 to vector<16xf32>
        %slice3A_793 = vector.extract_strided_slice %shift_left3A_464 {offsets = [8], sizes = [1], strides = [1]} : vector<16xi32> to vector<1xi32>
        %squeeze3A_794 = vector.extract %slice3A_793[0] : i32 from vector<1xi32>
        %add3A_795 = arith.constant 0 : i32
        %add3A_796 = arith.addi %mul3A_448, %add3A_795 : i32
        %add3A_797 = arith.constant 8 : i32
        %add3A_798 = arith.addi %add3A_796, %add3A_797 : i32
        %add3A_799 = arith.constant 0 : i32
        %add3A_800 = arith.addi %squeeze3A_794, %add3A_799 : i32
        %get3A_801 = arith.index_cast %add3A_798 : i32 to index
        %get3A_802 = arith.index_cast %add3A_800 : i32 to index
        %get3A_803 = tpu.vector_load %arg11[%get3A_801, %get3A_802] {strides = array<i32>} : memref<800x128xi32, #tpu.memory_space<vmem>>, vector<1x16xi32>,
        %get3A_804 = vector.shape_cast %get3A_803 : vector<1x16xi32> to vector<16xi32>
        %shift_left3A_805 = arith.constant 16 : i32
        %shift_left3A_806 = vector.broadcast %shift_left3A_805 : i32 to vector<16xi32>
        %shift_left3A_807 = arith.shli %get3A_804, %shift_left3A_806 : vector<16xi32>
        %bitcast_convert_type3A_808 = tpu.bitcast %shift_left3A_807 : vector<16xi32> -> vector<16xf32>
        %and3A_809 = arith.andi %get3A_804, %broadcast_in_dim3A_421 : vector<16xi32>
        %bitcast_convert_type3A_810 = tpu.bitcast %and3A_809 : vector<16xi32> -> vector<16xf32>
        %mul3A_811 = arith.mulf %broadcast_in_dim3A_792, %bitcast_convert_type3A_808 : vector<16xf32>
        %add3A_812 = arith.addf %add3A_771, %mul3A_811 : vector<16xf32>
        %mul3A_813 = arith.mulf %broadcast_in_dim3A_792, %bitcast_convert_type3A_810 : vector<16xf32>
        %add3A_814 = arith.addf %add3A_773, %mul3A_813 : vector<16xf32>
        %add3A_815 = arith.constant 16 : i32
        %add3A_816 = arith.addi %squeeze3A_794, %add3A_815 : i32
        %get3A_817 = arith.index_cast %add3A_798 : i32 to index
        %get3A_818 = arith.index_cast %add3A_816 : i32 to index
        %get3A_819 = tpu.vector_load %arg11[%get3A_817, %get3A_818] {strides = array<i32>} : memref<800x128xi32, #tpu.memory_space<vmem>>, vector<1x16xi32>,
        %get3A_820 = vector.shape_cast %get3A_819 : vector<1x16xi32> to vector<16xi32>
        %shift_left3A_821 = arith.constant 16 : i32
        %shift_left3A_822 = vector.broadcast %shift_left3A_821 : i32 to vector<16xi32>
        %shift_left3A_823 = arith.shli %get3A_820, %shift_left3A_822 : vector<16xi32>
        %bitcast_convert_type3A_824 = tpu.bitcast %shift_left3A_823 : vector<16xi32> -> vector<16xf32>
        %and3A_825 = arith.andi %get3A_820, %broadcast_in_dim3A_421 : vector<16xi32>
        %bitcast_convert_type3A_826 = tpu.bitcast %and3A_825 : vector<16xi32> -> vector<16xf32>
        %mul3A_827 = arith.mulf %broadcast_in_dim3A_792, %bitcast_convert_type3A_824 : vector<16xf32>
        %add3A_828 = arith.addf %add3A_787, %mul3A_827 : vector<16xf32>
        %mul3A_829 = arith.mulf %broadcast_in_dim3A_792, %bitcast_convert_type3A_826 : vector<16xf32>
        %add3A_830 = arith.addf %add3A_789, %mul3A_829 : vector<16xf32>
        %slice3A_831 = vector.extract_strided_slice %get3A_457 {offsets = [9], sizes = [1], strides = [1]} : vector<16xf32> to vector<1xf32>
        %squeeze3A_832 = vector.extract %slice3A_831[0] : f32 from vector<1xf32>
        %broadcast_in_dim3A_833 = vector.broadcast %squeeze3A_832 : f32 to vector<16xf32>
        %slice3A_834 = vector.extract_strided_slice %shift_left3A_464 {offsets = [9], sizes = [1], strides = [1]} : vector<16xi32> to vector<1xi32>
        %squeeze3A_835 = vector.extract %slice3A_834[0] : i32 from vector<1xi32>
        %add3A_836 = arith.constant 0 : i32
        %add3A_837 = arith.addi %mul3A_448, %add3A_836 : i32
        %add3A_838 = arith.constant 9 : i32
        %add3A_839 = arith.addi %add3A_837, %add3A_838 : i32
        %add3A_840 = arith.constant 0 : i32
        %add3A_841 = arith.addi %squeeze3A_835, %add3A_840 : i32
        %get3A_842 = arith.index_cast %add3A_839 : i32 to index
        %get3A_843 = arith.index_cast %add3A_841 : i32 to index
        %get3A_844 = tpu.vector_load %arg11[%get3A_842, %get3A_843] {strides = array<i32>} : memref<800x128xi32, #tpu.memory_space<vmem>>, vector<1x16xi32>,
        %get3A_845 = vector.shape_cast %get3A_844 : vector<1x16xi32> to vector<16xi32>
        %shift_left3A_846 = arith.constant 16 : i32
        %shift_left3A_847 = vector.broadcast %shift_left3A_846 : i32 to vector<16xi32>
        %shift_left3A_848 = arith.shli %get3A_845, %shift_left3A_847 : vector<16xi32>
        %bitcast_convert_type3A_849 = tpu.bitcast %shift_left3A_848 : vector<16xi32> -> vector<16xf32>
        %and3A_850 = arith.andi %get3A_845, %broadcast_in_dim3A_421 : vector<16xi32>
        %bitcast_convert_type3A_851 = tpu.bitcast %and3A_850 : vector<16xi32> -> vector<16xf32>
        %mul3A_852 = arith.mulf %broadcast_in_dim3A_833, %bitcast_convert_type3A_849 : vector<16xf32>
        %add3A_853 = arith.addf %add3A_812, %mul3A_852 : vector<16xf32>
        %mul3A_854 = arith.mulf %broadcast_in_dim3A_833, %bitcast_convert_type3A_851 : vector<16xf32>
        %add3A_855 = arith.addf %add3A_814, %mul3A_854 : vector<16xf32>
        %add3A_856 = arith.constant 16 : i32
        %add3A_857 = arith.addi %squeeze3A_835, %add3A_856 : i32
        %get3A_858 = arith.index_cast %add3A_839 : i32 to index
        %get3A_859 = arith.index_cast %add3A_857 : i32 to index
        %get3A_860 = tpu.vector_load %arg11[%get3A_858, %get3A_859] {strides = array<i32>} : memref<800x128xi32, #tpu.memory_space<vmem>>, vector<1x16xi32>,
        %get3A_861 = vector.shape_cast %get3A_860 : vector<1x16xi32> to vector<16xi32>
        %shift_left3A_862 = arith.constant 16 : i32
        %shift_left3A_863 = vector.broadcast %shift_left3A_862 : i32 to vector<16xi32>
        %shift_left3A_864 = arith.shli %get3A_861, %shift_left3A_863 : vector<16xi32>
        %bitcast_convert_type3A_865 = tpu.bitcast %shift_left3A_864 : vector<16xi32> -> vector<16xf32>
        %and3A_866 = arith.andi %get3A_861, %broadcast_in_dim3A_421 : vector<16xi32>
        %bitcast_convert_type3A_867 = tpu.bitcast %and3A_866 : vector<16xi32> -> vector<16xf32>
        %mul3A_868 = arith.mulf %broadcast_in_dim3A_833, %bitcast_convert_type3A_865 : vector<16xf32>
        %add3A_869 = arith.addf %add3A_828, %mul3A_868 : vector<16xf32>
        %mul3A_870 = arith.mulf %broadcast_in_dim3A_833, %bitcast_convert_type3A_867 : vector<16xf32>
        %add3A_871 = arith.addf %add3A_830, %mul3A_870 : vector<16xf32>
        %slice3A_872 = vector.extract_strided_slice %get3A_457 {offsets = [10], sizes = [1], strides = [1]} : vector<16xf32> to vector<1xf32>
        %squeeze3A_873 = vector.extract %slice3A_872[0] : f32 from vector<1xf32>
        %broadcast_in_dim3A_874 = vector.broadcast %squeeze3A_873 : f32 to vector<16xf32>
        %slice3A_875 = vector.extract_strided_slice %shift_left3A_464 {offsets = [10], sizes = [1], strides = [1]} : vector<16xi32> to vector<1xi32>
        %squeeze3A_876 = vector.extract %slice3A_875[0] : i32 from vector<1xi32>
        %add3A_877 = arith.constant 0 : i32
        %add3A_878 = arith.addi %mul3A_448, %add3A_877 : i32
        %add3A_879 = arith.constant 10 : i32
        %add3A_880 = arith.addi %add3A_878, %add3A_879 : i32
        %add3A_881 = arith.constant 0 : i32
        %add3A_882 = arith.addi %squeeze3A_876, %add3A_881 : i32
        %get3A_883 = arith.index_cast %add3A_880 : i32 to index
        %get3A_884 = arith.index_cast %add3A_882 : i32 to index
        %get3A_885 = tpu.vector_load %arg11[%get3A_883, %get3A_884] {strides = array<i32>} : memref<800x128xi32, #tpu.memory_space<vmem>>, vector<1x16xi32>,
        %get3A_886 = vector.shape_cast %get3A_885 : vector<1x16xi32> to vector<16xi32>
        %shift_left3A_887 = arith.constant 16 : i32
        %shift_left3A_888 = vector.broadcast %shift_left3A_887 : i32 to vector<16xi32>
        %shift_left3A_889 = arith.shli %get3A_886, %shift_left3A_888 : vector<16xi32>
        %bitcast_convert_type3A_890 = tpu.bitcast %shift_left3A_889 : vector<16xi32> -> vector<16xf32>
        %and3A_891 = arith.andi %get3A_886, %broadcast_in_dim3A_421 : vector<16xi32>
        %bitcast_convert_type3A_892 = tpu.bitcast %and3A_891 : vector<16xi32> -> vector<16xf32>
        %mul3A_893 = arith.mulf %broadcast_in_dim3A_874, %bitcast_convert_type3A_890 : vector<16xf32>
        %add3A_894 = arith.addf %add3A_853, %mul3A_893 : vector<16xf32>
        %mul3A_895 = arith.mulf %broadcast_in_dim3A_874, %bitcast_convert_type3A_892 : vector<16xf32>
        %add3A_896 = arith.addf %add3A_855, %mul3A_895 : vector<16xf32>
        %add3A_897 = arith.constant 16 : i32
        %add3A_898 = arith.addi %squeeze3A_876, %add3A_897 : i32
        %get3A_899 = arith.index_cast %add3A_880 : i32 to index
        %get3A_900 = arith.index_cast %add3A_898 : i32 to index
        %get3A_901 = tpu.vector_load %arg11[%get3A_899, %get3A_900] {strides = array<i32>} : memref<800x128xi32, #tpu.memory_space<vmem>>, vector<1x16xi32>,
        %get3A_902 = vector.shape_cast %get3A_901 : vector<1x16xi32> to vector<16xi32>
        %shift_left3A_903 = arith.constant 16 : i32
        %shift_left3A_904 = vector.broadcast %shift_left3A_903 : i32 to vector<16xi32>
        %shift_left3A_905 = arith.shli %get3A_902, %shift_left3A_904 : vector<16xi32>
        %bitcast_convert_type3A_906 = tpu.bitcast %shift_left3A_905 : vector<16xi32> -> vector<16xf32>
        %and3A_907 = arith.andi %get3A_902, %broadcast_in_dim3A_421 : vector<16xi32>
        %bitcast_convert_type3A_908 = tpu.bitcast %and3A_907 : vector<16xi32> -> vector<16xf32>
        %mul3A_909 = arith.mulf %broadcast_in_dim3A_874, %bitcast_convert_type3A_906 : vector<16xf32>
        %add3A_910 = arith.addf %add3A_869, %mul3A_909 : vector<16xf32>
        %mul3A_911 = arith.mulf %broadcast_in_dim3A_874, %bitcast_convert_type3A_908 : vector<16xf32>
        %add3A_912 = arith.addf %add3A_871, %mul3A_911 : vector<16xf32>
        %slice3A_913 = vector.extract_strided_slice %get3A_457 {offsets = [11], sizes = [1], strides = [1]} : vector<16xf32> to vector<1xf32>
        %squeeze3A_914 = vector.extract %slice3A_913[0] : f32 from vector<1xf32>
        %broadcast_in_dim3A_915 = vector.broadcast %squeeze3A_914 : f32 to vector<16xf32>
        %slice3A_916 = vector.extract_strided_slice %shift_left3A_464 {offsets = [11], sizes = [1], strides = [1]} : vector<16xi32> to vector<1xi32>
        %squeeze3A_917 = vector.extract %slice3A_916[0] : i32 from vector<1xi32>
        %add3A_918 = arith.constant 0 : i32
        %add3A_919 = arith.addi %mul3A_448, %add3A_918 : i32
        %add3A_920 = arith.constant 11 : i32
        %add3A_921 = arith.addi %add3A_919, %add3A_920 : i32
        %add3A_922 = arith.constant 0 : i32
        %add3A_923 = arith.addi %squeeze3A_917, %add3A_922 : i32
        %get3A_924 = arith.index_cast %add3A_921 : i32 to index
        %get3A_925 = arith.index_cast %add3A_923 : i32 to index
        %get3A_926 = tpu.vector_load %arg11[%get3A_924, %get3A_925] {strides = array<i32>} : memref<800x128xi32, #tpu.memory_space<vmem>>, vector<1x16xi32>,
        %get3A_927 = vector.shape_cast %get3A_926 : vector<1x16xi32> to vector<16xi32>
        %shift_left3A_928 = arith.constant 16 : i32
        %shift_left3A_929 = vector.broadcast %shift_left3A_928 : i32 to vector<16xi32>
        %shift_left3A_930 = arith.shli %get3A_927, %shift_left3A_929 : vector<16xi32>
        %bitcast_convert_type3A_931 = tpu.bitcast %shift_left3A_930 : vector<16xi32> -> vector<16xf32>
        %and3A_932 = arith.andi %get3A_927, %broadcast_in_dim3A_421 : vector<16xi32>
        %bitcast_convert_type3A_933 = tpu.bitcast %and3A_932 : vector<16xi32> -> vector<16xf32>
        %mul3A_934 = arith.mulf %broadcast_in_dim3A_915, %bitcast_convert_type3A_931 : vector<16xf32>
        %add3A_935 = arith.addf %add3A_894, %mul3A_934 : vector<16xf32>
        %mul3A_936 = arith.mulf %broadcast_in_dim3A_915, %bitcast_convert_type3A_933 : vector<16xf32>
        %add3A_937 = arith.addf %add3A_896, %mul3A_936 : vector<16xf32>
        %add3A_938 = arith.constant 16 : i32
        %add3A_939 = arith.addi %squeeze3A_917, %add3A_938 : i32
        %get3A_940 = arith.index_cast %add3A_921 : i32 to index
        %get3A_941 = arith.index_cast %add3A_939 : i32 to index
        %get3A_942 = tpu.vector_load %arg11[%get3A_940, %get3A_941] {strides = array<i32>} : memref<800x128xi32, #tpu.memory_space<vmem>>, vector<1x16xi32>,
        %get3A_943 = vector.shape_cast %get3A_942 : vector<1x16xi32> to vector<16xi32>
        %shift_left3A_944 = arith.constant 16 : i32
        %shift_left3A_945 = vector.broadcast %shift_left3A_944 : i32 to vector<16xi32>
        %shift_left3A_946 = arith.shli %get3A_943, %shift_left3A_945 : vector<16xi32>
        %bitcast_convert_type3A_947 = tpu.bitcast %shift_left3A_946 : vector<16xi32> -> vector<16xf32>
        %and3A_948 = arith.andi %get3A_943, %broadcast_in_dim3A_421 : vector<16xi32>
        %bitcast_convert_type3A_949 = tpu.bitcast %and3A_948 : vector<16xi32> -> vector<16xf32>
        %mul3A_950 = arith.mulf %broadcast_in_dim3A_915, %bitcast_convert_type3A_947 : vector<16xf32>
        %add3A_951 = arith.addf %add3A_910, %mul3A_950 : vector<16xf32>
        %mul3A_952 = arith.mulf %broadcast_in_dim3A_915, %bitcast_convert_type3A_949 : vector<16xf32>
        %add3A_953 = arith.addf %add3A_912, %mul3A_952 : vector<16xf32>
        %slice3A_954 = vector.extract_strided_slice %get3A_457 {offsets = [12], sizes = [1], strides = [1]} : vector<16xf32> to vector<1xf32>
        %squeeze3A_955 = vector.extract %slice3A_954[0] : f32 from vector<1xf32>
        %broadcast_in_dim3A_956 = vector.broadcast %squeeze3A_955 : f32 to vector<16xf32>
        %slice3A_957 = vector.extract_strided_slice %shift_left3A_464 {offsets = [12], sizes = [1], strides = [1]} : vector<16xi32> to vector<1xi32>
        %squeeze3A_958 = vector.extract %slice3A_957[0] : i32 from vector<1xi32>
        %add3A_959 = arith.constant 0 : i32
        %add3A_960 = arith.addi %mul3A_448, %add3A_959 : i32
        %add3A_961 = arith.constant 12 : i32
        %add3A_962 = arith.addi %add3A_960, %add3A_961 : i32
        %add3A_963 = arith.constant 0 : i32
        %add3A_964 = arith.addi %squeeze3A_958, %add3A_963 : i32
        %get3A_965 = arith.index_cast %add3A_962 : i32 to index
        %get3A_966 = arith.index_cast %add3A_964 : i32 to index
        %get3A_967 = tpu.vector_load %arg11[%get3A_965, %get3A_966] {strides = array<i32>} : memref<800x128xi32, #tpu.memory_space<vmem>>, vector<1x16xi32>,
        %get3A_968 = vector.shape_cast %get3A_967 : vector<1x16xi32> to vector<16xi32>
        %shift_left3A_969 = arith.constant 16 : i32
        %shift_left3A_970 = vector.broadcast %shift_left3A_969 : i32 to vector<16xi32>
        %shift_left3A_971 = arith.shli %get3A_968, %shift_left3A_970 : vector<16xi32>
        %bitcast_convert_type3A_972 = tpu.bitcast %shift_left3A_971 : vector<16xi32> -> vector<16xf32>
        %and3A_973 = arith.andi %get3A_968, %broadcast_in_dim3A_421 : vector<16xi32>
        %bitcast_convert_type3A_974 = tpu.bitcast %and3A_973 : vector<16xi32> -> vector<16xf32>
        %mul3A_975 = arith.mulf %broadcast_in_dim3A_956, %bitcast_convert_type3A_972 : vector<16xf32>
        %add3A_976 = arith.addf %add3A_935, %mul3A_975 : vector<16xf32>
        %mul3A_977 = arith.mulf %broadcast_in_dim3A_956, %bitcast_convert_type3A_974 : vector<16xf32>
        %add3A_978 = arith.addf %add3A_937, %mul3A_977 : vector<16xf32>
        %add3A_979 = arith.constant 16 : i32
        %add3A_980 = arith.addi %squeeze3A_958, %add3A_979 : i32
        %get3A_981 = arith.index_cast %add3A_962 : i32 to index
        %get3A_982 = arith.index_cast %add3A_980 : i32 to index
        %get3A_983 = tpu.vector_load %arg11[%get3A_981, %get3A_982] {strides = array<i32>} : memref<800x128xi32, #tpu.memory_space<vmem>>, vector<1x16xi32>,
        %get3A_984 = vector.shape_cast %get3A_983 : vector<1x16xi32> to vector<16xi32>
        %shift_left3A_985 = arith.constant 16 : i32
        %shift_left3A_986 = vector.broadcast %shift_left3A_985 : i32 to vector<16xi32>
        %shift_left3A_987 = arith.shli %get3A_984, %shift_left3A_986 : vector<16xi32>
        %bitcast_convert_type3A_988 = tpu.bitcast %shift_left3A_987 : vector<16xi32> -> vector<16xf32>
        %and3A_989 = arith.andi %get3A_984, %broadcast_in_dim3A_421 : vector<16xi32>
        %bitcast_convert_type3A_990 = tpu.bitcast %and3A_989 : vector<16xi32> -> vector<16xf32>
        %mul3A_991 = arith.mulf %broadcast_in_dim3A_956, %bitcast_convert_type3A_988 : vector<16xf32>
        %add3A_992 = arith.addf %add3A_951, %mul3A_991 : vector<16xf32>
        %mul3A_993 = arith.mulf %broadcast_in_dim3A_956, %bitcast_convert_type3A_990 : vector<16xf32>
        %add3A_994 = arith.addf %add3A_953, %mul3A_993 : vector<16xf32>
        %slice3A_995 = vector.extract_strided_slice %get3A_457 {offsets = [13], sizes = [1], strides = [1]} : vector<16xf32> to vector<1xf32>
        %squeeze3A_996 = vector.extract %slice3A_995[0] : f32 from vector<1xf32>
        %broadcast_in_dim3A_997 = vector.broadcast %squeeze3A_996 : f32 to vector<16xf32>
        %slice3A_998 = vector.extract_strided_slice %shift_left3A_464 {offsets = [13], sizes = [1], strides = [1]} : vector<16xi32> to vector<1xi32>
        %squeeze3A_999 = vector.extract %slice3A_998[0] : i32 from vector<1xi32>
        %add3A_1000 = arith.constant 0 : i32
        %add3A_1001 = arith.addi %mul3A_448, %add3A_1000 : i32
        %add3A_1002 = arith.constant 13 : i32
        %add3A_1003 = arith.addi %add3A_1001, %add3A_1002 : i32
        %add3A_1004 = arith.constant 0 : i32
        %add3A_1005 = arith.addi %squeeze3A_999, %add3A_1004 : i32
        %get3A_1006 = arith.index_cast %add3A_1003 : i32 to index
        %get3A_1007 = arith.index_cast %add3A_1005 : i32 to index
        %get3A_1008 = tpu.vector_load %arg11[%get3A_1006, %get3A_1007] {strides = array<i32>} : memref<800x128xi32, #tpu.memory_space<vmem>>, vector<1x16xi32>,
        %get3A_1009 = vector.shape_cast %get3A_1008 : vector<1x16xi32> to vector<16xi32>
        %shift_left3A_1010 = arith.constant 16 : i32
        %shift_left3A_1011 = vector.broadcast %shift_left3A_1010 : i32 to vector<16xi32>
        %shift_left3A_1012 = arith.shli %get3A_1009, %shift_left3A_1011 : vector<16xi32>
        %bitcast_convert_type3A_1013 = tpu.bitcast %shift_left3A_1012 : vector<16xi32> -> vector<16xf32>
        %and3A_1014 = arith.andi %get3A_1009, %broadcast_in_dim3A_421 : vector<16xi32>
        %bitcast_convert_type3A_1015 = tpu.bitcast %and3A_1014 : vector<16xi32> -> vector<16xf32>
        %mul3A_1016 = arith.mulf %broadcast_in_dim3A_997, %bitcast_convert_type3A_1013 : vector<16xf32>
        %add3A_1017 = arith.addf %add3A_976, %mul3A_1016 : vector<16xf32>
        %mul3A_1018 = arith.mulf %broadcast_in_dim3A_997, %bitcast_convert_type3A_1015 : vector<16xf32>
        %add3A_1019 = arith.addf %add3A_978, %mul3A_1018 : vector<16xf32>
        %add3A_1020 = arith.constant 16 : i32
        %add3A_1021 = arith.addi %squeeze3A_999, %add3A_1020 : i32
        %get3A_1022 = arith.index_cast %add3A_1003 : i32 to index
        %get3A_1023 = arith.index_cast %add3A_1021 : i32 to index
        %get3A_1024 = tpu.vector_load %arg11[%get3A_1022, %get3A_1023] {strides = array<i32>} : memref<800x128xi32, #tpu.memory_space<vmem>>, vector<1x16xi32>,
        %get3A_1025 = vector.shape_cast %get3A_1024 : vector<1x16xi32> to vector<16xi32>
        %shift_left3A_1026 = arith.constant 16 : i32
        %shift_left3A_1027 = vector.broadcast %shift_left3A_1026 : i32 to vector<16xi32>
        %shift_left3A_1028 = arith.shli %get3A_1025, %shift_left3A_1027 : vector<16xi32>
        %bitcast_convert_type3A_1029 = tpu.bitcast %shift_left3A_1028 : vector<16xi32> -> vector<16xf32>
        %and3A_1030 = arith.andi %get3A_1025, %broadcast_in_dim3A_421 : vector<16xi32>
        %bitcast_convert_type3A_1031 = tpu.bitcast %and3A_1030 : vector<16xi32> -> vector<16xf32>
        %mul3A_1032 = arith.mulf %broadcast_in_dim3A_997, %bitcast_convert_type3A_1029 : vector<16xf32>
        %add3A_1033 = arith.addf %add3A_992, %mul3A_1032 : vector<16xf32>
        %mul3A_1034 = arith.mulf %broadcast_in_dim3A_997, %bitcast_convert_type3A_1031 : vector<16xf32>
        %add3A_1035 = arith.addf %add3A_994, %mul3A_1034 : vector<16xf32>
        %slice3A_1036 = vector.extract_strided_slice %get3A_457 {offsets = [14], sizes = [1], strides = [1]} : vector<16xf32> to vector<1xf32>
        %squeeze3A_1037 = vector.extract %slice3A_1036[0] : f32 from vector<1xf32>
        %broadcast_in_dim3A_1038 = vector.broadcast %squeeze3A_1037 : f32 to vector<16xf32>
        %slice3A_1039 = vector.extract_strided_slice %shift_left3A_464 {offsets = [14], sizes = [1], strides = [1]} : vector<16xi32> to vector<1xi32>
        %squeeze3A_1040 = vector.extract %slice3A_1039[0] : i32 from vector<1xi32>
        %add3A_1041 = arith.constant 0 : i32
        %add3A_1042 = arith.addi %mul3A_448, %add3A_1041 : i32
        %add3A_1043 = arith.constant 14 : i32
        %add3A_1044 = arith.addi %add3A_1042, %add3A_1043 : i32
        %add3A_1045 = arith.constant 0 : i32
        %add3A_1046 = arith.addi %squeeze3A_1040, %add3A_1045 : i32
        %get3A_1047 = arith.index_cast %add3A_1044 : i32 to index
        %get3A_1048 = arith.index_cast %add3A_1046 : i32 to index
        %get3A_1049 = tpu.vector_load %arg11[%get3A_1047, %get3A_1048] {strides = array<i32>} : memref<800x128xi32, #tpu.memory_space<vmem>>, vector<1x16xi32>,
        %get3A_1050 = vector.shape_cast %get3A_1049 : vector<1x16xi32> to vector<16xi32>
        %shift_left3A_1051 = arith.constant 16 : i32
        %shift_left3A_1052 = vector.broadcast %shift_left3A_1051 : i32 to vector<16xi32>
        %shift_left3A_1053 = arith.shli %get3A_1050, %shift_left3A_1052 : vector<16xi32>
        %bitcast_convert_type3A_1054 = tpu.bitcast %shift_left3A_1053 : vector<16xi32> -> vector<16xf32>
        %and3A_1055 = arith.andi %get3A_1050, %broadcast_in_dim3A_421 : vector<16xi32>
        %bitcast_convert_type3A_1056 = tpu.bitcast %and3A_1055 : vector<16xi32> -> vector<16xf32>
        %mul3A_1057 = arith.mulf %broadcast_in_dim3A_1038, %bitcast_convert_type3A_1054 : vector<16xf32>
        %add3A_1058 = arith.addf %add3A_1017, %mul3A_1057 : vector<16xf32>
        %mul3A_1059 = arith.mulf %broadcast_in_dim3A_1038, %bitcast_convert_type3A_1056 : vector<16xf32>
        %add3A_1060 = arith.addf %add3A_1019, %mul3A_1059 : vector<16xf32>
        %add3A_1061 = arith.constant 16 : i32
        %add3A_1062 = arith.addi %squeeze3A_1040, %add3A_1061 : i32
        %get3A_1063 = arith.index_cast %add3A_1044 : i32 to index
        %get3A_1064 = arith.index_cast %add3A_1062 : i32 to index
        %get3A_1065 = tpu.vector_load %arg11[%get3A_1063, %get3A_1064] {strides = array<i32>} : memref<800x128xi32, #tpu.memory_space<vmem>>, vector<1x16xi32>,
        %get3A_1066 = vector.shape_cast %get3A_1065 : vector<1x16xi32> to vector<16xi32>
        %shift_left3A_1067 = arith.constant 16 : i32
        %shift_left3A_1068 = vector.broadcast %shift_left3A_1067 : i32 to vector<16xi32>
        %shift_left3A_1069 = arith.shli %get3A_1066, %shift_left3A_1068 : vector<16xi32>
        %bitcast_convert_type3A_1070 = tpu.bitcast %shift_left3A_1069 : vector<16xi32> -> vector<16xf32>
        %and3A_1071 = arith.andi %get3A_1066, %broadcast_in_dim3A_421 : vector<16xi32>
        %bitcast_convert_type3A_1072 = tpu.bitcast %and3A_1071 : vector<16xi32> -> vector<16xf32>
        %mul3A_1073 = arith.mulf %broadcast_in_dim3A_1038, %bitcast_convert_type3A_1070 : vector<16xf32>
        %add3A_1074 = arith.addf %add3A_1033, %mul3A_1073 : vector<16xf32>
        %mul3A_1075 = arith.mulf %broadcast_in_dim3A_1038, %bitcast_convert_type3A_1072 : vector<16xf32>
        %add3A_1076 = arith.addf %add3A_1035, %mul3A_1075 : vector<16xf32>
        %slice3A_1077 = vector.extract_strided_slice %get3A_457 {offsets = [15], sizes = [1], strides = [1]} : vector<16xf32> to vector<1xf32>
        %squeeze3A_1078 = vector.extract %slice3A_1077[0] : f32 from vector<1xf32>
        %broadcast_in_dim3A_1079 = vector.broadcast %squeeze3A_1078 : f32 to vector<16xf32>
        %slice3A_1080 = vector.extract_strided_slice %shift_left3A_464 {offsets = [15], sizes = [1], strides = [1]} : vector<16xi32> to vector<1xi32>
        %squeeze3A_1081 = vector.extract %slice3A_1080[0] : i32 from vector<1xi32>
        %add3A_1082 = arith.constant 0 : i32
        %add3A_1083 = arith.addi %mul3A_448, %add3A_1082 : i32
        %add3A_1084 = arith.constant 15 : i32
        %add3A_1085 = arith.addi %add3A_1083, %add3A_1084 : i32
        %add3A_1086 = arith.constant 0 : i32
        %add3A_1087 = arith.addi %squeeze3A_1081, %add3A_1086 : i32
        %get3A_1088 = arith.index_cast %add3A_1085 : i32 to index
        %get3A_1089 = arith.index_cast %add3A_1087 : i32 to index
        %get3A_1090 = tpu.vector_load %arg11[%get3A_1088, %get3A_1089] {strides = array<i32>} : memref<800x128xi32, #tpu.memory_space<vmem>>, vector<1x16xi32>,
        %get3A_1091 = vector.shape_cast %get3A_1090 : vector<1x16xi32> to vector<16xi32>
        %shift_left3A_1092 = arith.constant 16 : i32
        %shift_left3A_1093 = vector.broadcast %shift_left3A_1092 : i32 to vector<16xi32>
        %shift_left3A_1094 = arith.shli %get3A_1091, %shift_left3A_1093 : vector<16xi32>
        %bitcast_convert_type3A_1095 = tpu.bitcast %shift_left3A_1094 : vector<16xi32> -> vector<16xf32>
        %and3A_1096 = arith.andi %get3A_1091, %broadcast_in_dim3A_421 : vector<16xi32>
        %bitcast_convert_type3A_1097 = tpu.bitcast %and3A_1096 : vector<16xi32> -> vector<16xf32>
        %mul3A_1098 = arith.mulf %broadcast_in_dim3A_1079, %bitcast_convert_type3A_1095 : vector<16xf32>
        %add3A_1099 = arith.addf %add3A_1058, %mul3A_1098 : vector<16xf32>
        %mul3A_1100 = arith.mulf %broadcast_in_dim3A_1079, %bitcast_convert_type3A_1097 : vector<16xf32>
        %add3A_1101 = arith.addf %add3A_1060, %mul3A_1100 : vector<16xf32>
        %add3A_1102 = arith.constant 16 : i32
        %add3A_1103 = arith.addi %squeeze3A_1081, %add3A_1102 : i32
        %get3A_1104 = arith.index_cast %add3A_1085 : i32 to index
        %get3A_1105 = arith.index_cast %add3A_1103 : i32 to index
        %get3A_1106 = tpu.vector_load %arg11[%get3A_1104, %get3A_1105] {strides = array<i32>} : memref<800x128xi32, #tpu.memory_space<vmem>>, vector<1x16xi32>,
        %get3A_1107 = vector.shape_cast %get3A_1106 : vector<1x16xi32> to vector<16xi32>
        %shift_left3A_1108 = arith.constant 16 : i32
        %shift_left3A_1109 = vector.broadcast %shift_left3A_1108 : i32 to vector<16xi32>
        %shift_left3A_1110 = arith.shli %get3A_1107, %shift_left3A_1109 : vector<16xi32>
        %bitcast_convert_type3A_1111 = tpu.bitcast %shift_left3A_1110 : vector<16xi32> -> vector<16xf32>
        %and3A_1112 = arith.andi %get3A_1107, %broadcast_in_dim3A_421 : vector<16xi32>
        %bitcast_convert_type3A_1113 = tpu.bitcast %and3A_1112 : vector<16xi32> -> vector<16xf32>
        %mul3A_1114 = arith.mulf %broadcast_in_dim3A_1079, %bitcast_convert_type3A_1111 : vector<16xf32>
        %add3A_1115 = arith.addf %add3A_1074, %mul3A_1114 : vector<16xf32>
        %mul3A_1116 = arith.mulf %broadcast_in_dim3A_1079, %bitcast_convert_type3A_1113 : vector<16xf32>
        %add3A_1117 = arith.addf %add3A_1076, %mul3A_1116 : vector<16xf32>
        %add3A_1118 = arith.constant 16 : i32
        %add3A_1119 = arith.addi %mul3A_450, %add3A_1118 : i32
        %get3A_1120 = arith.index_cast %add3A_1119 : i32 to index
        %get3A_1121 = tpu.vector_load %arg10[%get3A_1120] {strides = array<i32>} : memref<1024xf32, #tpu.memory_space<vmem>>, vector<16xf32>,
        %get3A_1122 = vector.shape_cast %get3A_1121 : vector<16xf32> to vector<16xf32>
        %get3A_1123 = arith.index_cast %add3A_1119 : i32 to index
        %get3A_1124 = tpu.vector_load %arg9[%get3A_1123] {strides = array<i32>} : memref<1024xi32, #tpu.memory_space<vmem>>, vector<16xi32>,
        %get3A_1125 = vector.shape_cast %get3A_1124 : vector<16xi32> to vector<16xi32>
        %shift_right_logical3A_1126 = arith.constant 18 : i32
        %shift_right_logical3A_1127 = vector.broadcast %shift_right_logical3A_1126 : i32 to vector<16xi32>
        %shift_right_logical3A_1128 = arith.shrui %get3A_1125, %shift_right_logical3A_1127 : vector<16xi32>
        %shift_left3A_1129 = arith.constant 5 : i32
        %shift_left3A_1130 = vector.broadcast %shift_left3A_1129 : i32 to vector<16xi32>
        %shift_left3A_1131 = arith.shli %shift_right_logical3A_1128, %shift_left3A_1130 : vector<16xi32>
        %slice3A_1132 = vector.extract_strided_slice %get3A_1122 {offsets = [0], sizes = [1], strides = [1]} : vector<16xf32> to vector<1xf32>
        %squeeze3A_1133 = vector.extract %slice3A_1132[0] : f32 from vector<1xf32>
        %broadcast_in_dim3A_1134 = vector.broadcast %squeeze3A_1133 : f32 to vector<16xf32>
        %slice3A_1135 = vector.extract_strided_slice %shift_left3A_1131 {offsets = [0], sizes = [1], strides = [1]} : vector<16xi32> to vector<1xi32>
        %squeeze3A_1136 = vector.extract %slice3A_1135[0] : i32 from vector<1xi32>
        %add3A_1137 = arith.constant 16 : i32
        %add3A_1138 = arith.addi %mul3A_448, %add3A_1137 : i32
        %add3A_1139 = arith.constant 0 : i32
        %add3A_1140 = arith.addi %add3A_1138, %add3A_1139 : i32
        %add3A_1141 = arith.constant 0 : i32
        %add3A_1142 = arith.addi %squeeze3A_1136, %add3A_1141 : i32
        %get3A_1143 = arith.index_cast %add3A_1140 : i32 to index
        %get3A_1144 = arith.index_cast %add3A_1142 : i32 to index
        %get3A_1145 = tpu.vector_load %arg11[%get3A_1143, %get3A_1144] {strides = array<i32>} : memref<800x128xi32, #tpu.memory_space<vmem>>, vector<1x16xi32>,
        %get3A_1146 = vector.shape_cast %get3A_1145 : vector<1x16xi32> to vector<16xi32>
        %shift_left3A_1147 = arith.constant 16 : i32
        %shift_left3A_1148 = vector.broadcast %shift_left3A_1147 : i32 to vector<16xi32>
        %shift_left3A_1149 = arith.shli %get3A_1146, %shift_left3A_1148 : vector<16xi32>
        %bitcast_convert_type3A_1150 = tpu.bitcast %shift_left3A_1149 : vector<16xi32> -> vector<16xf32>
        %and3A_1151 = arith.andi %get3A_1146, %broadcast_in_dim3A_421 : vector<16xi32>
        %bitcast_convert_type3A_1152 = tpu.bitcast %and3A_1151 : vector<16xi32> -> vector<16xf32>
        %mul3A_1153 = arith.mulf %broadcast_in_dim3A_1134, %bitcast_convert_type3A_1150 : vector<16xf32>
        %add3A_1154 = arith.addf %add3A_1099, %mul3A_1153 : vector<16xf32>
        %mul3A_1155 = arith.mulf %broadcast_in_dim3A_1134, %bitcast_convert_type3A_1152 : vector<16xf32>
        %add3A_1156 = arith.addf %add3A_1101, %mul3A_1155 : vector<16xf32>
        %add3A_1157 = arith.constant 16 : i32
        %add3A_1158 = arith.addi %squeeze3A_1136, %add3A_1157 : i32
        %get3A_1159 = arith.index_cast %add3A_1140 : i32 to index
        %get3A_1160 = arith.index_cast %add3A_1158 : i32 to index
        %get3A_1161 = tpu.vector_load %arg11[%get3A_1159, %get3A_1160] {strides = array<i32>} : memref<800x128xi32, #tpu.memory_space<vmem>>, vector<1x16xi32>,
        %get3A_1162 = vector.shape_cast %get3A_1161 : vector<1x16xi32> to vector<16xi32>
        %shift_left3A_1163 = arith.constant 16 : i32
        %shift_left3A_1164 = vector.broadcast %shift_left3A_1163 : i32 to vector<16xi32>
        %shift_left3A_1165 = arith.shli %get3A_1162, %shift_left3A_1164 : vector<16xi32>
        %bitcast_convert_type3A_1166 = tpu.bitcast %shift_left3A_1165 : vector<16xi32> -> vector<16xf32>
        %and3A_1167 = arith.andi %get3A_1162, %broadcast_in_dim3A_421 : vector<16xi32>
        %bitcast_convert_type3A_1168 = tpu.bitcast %and3A_1167 : vector<16xi32> -> vector<16xf32>
        %mul3A_1169 = arith.mulf %broadcast_in_dim3A_1134, %bitcast_convert_type3A_1166 : vector<16xf32>
        %add3A_1170 = arith.addf %add3A_1115, %mul3A_1169 : vector<16xf32>
        %mul3A_1171 = arith.mulf %broadcast_in_dim3A_1134, %bitcast_convert_type3A_1168 : vector<16xf32>
        %add3A_1172 = arith.addf %add3A_1117, %mul3A_1171 : vector<16xf32>
        %slice3A_1173 = vector.extract_strided_slice %get3A_1122 {offsets = [1], sizes = [1], strides = [1]} : vector<16xf32> to vector<1xf32>
        %squeeze3A_1174 = vector.extract %slice3A_1173[0] : f32 from vector<1xf32>
        %broadcast_in_dim3A_1175 = vector.broadcast %squeeze3A_1174 : f32 to vector<16xf32>
        %slice3A_1176 = vector.extract_strided_slice %shift_left3A_1131 {offsets = [1], sizes = [1], strides = [1]} : vector<16xi32> to vector<1xi32>
        %squeeze3A_1177 = vector.extract %slice3A_1176[0] : i32 from vector<1xi32>
        %add3A_1178 = arith.constant 16 : i32
        %add3A_1179 = arith.addi %mul3A_448, %add3A_1178 : i32
        %add3A_1180 = arith.constant 1 : i32
        %add3A_1181 = arith.addi %add3A_1179, %add3A_1180 : i32
        %add3A_1182 = arith.constant 0 : i32
        %add3A_1183 = arith.addi %squeeze3A_1177, %add3A_1182 : i32
        %get3A_1184 = arith.index_cast %add3A_1181 : i32 to index
        %get3A_1185 = arith.index_cast %add3A_1183 : i32 to index
        %get3A_1186 = tpu.vector_load %arg11[%get3A_1184, %get3A_1185] {strides = array<i32>} : memref<800x128xi32, #tpu.memory_space<vmem>>, vector<1x16xi32>,
        %get3A_1187 = vector.shape_cast %get3A_1186 : vector<1x16xi32> to vector<16xi32>
        %shift_left3A_1188 = arith.constant 16 : i32
        %shift_left3A_1189 = vector.broadcast %shift_left3A_1188 : i32 to vector<16xi32>
        %shift_left3A_1190 = arith.shli %get3A_1187, %shift_left3A_1189 : vector<16xi32>
        %bitcast_convert_type3A_1191 = tpu.bitcast %shift_left3A_1190 : vector<16xi32> -> vector<16xf32>
        %and3A_1192 = arith.andi %get3A_1187, %broadcast_in_dim3A_421 : vector<16xi32>
        %bitcast_convert_type3A_1193 = tpu.bitcast %and3A_1192 : vector<16xi32> -> vector<16xf32>
        %mul3A_1194 = arith.mulf %broadcast_in_dim3A_1175, %bitcast_convert_type3A_1191 : vector<16xf32>
        %add3A_1195 = arith.addf %add3A_1154, %mul3A_1194 : vector<16xf32>
        %mul3A_1196 = arith.mulf %broadcast_in_dim3A_1175, %bitcast_convert_type3A_1193 : vector<16xf32>
        %add3A_1197 = arith.addf %add3A_1156, %mul3A_1196 : vector<16xf32>
        %add3A_1198 = arith.constant 16 : i32
        %add3A_1199 = arith.addi %squeeze3A_1177, %add3A_1198 : i32
        %get3A_1200 = arith.index_cast %add3A_1181 : i32 to index
        %get3A_1201 = arith.index_cast %add3A_1199 : i32 to index
        %get3A_1202 = tpu.vector_load %arg11[%get3A_1200, %get3A_1201] {strides = array<i32>} : memref<800x128xi32, #tpu.memory_space<vmem>>, vector<1x16xi32>,
        %get3A_1203 = vector.shape_cast %get3A_1202 : vector<1x16xi32> to vector<16xi32>
        %shift_left3A_1204 = arith.constant 16 : i32
        %shift_left3A_1205 = vector.broadcast %shift_left3A_1204 : i32 to vector<16xi32>
        %shift_left3A_1206 = arith.shli %get3A_1203, %shift_left3A_1205 : vector<16xi32>
        %bitcast_convert_type3A_1207 = tpu.bitcast %shift_left3A_1206 : vector<16xi32> -> vector<16xf32>
        %and3A_1208 = arith.andi %get3A_1203, %broadcast_in_dim3A_421 : vector<16xi32>
        %bitcast_convert_type3A_1209 = tpu.bitcast %and3A_1208 : vector<16xi32> -> vector<16xf32>
        %mul3A_1210 = arith.mulf %broadcast_in_dim3A_1175, %bitcast_convert_type3A_1207 : vector<16xf32>
        %add3A_1211 = arith.addf %add3A_1170, %mul3A_1210 : vector<16xf32>
        %mul3A_1212 = arith.mulf %broadcast_in_dim3A_1175, %bitcast_convert_type3A_1209 : vector<16xf32>
        %add3A_1213 = arith.addf %add3A_1172, %mul3A_1212 : vector<16xf32>
        %slice3A_1214 = vector.extract_strided_slice %get3A_1122 {offsets = [2], sizes = [1], strides = [1]} : vector<16xf32> to vector<1xf32>
        %squeeze3A_1215 = vector.extract %slice3A_1214[0] : f32 from vector<1xf32>
        %broadcast_in_dim3A_1216 = vector.broadcast %squeeze3A_1215 : f32 to vector<16xf32>
        %slice3A_1217 = vector.extract_strided_slice %shift_left3A_1131 {offsets = [2], sizes = [1], strides = [1]} : vector<16xi32> to vector<1xi32>
        %squeeze3A_1218 = vector.extract %slice3A_1217[0] : i32 from vector<1xi32>
        %add3A_1219 = arith.constant 16 : i32
        %add3A_1220 = arith.addi %mul3A_448, %add3A_1219 : i32
        %add3A_1221 = arith.constant 2 : i32
        %add3A_1222 = arith.addi %add3A_1220, %add3A_1221 : i32
        %add3A_1223 = arith.constant 0 : i32
        %add3A_1224 = arith.addi %squeeze3A_1218, %add3A_1223 : i32
        %get3A_1225 = arith.index_cast %add3A_1222 : i32 to index
        %get3A_1226 = arith.index_cast %add3A_1224 : i32 to index
        %get3A_1227 = tpu.vector_load %arg11[%get3A_1225, %get3A_1226] {strides = array<i32>} : memref<800x128xi32, #tpu.memory_space<vmem>>, vector<1x16xi32>,
        %get3A_1228 = vector.shape_cast %get3A_1227 : vector<1x16xi32> to vector<16xi32>
        %shift_left3A_1229 = arith.constant 16 : i32
        %shift_left3A_1230 = vector.broadcast %shift_left3A_1229 : i32 to vector<16xi32>
        %shift_left3A_1231 = arith.shli %get3A_1228, %shift_left3A_1230 : vector<16xi32>
        %bitcast_convert_type3A_1232 = tpu.bitcast %shift_left3A_1231 : vector<16xi32> -> vector<16xf32>
        %and3A_1233 = arith.andi %get3A_1228, %broadcast_in_dim3A_421 : vector<16xi32>
        %bitcast_convert_type3A_1234 = tpu.bitcast %and3A_1233 : vector<16xi32> -> vector<16xf32>
        %mul3A_1235 = arith.mulf %broadcast_in_dim3A_1216, %bitcast_convert_type3A_1232 : vector<16xf32>
        %add3A_1236 = arith.addf %add3A_1195, %mul3A_1235 : vector<16xf32>
        %mul3A_1237 = arith.mulf %broadcast_in_dim3A_1216, %bitcast_convert_type3A_1234 : vector<16xf32>
        %add3A_1238 = arith.addf %add3A_1197, %mul3A_1237 : vector<16xf32>
        %add3A_1239 = arith.constant 16 : i32
        %add3A_1240 = arith.addi %squeeze3A_1218, %add3A_1239 : i32
        %get3A_1241 = arith.index_cast %add3A_1222 : i32 to index
        %get3A_1242 = arith.index_cast %add3A_1240 : i32 to index
        %get3A_1243 = tpu.vector_load %arg11[%get3A_1241, %get3A_1242] {strides = array<i32>} : memref<800x128xi32, #tpu.memory_space<vmem>>, vector<1x16xi32>,
        %get3A_1244 = vector.shape_cast %get3A_1243 : vector<1x16xi32> to vector<16xi32>
        %shift_left3A_1245 = arith.constant 16 : i32
        %shift_left3A_1246 = vector.broadcast %shift_left3A_1245 : i32 to vector<16xi32>
        %shift_left3A_1247 = arith.shli %get3A_1244, %shift_left3A_1246 : vector<16xi32>
        %bitcast_convert_type3A_1248 = tpu.bitcast %shift_left3A_1247 : vector<16xi32> -> vector<16xf32>
        %and3A_1249 = arith.andi %get3A_1244, %broadcast_in_dim3A_421 : vector<16xi32>
        %bitcast_convert_type3A_1250 = tpu.bitcast %and3A_1249 : vector<16xi32> -> vector<16xf32>
        %mul3A_1251 = arith.mulf %broadcast_in_dim3A_1216, %bitcast_convert_type3A_1248 : vector<16xf32>
        %add3A_1252 = arith.addf %add3A_1211, %mul3A_1251 : vector<16xf32>
        %mul3A_1253 = arith.mulf %broadcast_in_dim3A_1216, %bitcast_convert_type3A_1250 : vector<16xf32>
        %add3A_1254 = arith.addf %add3A_1213, %mul3A_1253 : vector<16xf32>
        %slice3A_1255 = vector.extract_strided_slice %get3A_1122 {offsets = [3], sizes = [1], strides = [1]} : vector<16xf32> to vector<1xf32>
        %squeeze3A_1256 = vector.extract %slice3A_1255[0] : f32 from vector<1xf32>
        %broadcast_in_dim3A_1257 = vector.broadcast %squeeze3A_1256 : f32 to vector<16xf32>
        %slice3A_1258 = vector.extract_strided_slice %shift_left3A_1131 {offsets = [3], sizes = [1], strides = [1]} : vector<16xi32> to vector<1xi32>
        %squeeze3A_1259 = vector.extract %slice3A_1258[0] : i32 from vector<1xi32>
        %add3A_1260 = arith.constant 16 : i32
        %add3A_1261 = arith.addi %mul3A_448, %add3A_1260 : i32
        %add3A_1262 = arith.constant 3 : i32
        %add3A_1263 = arith.addi %add3A_1261, %add3A_1262 : i32
        %add3A_1264 = arith.constant 0 : i32
        %add3A_1265 = arith.addi %squeeze3A_1259, %add3A_1264 : i32
        %get3A_1266 = arith.index_cast %add3A_1263 : i32 to index
        %get3A_1267 = arith.index_cast %add3A_1265 : i32 to index
        %get3A_1268 = tpu.vector_load %arg11[%get3A_1266, %get3A_1267] {strides = array<i32>} : memref<800x128xi32, #tpu.memory_space<vmem>>, vector<1x16xi32>,
        %get3A_1269 = vector.shape_cast %get3A_1268 : vector<1x16xi32> to vector<16xi32>
        %shift_left3A_1270 = arith.constant 16 : i32
        %shift_left3A_1271 = vector.broadcast %shift_left3A_1270 : i32 to vector<16xi32>
        %shift_left3A_1272 = arith.shli %get3A_1269, %shift_left3A_1271 : vector<16xi32>
        %bitcast_convert_type3A_1273 = tpu.bitcast %shift_left3A_1272 : vector<16xi32> -> vector<16xf32>
        %and3A_1274 = arith.andi %get3A_1269, %broadcast_in_dim3A_421 : vector<16xi32>
        %bitcast_convert_type3A_1275 = tpu.bitcast %and3A_1274 : vector<16xi32> -> vector<16xf32>
        %mul3A_1276 = arith.mulf %broadcast_in_dim3A_1257, %bitcast_convert_type3A_1273 : vector<16xf32>
        %add3A_1277 = arith.addf %add3A_1236, %mul3A_1276 : vector<16xf32>
        %mul3A_1278 = arith.mulf %broadcast_in_dim3A_1257, %bitcast_convert_type3A_1275 : vector<16xf32>
        %add3A_1279 = arith.addf %add3A_1238, %mul3A_1278 : vector<16xf32>
        %add3A_1280 = arith.constant 16 : i32
        %add3A_1281 = arith.addi %squeeze3A_1259, %add3A_1280 : i32
        %get3A_1282 = arith.index_cast %add3A_1263 : i32 to index
        %get3A_1283 = arith.index_cast %add3A_1281 : i32 to index
        %get3A_1284 = tpu.vector_load %arg11[%get3A_1282, %get3A_1283] {strides = array<i32>} : memref<800x128xi32, #tpu.memory_space<vmem>>, vector<1x16xi32>,
        %get3A_1285 = vector.shape_cast %get3A_1284 : vector<1x16xi32> to vector<16xi32>
        %shift_left3A_1286 = arith.constant 16 : i32
        %shift_left3A_1287 = vector.broadcast %shift_left3A_1286 : i32 to vector<16xi32>
        %shift_left3A_1288 = arith.shli %get3A_1285, %shift_left3A_1287 : vector<16xi32>
        %bitcast_convert_type3A_1289 = tpu.bitcast %shift_left3A_1288 : vector<16xi32> -> vector<16xf32>
        %and3A_1290 = arith.andi %get3A_1285, %broadcast_in_dim3A_421 : vector<16xi32>
        %bitcast_convert_type3A_1291 = tpu.bitcast %and3A_1290 : vector<16xi32> -> vector<16xf32>
        %mul3A_1292 = arith.mulf %broadcast_in_dim3A_1257, %bitcast_convert_type3A_1289 : vector<16xf32>
        %add3A_1293 = arith.addf %add3A_1252, %mul3A_1292 : vector<16xf32>
        %mul3A_1294 = arith.mulf %broadcast_in_dim3A_1257, %bitcast_convert_type3A_1291 : vector<16xf32>
        %add3A_1295 = arith.addf %add3A_1254, %mul3A_1294 : vector<16xf32>
        %slice3A_1296 = vector.extract_strided_slice %get3A_1122 {offsets = [4], sizes = [1], strides = [1]} : vector<16xf32> to vector<1xf32>
        %squeeze3A_1297 = vector.extract %slice3A_1296[0] : f32 from vector<1xf32>
        %broadcast_in_dim3A_1298 = vector.broadcast %squeeze3A_1297 : f32 to vector<16xf32>
        %slice3A_1299 = vector.extract_strided_slice %shift_left3A_1131 {offsets = [4], sizes = [1], strides = [1]} : vector<16xi32> to vector<1xi32>
        %squeeze3A_1300 = vector.extract %slice3A_1299[0] : i32 from vector<1xi32>
        %add3A_1301 = arith.constant 16 : i32
        %add3A_1302 = arith.addi %mul3A_448, %add3A_1301 : i32
        %add3A_1303 = arith.constant 4 : i32
        %add3A_1304 = arith.addi %add3A_1302, %add3A_1303 : i32
        %add3A_1305 = arith.constant 0 : i32
        %add3A_1306 = arith.addi %squeeze3A_1300, %add3A_1305 : i32
        %get3A_1307 = arith.index_cast %add3A_1304 : i32 to index
        %get3A_1308 = arith.index_cast %add3A_1306 : i32 to index
        %get3A_1309 = tpu.vector_load %arg11[%get3A_1307, %get3A_1308] {strides = array<i32>} : memref<800x128xi32, #tpu.memory_space<vmem>>, vector<1x16xi32>,
        %get3A_1310 = vector.shape_cast %get3A_1309 : vector<1x16xi32> to vector<16xi32>
        %shift_left3A_1311 = arith.constant 16 : i32
        %shift_left3A_1312 = vector.broadcast %shift_left3A_1311 : i32 to vector<16xi32>
        %shift_left3A_1313 = arith.shli %get3A_1310, %shift_left3A_1312 : vector<16xi32>
        %bitcast_convert_type3A_1314 = tpu.bitcast %shift_left3A_1313 : vector<16xi32> -> vector<16xf32>
        %and3A_1315 = arith.andi %get3A_1310, %broadcast_in_dim3A_421 : vector<16xi32>
        %bitcast_convert_type3A_1316 = tpu.bitcast %and3A_1315 : vector<16xi32> -> vector<16xf32>
        %mul3A_1317 = arith.mulf %broadcast_in_dim3A_1298, %bitcast_convert_type3A_1314 : vector<16xf32>
        %add3A_1318 = arith.addf %add3A_1277, %mul3A_1317 : vector<16xf32>
        %mul3A_1319 = arith.mulf %broadcast_in_dim3A_1298, %bitcast_convert_type3A_1316 : vector<16xf32>
        %add3A_1320 = arith.addf %add3A_1279, %mul3A_1319 : vector<16xf32>
        %add3A_1321 = arith.constant 16 : i32
        %add3A_1322 = arith.addi %squeeze3A_1300, %add3A_1321 : i32
        %get3A_1323 = arith.index_cast %add3A_1304 : i32 to index
        %get3A_1324 = arith.index_cast %add3A_1322 : i32 to index
        %get3A_1325 = tpu.vector_load %arg11[%get3A_1323, %get3A_1324] {strides = array<i32>} : memref<800x128xi32, #tpu.memory_space<vmem>>, vector<1x16xi32>,
        %get3A_1326 = vector.shape_cast %get3A_1325 : vector<1x16xi32> to vector<16xi32>
        %shift_left3A_1327 = arith.constant 16 : i32
        %shift_left3A_1328 = vector.broadcast %shift_left3A_1327 : i32 to vector<16xi32>
        %shift_left3A_1329 = arith.shli %get3A_1326, %shift_left3A_1328 : vector<16xi32>
        %bitcast_convert_type3A_1330 = tpu.bitcast %shift_left3A_1329 : vector<16xi32> -> vector<16xf32>
        %and3A_1331 = arith.andi %get3A_1326, %broadcast_in_dim3A_421 : vector<16xi32>
        %bitcast_convert_type3A_1332 = tpu.bitcast %and3A_1331 : vector<16xi32> -> vector<16xf32>
        %mul3A_1333 = arith.mulf %broadcast_in_dim3A_1298, %bitcast_convert_type3A_1330 : vector<16xf32>
        %add3A_1334 = arith.addf %add3A_1293, %mul3A_1333 : vector<16xf32>
        %mul3A_1335 = arith.mulf %broadcast_in_dim3A_1298, %bitcast_convert_type3A_1332 : vector<16xf32>
        %add3A_1336 = arith.addf %add3A_1295, %mul3A_1335 : vector<16xf32>
        %slice3A_1337 = vector.extract_strided_slice %get3A_1122 {offsets = [5], sizes = [1], strides = [1]} : vector<16xf32> to vector<1xf32>
        %squeeze3A_1338 = vector.extract %slice3A_1337[0] : f32 from vector<1xf32>
        %broadcast_in_dim3A_1339 = vector.broadcast %squeeze3A_1338 : f32 to vector<16xf32>
        %slice3A_1340 = vector.extract_strided_slice %shift_left3A_1131 {offsets = [5], sizes = [1], strides = [1]} : vector<16xi32> to vector<1xi32>
        %squeeze3A_1341 = vector.extract %slice3A_1340[0] : i32 from vector<1xi32>
        %add3A_1342 = arith.constant 16 : i32
        %add3A_1343 = arith.addi %mul3A_448, %add3A_1342 : i32
        %add3A_1344 = arith.constant 5 : i32
        %add3A_1345 = arith.addi %add3A_1343, %add3A_1344 : i32
        %add3A_1346 = arith.constant 0 : i32
        %add3A_1347 = arith.addi %squeeze3A_1341, %add3A_1346 : i32
        %get3A_1348 = arith.index_cast %add3A_1345 : i32 to index
        %get3A_1349 = arith.index_cast %add3A_1347 : i32 to index
        %get3A_1350 = tpu.vector_load %arg11[%get3A_1348, %get3A_1349] {strides = array<i32>} : memref<800x128xi32, #tpu.memory_space<vmem>>, vector<1x16xi32>,
        %get3A_1351 = vector.shape_cast %get3A_1350 : vector<1x16xi32> to vector<16xi32>
        %shift_left3A_1352 = arith.constant 16 : i32
        %shift_left3A_1353 = vector.broadcast %shift_left3A_1352 : i32 to vector<16xi32>
        %shift_left3A_1354 = arith.shli %get3A_1351, %shift_left3A_1353 : vector<16xi32>
        %bitcast_convert_type3A_1355 = tpu.bitcast %shift_left3A_1354 : vector<16xi32> -> vector<16xf32>
        %and3A_1356 = arith.andi %get3A_1351, %broadcast_in_dim3A_421 : vector<16xi32>
        %bitcast_convert_type3A_1357 = tpu.bitcast %and3A_1356 : vector<16xi32> -> vector<16xf32>
        %mul3A_1358 = arith.mulf %broadcast_in_dim3A_1339, %bitcast_convert_type3A_1355 : vector<16xf32>
        %add3A_1359 = arith.addf %add3A_1318, %mul3A_1358 : vector<16xf32>
        %mul3A_1360 = arith.mulf %broadcast_in_dim3A_1339, %bitcast_convert_type3A_1357 : vector<16xf32>
        %add3A_1361 = arith.addf %add3A_1320, %mul3A_1360 : vector<16xf32>
        %add3A_1362 = arith.constant 16 : i32
        %add3A_1363 = arith.addi %squeeze3A_1341, %add3A_1362 : i32
        %get3A_1364 = arith.index_cast %add3A_1345 : i32 to index
        %get3A_1365 = arith.index_cast %add3A_1363 : i32 to index
        %get3A_1366 = tpu.vector_load %arg11[%get3A_1364, %get3A_1365] {strides = array<i32>} : memref<800x128xi32, #tpu.memory_space<vmem>>, vector<1x16xi32>,
        %get3A_1367 = vector.shape_cast %get3A_1366 : vector<1x16xi32> to vector<16xi32>
        %shift_left3A_1368 = arith.constant 16 : i32
        %shift_left3A_1369 = vector.broadcast %shift_left3A_1368 : i32 to vector<16xi32>
        %shift_left3A_1370 = arith.shli %get3A_1367, %shift_left3A_1369 : vector<16xi32>
        %bitcast_convert_type3A_1371 = tpu.bitcast %shift_left3A_1370 : vector<16xi32> -> vector<16xf32>
        %and3A_1372 = arith.andi %get3A_1367, %broadcast_in_dim3A_421 : vector<16xi32>
        %bitcast_convert_type3A_1373 = tpu.bitcast %and3A_1372 : vector<16xi32> -> vector<16xf32>
        %mul3A_1374 = arith.mulf %broadcast_in_dim3A_1339, %bitcast_convert_type3A_1371 : vector<16xf32>
        %add3A_1375 = arith.addf %add3A_1334, %mul3A_1374 : vector<16xf32>
        %mul3A_1376 = arith.mulf %broadcast_in_dim3A_1339, %bitcast_convert_type3A_1373 : vector<16xf32>
        %add3A_1377 = arith.addf %add3A_1336, %mul3A_1376 : vector<16xf32>
        %slice3A_1378 = vector.extract_strided_slice %get3A_1122 {offsets = [6], sizes = [1], strides = [1]} : vector<16xf32> to vector<1xf32>
        %squeeze3A_1379 = vector.extract %slice3A_1378[0] : f32 from vector<1xf32>
        %broadcast_in_dim3A_1380 = vector.broadcast %squeeze3A_1379 : f32 to vector<16xf32>
        %slice3A_1381 = vector.extract_strided_slice %shift_left3A_1131 {offsets = [6], sizes = [1], strides = [1]} : vector<16xi32> to vector<1xi32>
        %squeeze3A_1382 = vector.extract %slice3A_1381[0] : i32 from vector<1xi32>
        %add3A_1383 = arith.constant 16 : i32
        %add3A_1384 = arith.addi %mul3A_448, %add3A_1383 : i32
        %add3A_1385 = arith.constant 6 : i32
        %add3A_1386 = arith.addi %add3A_1384, %add3A_1385 : i32
        %add3A_1387 = arith.constant 0 : i32
        %add3A_1388 = arith.addi %squeeze3A_1382, %add3A_1387 : i32
        %get3A_1389 = arith.index_cast %add3A_1386 : i32 to index
        %get3A_1390 = arith.index_cast %add3A_1388 : i32 to index
        %get3A_1391 = tpu.vector_load %arg11[%get3A_1389, %get3A_1390] {strides = array<i32>} : memref<800x128xi32, #tpu.memory_space<vmem>>, vector<1x16xi32>,
        %get3A_1392 = vector.shape_cast %get3A_1391 : vector<1x16xi32> to vector<16xi32>
        %shift_left3A_1393 = arith.constant 16 : i32
        %shift_left3A_1394 = vector.broadcast %shift_left3A_1393 : i32 to vector<16xi32>
        %shift_left3A_1395 = arith.shli %get3A_1392, %shift_left3A_1394 : vector<16xi32>
        %bitcast_convert_type3A_1396 = tpu.bitcast %shift_left3A_1395 : vector<16xi32> -> vector<16xf32>
        %and3A_1397 = arith.andi %get3A_1392, %broadcast_in_dim3A_421 : vector<16xi32>
        %bitcast_convert_type3A_1398 = tpu.bitcast %and3A_1397 : vector<16xi32> -> vector<16xf32>
        %mul3A_1399 = arith.mulf %broadcast_in_dim3A_1380, %bitcast_convert_type3A_1396 : vector<16xf32>
        %add3A_1400 = arith.addf %add3A_1359, %mul3A_1399 : vector<16xf32>
        %mul3A_1401 = arith.mulf %broadcast_in_dim3A_1380, %bitcast_convert_type3A_1398 : vector<16xf32>
        %add3A_1402 = arith.addf %add3A_1361, %mul3A_1401 : vector<16xf32>
        %add3A_1403 = arith.constant 16 : i32
        %add3A_1404 = arith.addi %squeeze3A_1382, %add3A_1403 : i32
        %get3A_1405 = arith.index_cast %add3A_1386 : i32 to index
        %get3A_1406 = arith.index_cast %add3A_1404 : i32 to index
        %get3A_1407 = tpu.vector_load %arg11[%get3A_1405, %get3A_1406] {strides = array<i32>} : memref<800x128xi32, #tpu.memory_space<vmem>>, vector<1x16xi32>,
        %get3A_1408 = vector.shape_cast %get3A_1407 : vector<1x16xi32> to vector<16xi32>
        %shift_left3A_1409 = arith.constant 16 : i32
        %shift_left3A_1410 = vector.broadcast %shift_left3A_1409 : i32 to vector<16xi32>
        %shift_left3A_1411 = arith.shli %get3A_1408, %shift_left3A_1410 : vector<16xi32>
        %bitcast_convert_type3A_1412 = tpu.bitcast %shift_left3A_1411 : vector<16xi32> -> vector<16xf32>
        %and3A_1413 = arith.andi %get3A_1408, %broadcast_in_dim3A_421 : vector<16xi32>
        %bitcast_convert_type3A_1414 = tpu.bitcast %and3A_1413 : vector<16xi32> -> vector<16xf32>
        %mul3A_1415 = arith.mulf %broadcast_in_dim3A_1380, %bitcast_convert_type3A_1412 : vector<16xf32>
        %add3A_1416 = arith.addf %add3A_1375, %mul3A_1415 : vector<16xf32>
        %mul3A_1417 = arith.mulf %broadcast_in_dim3A_1380, %bitcast_convert_type3A_1414 : vector<16xf32>
        %add3A_1418 = arith.addf %add3A_1377, %mul3A_1417 : vector<16xf32>
        %slice3A_1419 = vector.extract_strided_slice %get3A_1122 {offsets = [7], sizes = [1], strides = [1]} : vector<16xf32> to vector<1xf32>
        %squeeze3A_1420 = vector.extract %slice3A_1419[0] : f32 from vector<1xf32>
        %broadcast_in_dim3A_1421 = vector.broadcast %squeeze3A_1420 : f32 to vector<16xf32>
        %slice3A_1422 = vector.extract_strided_slice %shift_left3A_1131 {offsets = [7], sizes = [1], strides = [1]} : vector<16xi32> to vector<1xi32>
        %squeeze3A_1423 = vector.extract %slice3A_1422[0] : i32 from vector<1xi32>
        %add3A_1424 = arith.constant 16 : i32
        %add3A_1425 = arith.addi %mul3A_448, %add3A_1424 : i32
        %add3A_1426 = arith.constant 7 : i32
        %add3A_1427 = arith.addi %add3A_1425, %add3A_1426 : i32
        %add3A_1428 = arith.constant 0 : i32
        %add3A_1429 = arith.addi %squeeze3A_1423, %add3A_1428 : i32
        %get3A_1430 = arith.index_cast %add3A_1427 : i32 to index
        %get3A_1431 = arith.index_cast %add3A_1429 : i32 to index
        %get3A_1432 = tpu.vector_load %arg11[%get3A_1430, %get3A_1431] {strides = array<i32>} : memref<800x128xi32, #tpu.memory_space<vmem>>, vector<1x16xi32>,
        %get3A_1433 = vector.shape_cast %get3A_1432 : vector<1x16xi32> to vector<16xi32>
        %shift_left3A_1434 = arith.constant 16 : i32
        %shift_left3A_1435 = vector.broadcast %shift_left3A_1434 : i32 to vector<16xi32>
        %shift_left3A_1436 = arith.shli %get3A_1433, %shift_left3A_1435 : vector<16xi32>
        %bitcast_convert_type3A_1437 = tpu.bitcast %shift_left3A_1436 : vector<16xi32> -> vector<16xf32>
        %and3A_1438 = arith.andi %get3A_1433, %broadcast_in_dim3A_421 : vector<16xi32>
        %bitcast_convert_type3A_1439 = tpu.bitcast %and3A_1438 : vector<16xi32> -> vector<16xf32>
        %mul3A_1440 = arith.mulf %broadcast_in_dim3A_1421, %bitcast_convert_type3A_1437 : vector<16xf32>
        %add3A_1441 = arith.addf %add3A_1400, %mul3A_1440 : vector<16xf32>
        %mul3A_1442 = arith.mulf %broadcast_in_dim3A_1421, %bitcast_convert_type3A_1439 : vector<16xf32>
        %add3A_1443 = arith.addf %add3A_1402, %mul3A_1442 : vector<16xf32>
        %add3A_1444 = arith.constant 16 : i32
        %add3A_1445 = arith.addi %squeeze3A_1423, %add3A_1444 : i32
        %get3A_1446 = arith.index_cast %add3A_1427 : i32 to index
        %get3A_1447 = arith.index_cast %add3A_1445 : i32 to index
        %get3A_1448 = tpu.vector_load %arg11[%get3A_1446, %get3A_1447] {strides = array<i32>} : memref<800x128xi32, #tpu.memory_space<vmem>>, vector<1x16xi32>,
        %get3A_1449 = vector.shape_cast %get3A_1448 : vector<1x16xi32> to vector<16xi32>
        %shift_left3A_1450 = arith.constant 16 : i32
        %shift_left3A_1451 = vector.broadcast %shift_left3A_1450 : i32 to vector<16xi32>
        %shift_left3A_1452 = arith.shli %get3A_1449, %shift_left3A_1451 : vector<16xi32>
        %bitcast_convert_type3A_1453 = tpu.bitcast %shift_left3A_1452 : vector<16xi32> -> vector<16xf32>
        %and3A_1454 = arith.andi %get3A_1449, %broadcast_in_dim3A_421 : vector<16xi32>
        %bitcast_convert_type3A_1455 = tpu.bitcast %and3A_1454 : vector<16xi32> -> vector<16xf32>
        %mul3A_1456 = arith.mulf %broadcast_in_dim3A_1421, %bitcast_convert_type3A_1453 : vector<16xf32>
        %add3A_1457 = arith.addf %add3A_1416, %mul3A_1456 : vector<16xf32>
        %mul3A_1458 = arith.mulf %broadcast_in_dim3A_1421, %bitcast_convert_type3A_1455 : vector<16xf32>
        %add3A_1459 = arith.addf %add3A_1418, %mul3A_1458 : vector<16xf32>
        %slice3A_1460 = vector.extract_strided_slice %get3A_1122 {offsets = [8], sizes = [1], strides = [1]} : vector<16xf32> to vector<1xf32>
        %squeeze3A_1461 = vector.extract %slice3A_1460[0] : f32 from vector<1xf32>
        %broadcast_in_dim3A_1462 = vector.broadcast %squeeze3A_1461 : f32 to vector<16xf32>
        %slice3A_1463 = vector.extract_strided_slice %shift_left3A_1131 {offsets = [8], sizes = [1], strides = [1]} : vector<16xi32> to vector<1xi32>
        %squeeze3A_1464 = vector.extract %slice3A_1463[0] : i32 from vector<1xi32>
        %add3A_1465 = arith.constant 16 : i32
        %add3A_1466 = arith.addi %mul3A_448, %add3A_1465 : i32
        %add3A_1467 = arith.constant 8 : i32
        %add3A_1468 = arith.addi %add3A_1466, %add3A_1467 : i32
        %add3A_1469 = arith.constant 0 : i32
        %add3A_1470 = arith.addi %squeeze3A_1464, %add3A_1469 : i32
        %get3A_1471 = arith.index_cast %add3A_1468 : i32 to index
        %get3A_1472 = arith.index_cast %add3A_1470 : i32 to index
        %get3A_1473 = tpu.vector_load %arg11[%get3A_1471, %get3A_1472] {strides = array<i32>} : memref<800x128xi32, #tpu.memory_space<vmem>>, vector<1x16xi32>,
        %get3A_1474 = vector.shape_cast %get3A_1473 : vector<1x16xi32> to vector<16xi32>
        %shift_left3A_1475 = arith.constant 16 : i32
        %shift_left3A_1476 = vector.broadcast %shift_left3A_1475 : i32 to vector<16xi32>
        %shift_left3A_1477 = arith.shli %get3A_1474, %shift_left3A_1476 : vector<16xi32>
        %bitcast_convert_type3A_1478 = tpu.bitcast %shift_left3A_1477 : vector<16xi32> -> vector<16xf32>
        %and3A_1479 = arith.andi %get3A_1474, %broadcast_in_dim3A_421 : vector<16xi32>
        %bitcast_convert_type3A_1480 = tpu.bitcast %and3A_1479 : vector<16xi32> -> vector<16xf32>
        %mul3A_1481 = arith.mulf %broadcast_in_dim3A_1462, %bitcast_convert_type3A_1478 : vector<16xf32>
        %add3A_1482 = arith.addf %add3A_1441, %mul3A_1481 : vector<16xf32>
        %mul3A_1483 = arith.mulf %broadcast_in_dim3A_1462, %bitcast_convert_type3A_1480 : vector<16xf32>
        %add3A_1484 = arith.addf %add3A_1443, %mul3A_1483 : vector<16xf32>
        %add3A_1485 = arith.constant 16 : i32
        %add3A_1486 = arith.addi %squeeze3A_1464, %add3A_1485 : i32
        %get3A_1487 = arith.index_cast %add3A_1468 : i32 to index
        %get3A_1488 = arith.index_cast %add3A_1486 : i32 to index
        %get3A_1489 = tpu.vector_load %arg11[%get3A_1487, %get3A_1488] {strides = array<i32>} : memref<800x128xi32, #tpu.memory_space<vmem>>, vector<1x16xi32>,
        %get3A_1490 = vector.shape_cast %get3A_1489 : vector<1x16xi32> to vector<16xi32>
        %shift_left3A_1491 = arith.constant 16 : i32
        %shift_left3A_1492 = vector.broadcast %shift_left3A_1491 : i32 to vector<16xi32>
        %shift_left3A_1493 = arith.shli %get3A_1490, %shift_left3A_1492 : vector<16xi32>
        %bitcast_convert_type3A_1494 = tpu.bitcast %shift_left3A_1493 : vector<16xi32> -> vector<16xf32>
        %and3A_1495 = arith.andi %get3A_1490, %broadcast_in_dim3A_421 : vector<16xi32>
        %bitcast_convert_type3A_1496 = tpu.bitcast %and3A_1495 : vector<16xi32> -> vector<16xf32>
        %mul3A_1497 = arith.mulf %broadcast_in_dim3A_1462, %bitcast_convert_type3A_1494 : vector<16xf32>
        %add3A_1498 = arith.addf %add3A_1457, %mul3A_1497 : vector<16xf32>
        %mul3A_1499 = arith.mulf %broadcast_in_dim3A_1462, %bitcast_convert_type3A_1496 : vector<16xf32>
        %add3A_1500 = arith.addf %add3A_1459, %mul3A_1499 : vector<16xf32>
        %slice3A_1501 = vector.extract_strided_slice %get3A_1122 {offsets = [9], sizes = [1], strides = [1]} : vector<16xf32> to vector<1xf32>
        %squeeze3A_1502 = vector.extract %slice3A_1501[0] : f32 from vector<1xf32>
        %broadcast_in_dim3A_1503 = vector.broadcast %squeeze3A_1502 : f32 to vector<16xf32>
        %slice3A_1504 = vector.extract_strided_slice %shift_left3A_1131 {offsets = [9], sizes = [1], strides = [1]} : vector<16xi32> to vector<1xi32>
        %squeeze3A_1505 = vector.extract %slice3A_1504[0] : i32 from vector<1xi32>
        %add3A_1506 = arith.constant 16 : i32
        %add3A_1507 = arith.addi %mul3A_448, %add3A_1506 : i32
        %add3A_1508 = arith.constant 9 : i32
        %add3A_1509 = arith.addi %add3A_1507, %add3A_1508 : i32
        %add3A_1510 = arith.constant 0 : i32
        %add3A_1511 = arith.addi %squeeze3A_1505, %add3A_1510 : i32
        %get3A_1512 = arith.index_cast %add3A_1509 : i32 to index
        %get3A_1513 = arith.index_cast %add3A_1511 : i32 to index
        %get3A_1514 = tpu.vector_load %arg11[%get3A_1512, %get3A_1513] {strides = array<i32>} : memref<800x128xi32, #tpu.memory_space<vmem>>, vector<1x16xi32>,
        %get3A_1515 = vector.shape_cast %get3A_1514 : vector<1x16xi32> to vector<16xi32>
        %shift_left3A_1516 = arith.constant 16 : i32
        %shift_left3A_1517 = vector.broadcast %shift_left3A_1516 : i32 to vector<16xi32>
        %shift_left3A_1518 = arith.shli %get3A_1515, %shift_left3A_1517 : vector<16xi32>
        %bitcast_convert_type3A_1519 = tpu.bitcast %shift_left3A_1518 : vector<16xi32> -> vector<16xf32>
        %and3A_1520 = arith.andi %get3A_1515, %broadcast_in_dim3A_421 : vector<16xi32>
        %bitcast_convert_type3A_1521 = tpu.bitcast %and3A_1520 : vector<16xi32> -> vector<16xf32>
        %mul3A_1522 = arith.mulf %broadcast_in_dim3A_1503, %bitcast_convert_type3A_1519 : vector<16xf32>
        %add3A_1523 = arith.addf %add3A_1482, %mul3A_1522 : vector<16xf32>
        %mul3A_1524 = arith.mulf %broadcast_in_dim3A_1503, %bitcast_convert_type3A_1521 : vector<16xf32>
        %add3A_1525 = arith.addf %add3A_1484, %mul3A_1524 : vector<16xf32>
        %add3A_1526 = arith.constant 16 : i32
        %add3A_1527 = arith.addi %squeeze3A_1505, %add3A_1526 : i32
        %get3A_1528 = arith.index_cast %add3A_1509 : i32 to index
        %get3A_1529 = arith.index_cast %add3A_1527 : i32 to index
        %get3A_1530 = tpu.vector_load %arg11[%get3A_1528, %get3A_1529] {strides = array<i32>} : memref<800x128xi32, #tpu.memory_space<vmem>>, vector<1x16xi32>,
        %get3A_1531 = vector.shape_cast %get3A_1530 : vector<1x16xi32> to vector<16xi32>
        %shift_left3A_1532 = arith.constant 16 : i32
        %shift_left3A_1533 = vector.broadcast %shift_left3A_1532 : i32 to vector<16xi32>
        %shift_left3A_1534 = arith.shli %get3A_1531, %shift_left3A_1533 : vector<16xi32>
        %bitcast_convert_type3A_1535 = tpu.bitcast %shift_left3A_1534 : vector<16xi32> -> vector<16xf32>
        %and3A_1536 = arith.andi %get3A_1531, %broadcast_in_dim3A_421 : vector<16xi32>
        %bitcast_convert_type3A_1537 = tpu.bitcast %and3A_1536 : vector<16xi32> -> vector<16xf32>
        %mul3A_1538 = arith.mulf %broadcast_in_dim3A_1503, %bitcast_convert_type3A_1535 : vector<16xf32>
        %add3A_1539 = arith.addf %add3A_1498, %mul3A_1538 : vector<16xf32>
        %mul3A_1540 = arith.mulf %broadcast_in_dim3A_1503, %bitcast_convert_type3A_1537 : vector<16xf32>
        %add3A_1541 = arith.addf %add3A_1500, %mul3A_1540 : vector<16xf32>
        %slice3A_1542 = vector.extract_strided_slice %get3A_1122 {offsets = [10], sizes = [1], strides = [1]} : vector<16xf32> to vector<1xf32>
        %squeeze3A_1543 = vector.extract %slice3A_1542[0] : f32 from vector<1xf32>
        %broadcast_in_dim3A_1544 = vector.broadcast %squeeze3A_1543 : f32 to vector<16xf32>
        %slice3A_1545 = vector.extract_strided_slice %shift_left3A_1131 {offsets = [10], sizes = [1], strides = [1]} : vector<16xi32> to vector<1xi32>
        %squeeze3A_1546 = vector.extract %slice3A_1545[0] : i32 from vector<1xi32>
        %add3A_1547 = arith.constant 16 : i32
        %add3A_1548 = arith.addi %mul3A_448, %add3A_1547 : i32
        %add3A_1549 = arith.constant 10 : i32
        %add3A_1550 = arith.addi %add3A_1548, %add3A_1549 : i32
        %add3A_1551 = arith.constant 0 : i32
        %add3A_1552 = arith.addi %squeeze3A_1546, %add3A_1551 : i32
        %get3A_1553 = arith.index_cast %add3A_1550 : i32 to index
        %get3A_1554 = arith.index_cast %add3A_1552 : i32 to index
        %get3A_1555 = tpu.vector_load %arg11[%get3A_1553, %get3A_1554] {strides = array<i32>} : memref<800x128xi32, #tpu.memory_space<vmem>>, vector<1x16xi32>,
        %get3A_1556 = vector.shape_cast %get3A_1555 : vector<1x16xi32> to vector<16xi32>
        %shift_left3A_1557 = arith.constant 16 : i32
        %shift_left3A_1558 = vector.broadcast %shift_left3A_1557 : i32 to vector<16xi32>
        %shift_left3A_1559 = arith.shli %get3A_1556, %shift_left3A_1558 : vector<16xi32>
        %bitcast_convert_type3A_1560 = tpu.bitcast %shift_left3A_1559 : vector<16xi32> -> vector<16xf32>
        %and3A_1561 = arith.andi %get3A_1556, %broadcast_in_dim3A_421 : vector<16xi32>
        %bitcast_convert_type3A_1562 = tpu.bitcast %and3A_1561 : vector<16xi32> -> vector<16xf32>
        %mul3A_1563 = arith.mulf %broadcast_in_dim3A_1544, %bitcast_convert_type3A_1560 : vector<16xf32>
        %add3A_1564 = arith.addf %add3A_1523, %mul3A_1563 : vector<16xf32>
        %mul3A_1565 = arith.mulf %broadcast_in_dim3A_1544, %bitcast_convert_type3A_1562 : vector<16xf32>
        %add3A_1566 = arith.addf %add3A_1525, %mul3A_1565 : vector<16xf32>
        %add3A_1567 = arith.constant 16 : i32
        %add3A_1568 = arith.addi %squeeze3A_1546, %add3A_1567 : i32
        %get3A_1569 = arith.index_cast %add3A_1550 : i32 to index
        %get3A_1570 = arith.index_cast %add3A_1568 : i32 to index
        %get3A_1571 = tpu.vector_load %arg11[%get3A_1569, %get3A_1570] {strides = array<i32>} : memref<800x128xi32, #tpu.memory_space<vmem>>, vector<1x16xi32>,
        %get3A_1572 = vector.shape_cast %get3A_1571 : vector<1x16xi32> to vector<16xi32>
        %shift_left3A_1573 = arith.constant 16 : i32
        %shift_left3A_1574 = vector.broadcast %shift_left3A_1573 : i32 to vector<16xi32>
        %shift_left3A_1575 = arith.shli %get3A_1572, %shift_left3A_1574 : vector<16xi32>
        %bitcast_convert_type3A_1576 = tpu.bitcast %shift_left3A_1575 : vector<16xi32> -> vector<16xf32>
        %and3A_1577 = arith.andi %get3A_1572, %broadcast_in_dim3A_421 : vector<16xi32>
        %bitcast_convert_type3A_1578 = tpu.bitcast %and3A_1577 : vector<16xi32> -> vector<16xf32>
        %mul3A_1579 = arith.mulf %broadcast_in_dim3A_1544, %bitcast_convert_type3A_1576 : vector<16xf32>
        %add3A_1580 = arith.addf %add3A_1539, %mul3A_1579 : vector<16xf32>
        %mul3A_1581 = arith.mulf %broadcast_in_dim3A_1544, %bitcast_convert_type3A_1578 : vector<16xf32>
        %add3A_1582 = arith.addf %add3A_1541, %mul3A_1581 : vector<16xf32>
        %slice3A_1583 = vector.extract_strided_slice %get3A_1122 {offsets = [11], sizes = [1], strides = [1]} : vector<16xf32> to vector<1xf32>
        %squeeze3A_1584 = vector.extract %slice3A_1583[0] : f32 from vector<1xf32>
        %broadcast_in_dim3A_1585 = vector.broadcast %squeeze3A_1584 : f32 to vector<16xf32>
        %slice3A_1586 = vector.extract_strided_slice %shift_left3A_1131 {offsets = [11], sizes = [1], strides = [1]} : vector<16xi32> to vector<1xi32>
        %squeeze3A_1587 = vector.extract %slice3A_1586[0] : i32 from vector<1xi32>
        %add3A_1588 = arith.constant 16 : i32
        %add3A_1589 = arith.addi %mul3A_448, %add3A_1588 : i32
        %add3A_1590 = arith.constant 11 : i32
        %add3A_1591 = arith.addi %add3A_1589, %add3A_1590 : i32
        %add3A_1592 = arith.constant 0 : i32
        %add3A_1593 = arith.addi %squeeze3A_1587, %add3A_1592 : i32
        %get3A_1594 = arith.index_cast %add3A_1591 : i32 to index
        %get3A_1595 = arith.index_cast %add3A_1593 : i32 to index
        %get3A_1596 = tpu.vector_load %arg11[%get3A_1594, %get3A_1595] {strides = array<i32>} : memref<800x128xi32, #tpu.memory_space<vmem>>, vector<1x16xi32>,
        %get3A_1597 = vector.shape_cast %get3A_1596 : vector<1x16xi32> to vector<16xi32>
        %shift_left3A_1598 = arith.constant 16 : i32
        %shift_left3A_1599 = vector.broadcast %shift_left3A_1598 : i32 to vector<16xi32>
        %shift_left3A_1600 = arith.shli %get3A_1597, %shift_left3A_1599 : vector<16xi32>
        %bitcast_convert_type3A_1601 = tpu.bitcast %shift_left3A_1600 : vector<16xi32> -> vector<16xf32>
        %and3A_1602 = arith.andi %get3A_1597, %broadcast_in_dim3A_421 : vector<16xi32>
        %bitcast_convert_type3A_1603 = tpu.bitcast %and3A_1602 : vector<16xi32> -> vector<16xf32>
        %mul3A_1604 = arith.mulf %broadcast_in_dim3A_1585, %bitcast_convert_type3A_1601 : vector<16xf32>
        %add3A_1605 = arith.addf %add3A_1564, %mul3A_1604 : vector<16xf32>
        %mul3A_1606 = arith.mulf %broadcast_in_dim3A_1585, %bitcast_convert_type3A_1603 : vector<16xf32>
        %add3A_1607 = arith.addf %add3A_1566, %mul3A_1606 : vector<16xf32>
        %add3A_1608 = arith.constant 16 : i32
        %add3A_1609 = arith.addi %squeeze3A_1587, %add3A_1608 : i32
        %get3A_1610 = arith.index_cast %add3A_1591 : i32 to index
        %get3A_1611 = arith.index_cast %add3A_1609 : i32 to index
        %get3A_1612 = tpu.vector_load %arg11[%get3A_1610, %get3A_1611] {strides = array<i32>} : memref<800x128xi32, #tpu.memory_space<vmem>>, vector<1x16xi32>,
        %get3A_1613 = vector.shape_cast %get3A_1612 : vector<1x16xi32> to vector<16xi32>
        %shift_left3A_1614 = arith.constant 16 : i32
        %shift_left3A_1615 = vector.broadcast %shift_left3A_1614 : i32 to vector<16xi32>
        %shift_left3A_1616 = arith.shli %get3A_1613, %shift_left3A_1615 : vector<16xi32>
        %bitcast_convert_type3A_1617 = tpu.bitcast %shift_left3A_1616 : vector<16xi32> -> vector<16xf32>
        %and3A_1618 = arith.andi %get3A_1613, %broadcast_in_dim3A_421 : vector<16xi32>
        %bitcast_convert_type3A_1619 = tpu.bitcast %and3A_1618 : vector<16xi32> -> vector<16xf32>
        %mul3A_1620 = arith.mulf %broadcast_in_dim3A_1585, %bitcast_convert_type3A_1617 : vector<16xf32>
        %add3A_1621 = arith.addf %add3A_1580, %mul3A_1620 : vector<16xf32>
        %mul3A_1622 = arith.mulf %broadcast_in_dim3A_1585, %bitcast_convert_type3A_1619 : vector<16xf32>
        %add3A_1623 = arith.addf %add3A_1582, %mul3A_1622 : vector<16xf32>
        %slice3A_1624 = vector.extract_strided_slice %get3A_1122 {offsets = [12], sizes = [1], strides = [1]} : vector<16xf32> to vector<1xf32>
        %squeeze3A_1625 = vector.extract %slice3A_1624[0] : f32 from vector<1xf32>
        %broadcast_in_dim3A_1626 = vector.broadcast %squeeze3A_1625 : f32 to vector<16xf32>
        %slice3A_1627 = vector.extract_strided_slice %shift_left3A_1131 {offsets = [12], sizes = [1], strides = [1]} : vector<16xi32> to vector<1xi32>
        %squeeze3A_1628 = vector.extract %slice3A_1627[0] : i32 from vector<1xi32>
        %add3A_1629 = arith.constant 16 : i32
        %add3A_1630 = arith.addi %mul3A_448, %add3A_1629 : i32
        %add3A_1631 = arith.constant 12 : i32
        %add3A_1632 = arith.addi %add3A_1630, %add3A_1631 : i32
        %add3A_1633 = arith.constant 0 : i32
        %add3A_1634 = arith.addi %squeeze3A_1628, %add3A_1633 : i32
        %get3A_1635 = arith.index_cast %add3A_1632 : i32 to index
        %get3A_1636 = arith.index_cast %add3A_1634 : i32 to index
        %get3A_1637 = tpu.vector_load %arg11[%get3A_1635, %get3A_1636] {strides = array<i32>} : memref<800x128xi32, #tpu.memory_space<vmem>>, vector<1x16xi32>,
        %get3A_1638 = vector.shape_cast %get3A_1637 : vector<1x16xi32> to vector<16xi32>
        %shift_left3A_1639 = arith.constant 16 : i32
        %shift_left3A_1640 = vector.broadcast %shift_left3A_1639 : i32 to vector<16xi32>
        %shift_left3A_1641 = arith.shli %get3A_1638, %shift_left3A_1640 : vector<16xi32>
        %bitcast_convert_type3A_1642 = tpu.bitcast %shift_left3A_1641 : vector<16xi32> -> vector<16xf32>
        %and3A_1643 = arith.andi %get3A_1638, %broadcast_in_dim3A_421 : vector<16xi32>
        %bitcast_convert_type3A_1644 = tpu.bitcast %and3A_1643 : vector<16xi32> -> vector<16xf32>
        %mul3A_1645 = arith.mulf %broadcast_in_dim3A_1626, %bitcast_convert_type3A_1642 : vector<16xf32>
        %add3A_1646 = arith.addf %add3A_1605, %mul3A_1645 : vector<16xf32>
        %mul3A_1647 = arith.mulf %broadcast_in_dim3A_1626, %bitcast_convert_type3A_1644 : vector<16xf32>
        %add3A_1648 = arith.addf %add3A_1607, %mul3A_1647 : vector<16xf32>
        %add3A_1649 = arith.constant 16 : i32
        %add3A_1650 = arith.addi %squeeze3A_1628, %add3A_1649 : i32
        %get3A_1651 = arith.index_cast %add3A_1632 : i32 to index
        %get3A_1652 = arith.index_cast %add3A_1650 : i32 to index
        %get3A_1653 = tpu.vector_load %arg11[%get3A_1651, %get3A_1652] {strides = array<i32>} : memref<800x128xi32, #tpu.memory_space<vmem>>, vector<1x16xi32>,
        %get3A_1654 = vector.shape_cast %get3A_1653 : vector<1x16xi32> to vector<16xi32>
        %shift_left3A_1655 = arith.constant 16 : i32
        %shift_left3A_1656 = vector.broadcast %shift_left3A_1655 : i32 to vector<16xi32>
        %shift_left3A_1657 = arith.shli %get3A_1654, %shift_left3A_1656 : vector<16xi32>
        %bitcast_convert_type3A_1658 = tpu.bitcast %shift_left3A_1657 : vector<16xi32> -> vector<16xf32>
        %and3A_1659 = arith.andi %get3A_1654, %broadcast_in_dim3A_421 : vector<16xi32>
        %bitcast_convert_type3A_1660 = tpu.bitcast %and3A_1659 : vector<16xi32> -> vector<16xf32>
        %mul3A_1661 = arith.mulf %broadcast_in_dim3A_1626, %bitcast_convert_type3A_1658 : vector<16xf32>
        %add3A_1662 = arith.addf %add3A_1621, %mul3A_1661 : vector<16xf32>
        %mul3A_1663 = arith.mulf %broadcast_in_dim3A_1626, %bitcast_convert_type3A_1660 : vector<16xf32>
        %add3A_1664 = arith.addf %add3A_1623, %mul3A_1663 : vector<16xf32>
        %slice3A_1665 = vector.extract_strided_slice %get3A_1122 {offsets = [13], sizes = [1], strides = [1]} : vector<16xf32> to vector<1xf32>
        %squeeze3A_1666 = vector.extract %slice3A_1665[0] : f32 from vector<1xf32>
        %broadcast_in_dim3A_1667 = vector.broadcast %squeeze3A_1666 : f32 to vector<16xf32>
        %slice3A_1668 = vector.extract_strided_slice %shift_left3A_1131 {offsets = [13], sizes = [1], strides = [1]} : vector<16xi32> to vector<1xi32>
        %squeeze3A_1669 = vector.extract %slice3A_1668[0] : i32 from vector<1xi32>
        %add3A_1670 = arith.constant 16 : i32
        %add3A_1671 = arith.addi %mul3A_448, %add3A_1670 : i32
        %add3A_1672 = arith.constant 13 : i32
        %add3A_1673 = arith.addi %add3A_1671, %add3A_1672 : i32
        %add3A_1674 = arith.constant 0 : i32
        %add3A_1675 = arith.addi %squeeze3A_1669, %add3A_1674 : i32
        %get3A_1676 = arith.index_cast %add3A_1673 : i32 to index
        %get3A_1677 = arith.index_cast %add3A_1675 : i32 to index
        %get3A_1678 = tpu.vector_load %arg11[%get3A_1676, %get3A_1677] {strides = array<i32>} : memref<800x128xi32, #tpu.memory_space<vmem>>, vector<1x16xi32>,
        %get3A_1679 = vector.shape_cast %get3A_1678 : vector<1x16xi32> to vector<16xi32>
        %shift_left3A_1680 = arith.constant 16 : i32
        %shift_left3A_1681 = vector.broadcast %shift_left3A_1680 : i32 to vector<16xi32>
        %shift_left3A_1682 = arith.shli %get3A_1679, %shift_left3A_1681 : vector<16xi32>
        %bitcast_convert_type3A_1683 = tpu.bitcast %shift_left3A_1682 : vector<16xi32> -> vector<16xf32>
        %and3A_1684 = arith.andi %get3A_1679, %broadcast_in_dim3A_421 : vector<16xi32>
        %bitcast_convert_type3A_1685 = tpu.bitcast %and3A_1684 : vector<16xi32> -> vector<16xf32>
        %mul3A_1686 = arith.mulf %broadcast_in_dim3A_1667, %bitcast_convert_type3A_1683 : vector<16xf32>
        %add3A_1687 = arith.addf %add3A_1646, %mul3A_1686 : vector<16xf32>
        %mul3A_1688 = arith.mulf %broadcast_in_dim3A_1667, %bitcast_convert_type3A_1685 : vector<16xf32>
        %add3A_1689 = arith.addf %add3A_1648, %mul3A_1688 : vector<16xf32>
        %add3A_1690 = arith.constant 16 : i32
        %add3A_1691 = arith.addi %squeeze3A_1669, %add3A_1690 : i32
        %get3A_1692 = arith.index_cast %add3A_1673 : i32 to index
        %get3A_1693 = arith.index_cast %add3A_1691 : i32 to index
        %get3A_1694 = tpu.vector_load %arg11[%get3A_1692, %get3A_1693] {strides = array<i32>} : memref<800x128xi32, #tpu.memory_space<vmem>>, vector<1x16xi32>,
        %get3A_1695 = vector.shape_cast %get3A_1694 : vector<1x16xi32> to vector<16xi32>
        %shift_left3A_1696 = arith.constant 16 : i32
        %shift_left3A_1697 = vector.broadcast %shift_left3A_1696 : i32 to vector<16xi32>
        %shift_left3A_1698 = arith.shli %get3A_1695, %shift_left3A_1697 : vector<16xi32>
        %bitcast_convert_type3A_1699 = tpu.bitcast %shift_left3A_1698 : vector<16xi32> -> vector<16xf32>
        %and3A_1700 = arith.andi %get3A_1695, %broadcast_in_dim3A_421 : vector<16xi32>
        %bitcast_convert_type3A_1701 = tpu.bitcast %and3A_1700 : vector<16xi32> -> vector<16xf32>
        %mul3A_1702 = arith.mulf %broadcast_in_dim3A_1667, %bitcast_convert_type3A_1699 : vector<16xf32>
        %add3A_1703 = arith.addf %add3A_1662, %mul3A_1702 : vector<16xf32>
        %mul3A_1704 = arith.mulf %broadcast_in_dim3A_1667, %bitcast_convert_type3A_1701 : vector<16xf32>
        %add3A_1705 = arith.addf %add3A_1664, %mul3A_1704 : vector<16xf32>
        %slice3A_1706 = vector.extract_strided_slice %get3A_1122 {offsets = [14], sizes = [1], strides = [1]} : vector<16xf32> to vector<1xf32>
        %squeeze3A_1707 = vector.extract %slice3A_1706[0] : f32 from vector<1xf32>
        %broadcast_in_dim3A_1708 = vector.broadcast %squeeze3A_1707 : f32 to vector<16xf32>
        %slice3A_1709 = vector.extract_strided_slice %shift_left3A_1131 {offsets = [14], sizes = [1], strides = [1]} : vector<16xi32> to vector<1xi32>
        %squeeze3A_1710 = vector.extract %slice3A_1709[0] : i32 from vector<1xi32>
        %add3A_1711 = arith.constant 16 : i32
        %add3A_1712 = arith.addi %mul3A_448, %add3A_1711 : i32
        %add3A_1713 = arith.constant 14 : i32
        %add3A_1714 = arith.addi %add3A_1712, %add3A_1713 : i32
        %add3A_1715 = arith.constant 0 : i32
        %add3A_1716 = arith.addi %squeeze3A_1710, %add3A_1715 : i32
        %get3A_1717 = arith.index_cast %add3A_1714 : i32 to index
        %get3A_1718 = arith.index_cast %add3A_1716 : i32 to index
        %get3A_1719 = tpu.vector_load %arg11[%get3A_1717, %get3A_1718] {strides = array<i32>} : memref<800x128xi32, #tpu.memory_space<vmem>>, vector<1x16xi32>,
        %get3A_1720 = vector.shape_cast %get3A_1719 : vector<1x16xi32> to vector<16xi32>
        %shift_left3A_1721 = arith.constant 16 : i32
        %shift_left3A_1722 = vector.broadcast %shift_left3A_1721 : i32 to vector<16xi32>
        %shift_left3A_1723 = arith.shli %get3A_1720, %shift_left3A_1722 : vector<16xi32>
        %bitcast_convert_type3A_1724 = tpu.bitcast %shift_left3A_1723 : vector<16xi32> -> vector<16xf32>
        %and3A_1725 = arith.andi %get3A_1720, %broadcast_in_dim3A_421 : vector<16xi32>
        %bitcast_convert_type3A_1726 = tpu.bitcast %and3A_1725 : vector<16xi32> -> vector<16xf32>
        %mul3A_1727 = arith.mulf %broadcast_in_dim3A_1708, %bitcast_convert_type3A_1724 : vector<16xf32>
        %add3A_1728 = arith.addf %add3A_1687, %mul3A_1727 : vector<16xf32>
        %mul3A_1729 = arith.mulf %broadcast_in_dim3A_1708, %bitcast_convert_type3A_1726 : vector<16xf32>
        %add3A_1730 = arith.addf %add3A_1689, %mul3A_1729 : vector<16xf32>
        %add3A_1731 = arith.constant 16 : i32
        %add3A_1732 = arith.addi %squeeze3A_1710, %add3A_1731 : i32
        %get3A_1733 = arith.index_cast %add3A_1714 : i32 to index
        %get3A_1734 = arith.index_cast %add3A_1732 : i32 to index
        %get3A_1735 = tpu.vector_load %arg11[%get3A_1733, %get3A_1734] {strides = array<i32>} : memref<800x128xi32, #tpu.memory_space<vmem>>, vector<1x16xi32>,
        %get3A_1736 = vector.shape_cast %get3A_1735 : vector<1x16xi32> to vector<16xi32>
        %shift_left3A_1737 = arith.constant 16 : i32
        %shift_left3A_1738 = vector.broadcast %shift_left3A_1737 : i32 to vector<16xi32>
        %shift_left3A_1739 = arith.shli %get3A_1736, %shift_left3A_1738 : vector<16xi32>
        %bitcast_convert_type3A_1740 = tpu.bitcast %shift_left3A_1739 : vector<16xi32> -> vector<16xf32>
        %and3A_1741 = arith.andi %get3A_1736, %broadcast_in_dim3A_421 : vector<16xi32>
        %bitcast_convert_type3A_1742 = tpu.bitcast %and3A_1741 : vector<16xi32> -> vector<16xf32>
        %mul3A_1743 = arith.mulf %broadcast_in_dim3A_1708, %bitcast_convert_type3A_1740 : vector<16xf32>
        %add3A_1744 = arith.addf %add3A_1703, %mul3A_1743 : vector<16xf32>
        %mul3A_1745 = arith.mulf %broadcast_in_dim3A_1708, %bitcast_convert_type3A_1742 : vector<16xf32>
        %add3A_1746 = arith.addf %add3A_1705, %mul3A_1745 : vector<16xf32>
        %slice3A_1747 = vector.extract_strided_slice %get3A_1122 {offsets = [15], sizes = [1], strides = [1]} : vector<16xf32> to vector<1xf32>
        %squeeze3A_1748 = vector.extract %slice3A_1747[0] : f32 from vector<1xf32>
        %broadcast_in_dim3A_1749 = vector.broadcast %squeeze3A_1748 : f32 to vector<16xf32>
        %slice3A_1750 = vector.extract_strided_slice %shift_left3A_1131 {offsets = [15], sizes = [1], strides = [1]} : vector<16xi32> to vector<1xi32>
        %squeeze3A_1751 = vector.extract %slice3A_1750[0] : i32 from vector<1xi32>
        %add3A_1752 = arith.constant 16 : i32
        %add3A_1753 = arith.addi %mul3A_448, %add3A_1752 : i32
        %add3A_1754 = arith.constant 15 : i32
        %add3A_1755 = arith.addi %add3A_1753, %add3A_1754 : i32
        %add3A_1756 = arith.constant 0 : i32
        %add3A_1757 = arith.addi %squeeze3A_1751, %add3A_1756 : i32
        %get3A_1758 = arith.index_cast %add3A_1755 : i32 to index
        %get3A_1759 = arith.index_cast %add3A_1757 : i32 to index
        %get3A_1760 = tpu.vector_load %arg11[%get3A_1758, %get3A_1759] {strides = array<i32>} : memref<800x128xi32, #tpu.memory_space<vmem>>, vector<1x16xi32>,
        %get3A_1761 = vector.shape_cast %get3A_1760 : vector<1x16xi32> to vector<16xi32>
        %shift_left3A_1762 = arith.constant 16 : i32
        %shift_left3A_1763 = vector.broadcast %shift_left3A_1762 : i32 to vector<16xi32>
        %shift_left3A_1764 = arith.shli %get3A_1761, %shift_left3A_1763 : vector<16xi32>
        %bitcast_convert_type3A_1765 = tpu.bitcast %shift_left3A_1764 : vector<16xi32> -> vector<16xf32>
        %and3A_1766 = arith.andi %get3A_1761, %broadcast_in_dim3A_421 : vector<16xi32>
        %bitcast_convert_type3A_1767 = tpu.bitcast %and3A_1766 : vector<16xi32> -> vector<16xf32>
        %mul3A_1768 = arith.mulf %broadcast_in_dim3A_1749, %bitcast_convert_type3A_1765 : vector<16xf32>
        %add3A_1769 = arith.addf %add3A_1728, %mul3A_1768 : vector<16xf32>
        %mul3A_1770 = arith.mulf %broadcast_in_dim3A_1749, %bitcast_convert_type3A_1767 : vector<16xf32>
        %add3A_1771 = arith.addf %add3A_1730, %mul3A_1770 : vector<16xf32>
        %add3A_1772 = arith.constant 16 : i32
        %add3A_1773 = arith.addi %squeeze3A_1751, %add3A_1772 : i32
        %get3A_1774 = arith.index_cast %add3A_1755 : i32 to index
        %get3A_1775 = arith.index_cast %add3A_1773 : i32 to index
        %get3A_1776 = tpu.vector_load %arg11[%get3A_1774, %get3A_1775] {strides = array<i32>} : memref<800x128xi32, #tpu.memory_space<vmem>>, vector<1x16xi32>,
        %get3A_1777 = vector.shape_cast %get3A_1776 : vector<1x16xi32> to vector<16xi32>
        %shift_left3A_1778 = arith.constant 16 : i32
        %shift_left3A_1779 = vector.broadcast %shift_left3A_1778 : i32 to vector<16xi32>
        %shift_left3A_1780 = arith.shli %get3A_1777, %shift_left3A_1779 : vector<16xi32>
        %bitcast_convert_type3A_1781 = tpu.bitcast %shift_left3A_1780 : vector<16xi32> -> vector<16xf32>
        %and3A_1782 = arith.andi %get3A_1777, %broadcast_in_dim3A_421 : vector<16xi32>
        %bitcast_convert_type3A_1783 = tpu.bitcast %and3A_1782 : vector<16xi32> -> vector<16xf32>
        %mul3A_1784 = arith.mulf %broadcast_in_dim3A_1749, %bitcast_convert_type3A_1781 : vector<16xf32>
        %add3A_1785 = arith.addf %add3A_1744, %mul3A_1784 : vector<16xf32>
        %mul3A_1786 = arith.mulf %broadcast_in_dim3A_1749, %bitcast_convert_type3A_1783 : vector<16xf32>
        %add3A_1787 = arith.addf %add3A_1746, %mul3A_1786 : vector<16xf32>
        %add3A_1788 = arith.constant 32 : i32
        %add3A_1789 = arith.addi %mul3A_450, %add3A_1788 : i32
        %get3A_1790 = arith.index_cast %add3A_1789 : i32 to index
        %get3A_1791 = tpu.vector_load %arg10[%get3A_1790] {strides = array<i32>} : memref<1024xf32, #tpu.memory_space<vmem>>, vector<16xf32>,
        %get3A_1792 = vector.shape_cast %get3A_1791 : vector<16xf32> to vector<16xf32>
        %get3A_1793 = arith.index_cast %add3A_1789 : i32 to index
        %get3A_1794 = tpu.vector_load %arg9[%get3A_1793] {strides = array<i32>} : memref<1024xi32, #tpu.memory_space<vmem>>, vector<16xi32>,
        %get3A_1795 = vector.shape_cast %get3A_1794 : vector<16xi32> to vector<16xi32>
        %shift_right_logical3A_1796 = arith.constant 18 : i32
        %shift_right_logical3A_1797 = vector.broadcast %shift_right_logical3A_1796 : i32 to vector<16xi32>
        %shift_right_logical3A_1798 = arith.shrui %get3A_1795, %shift_right_logical3A_1797 : vector<16xi32>
        %shift_left3A_1799 = arith.constant 5 : i32
        %shift_left3A_1800 = vector.broadcast %shift_left3A_1799 : i32 to vector<16xi32>
        %shift_left3A_1801 = arith.shli %shift_right_logical3A_1798, %shift_left3A_1800 : vector<16xi32>
        %slice3A_1802 = vector.extract_strided_slice %get3A_1792 {offsets = [0], sizes = [1], strides = [1]} : vector<16xf32> to vector<1xf32>
        %squeeze3A_1803 = vector.extract %slice3A_1802[0] : f32 from vector<1xf32>
        %broadcast_in_dim3A_1804 = vector.broadcast %squeeze3A_1803 : f32 to vector<16xf32>
        %slice3A_1805 = vector.extract_strided_slice %shift_left3A_1801 {offsets = [0], sizes = [1], strides = [1]} : vector<16xi32> to vector<1xi32>
        %squeeze3A_1806 = vector.extract %slice3A_1805[0] : i32 from vector<1xi32>
        %add3A_1807 = arith.constant 32 : i32
        %add3A_1808 = arith.addi %mul3A_448, %add3A_1807 : i32
        %add3A_1809 = arith.constant 0 : i32
        %add3A_1810 = arith.addi %add3A_1808, %add3A_1809 : i32
        %add3A_1811 = arith.constant 0 : i32
        %add3A_1812 = arith.addi %squeeze3A_1806, %add3A_1811 : i32
        %get3A_1813 = arith.index_cast %add3A_1810 : i32 to index
        %get3A_1814 = arith.index_cast %add3A_1812 : i32 to index
        %get3A_1815 = tpu.vector_load %arg11[%get3A_1813, %get3A_1814] {strides = array<i32>} : memref<800x128xi32, #tpu.memory_space<vmem>>, vector<1x16xi32>,
        %get3A_1816 = vector.shape_cast %get3A_1815 : vector<1x16xi32> to vector<16xi32>
        %shift_left3A_1817 = arith.constant 16 : i32
        %shift_left3A_1818 = vector.broadcast %shift_left3A_1817 : i32 to vector<16xi32>
        %shift_left3A_1819 = arith.shli %get3A_1816, %shift_left3A_1818 : vector<16xi32>
        %bitcast_convert_type3A_1820 = tpu.bitcast %shift_left3A_1819 : vector<16xi32> -> vector<16xf32>
        %and3A_1821 = arith.andi %get3A_1816, %broadcast_in_dim3A_421 : vector<16xi32>
        %bitcast_convert_type3A_1822 = tpu.bitcast %and3A_1821 : vector<16xi32> -> vector<16xf32>
        %mul3A_1823 = arith.mulf %broadcast_in_dim3A_1804, %bitcast_convert_type3A_1820 : vector<16xf32>
        %add3A_1824 = arith.addf %add3A_1769, %mul3A_1823 : vector<16xf32>
        %mul3A_1825 = arith.mulf %broadcast_in_dim3A_1804, %bitcast_convert_type3A_1822 : vector<16xf32>
        %add3A_1826 = arith.addf %add3A_1771, %mul3A_1825 : vector<16xf32>
        %add3A_1827 = arith.constant 16 : i32
        %add3A_1828 = arith.addi %squeeze3A_1806, %add3A_1827 : i32
        %get3A_1829 = arith.index_cast %add3A_1810 : i32 to index
        %get3A_1830 = arith.index_cast %add3A_1828 : i32 to index
        %get3A_1831 = tpu.vector_load %arg11[%get3A_1829, %get3A_1830] {strides = array<i32>} : memref<800x128xi32, #tpu.memory_space<vmem>>, vector<1x16xi32>,
        %get3A_1832 = vector.shape_cast %get3A_1831 : vector<1x16xi32> to vector<16xi32>
        %shift_left3A_1833 = arith.constant 16 : i32
        %shift_left3A_1834 = vector.broadcast %shift_left3A_1833 : i32 to vector<16xi32>
        %shift_left3A_1835 = arith.shli %get3A_1832, %shift_left3A_1834 : vector<16xi32>
        %bitcast_convert_type3A_1836 = tpu.bitcast %shift_left3A_1835 : vector<16xi32> -> vector<16xf32>
        %and3A_1837 = arith.andi %get3A_1832, %broadcast_in_dim3A_421 : vector<16xi32>
        %bitcast_convert_type3A_1838 = tpu.bitcast %and3A_1837 : vector<16xi32> -> vector<16xf32>
        %mul3A_1839 = arith.mulf %broadcast_in_dim3A_1804, %bitcast_convert_type3A_1836 : vector<16xf32>
        %add3A_1840 = arith.addf %add3A_1785, %mul3A_1839 : vector<16xf32>
        %mul3A_1841 = arith.mulf %broadcast_in_dim3A_1804, %bitcast_convert_type3A_1838 : vector<16xf32>
        %add3A_1842 = arith.addf %add3A_1787, %mul3A_1841 : vector<16xf32>
        %slice3A_1843 = vector.extract_strided_slice %get3A_1792 {offsets = [1], sizes = [1], strides = [1]} : vector<16xf32> to vector<1xf32>
        %squeeze3A_1844 = vector.extract %slice3A_1843[0] : f32 from vector<1xf32>
        %broadcast_in_dim3A_1845 = vector.broadcast %squeeze3A_1844 : f32 to vector<16xf32>
        %slice3A_1846 = vector.extract_strided_slice %shift_left3A_1801 {offsets = [1], sizes = [1], strides = [1]} : vector<16xi32> to vector<1xi32>
        %squeeze3A_1847 = vector.extract %slice3A_1846[0] : i32 from vector<1xi32>
        %add3A_1848 = arith.constant 32 : i32
        %add3A_1849 = arith.addi %mul3A_448, %add3A_1848 : i32
        %add3A_1850 = arith.constant 1 : i32
        %add3A_1851 = arith.addi %add3A_1849, %add3A_1850 : i32
        %add3A_1852 = arith.constant 0 : i32
        %add3A_1853 = arith.addi %squeeze3A_1847, %add3A_1852 : i32
        %get3A_1854 = arith.index_cast %add3A_1851 : i32 to index
        %get3A_1855 = arith.index_cast %add3A_1853 : i32 to index
        %get3A_1856 = tpu.vector_load %arg11[%get3A_1854, %get3A_1855] {strides = array<i32>} : memref<800x128xi32, #tpu.memory_space<vmem>>, vector<1x16xi32>,
        %get3A_1857 = vector.shape_cast %get3A_1856 : vector<1x16xi32> to vector<16xi32>
        %shift_left3A_1858 = arith.constant 16 : i32
        %shift_left3A_1859 = vector.broadcast %shift_left3A_1858 : i32 to vector<16xi32>
        %shift_left3A_1860 = arith.shli %get3A_1857, %shift_left3A_1859 : vector<16xi32>
        %bitcast_convert_type3A_1861 = tpu.bitcast %shift_left3A_1860 : vector<16xi32> -> vector<16xf32>
        %and3A_1862 = arith.andi %get3A_1857, %broadcast_in_dim3A_421 : vector<16xi32>
        %bitcast_convert_type3A_1863 = tpu.bitcast %and3A_1862 : vector<16xi32> -> vector<16xf32>
        %mul3A_1864 = arith.mulf %broadcast_in_dim3A_1845, %bitcast_convert_type3A_1861 : vector<16xf32>
        %add3A_1865 = arith.addf %add3A_1824, %mul3A_1864 : vector<16xf32>
        %mul3A_1866 = arith.mulf %broadcast_in_dim3A_1845, %bitcast_convert_type3A_1863 : vector<16xf32>
        %add3A_1867 = arith.addf %add3A_1826, %mul3A_1866 : vector<16xf32>
        %add3A_1868 = arith.constant 16 : i32
        %add3A_1869 = arith.addi %squeeze3A_1847, %add3A_1868 : i32
        %get3A_1870 = arith.index_cast %add3A_1851 : i32 to index
        %get3A_1871 = arith.index_cast %add3A_1869 : i32 to index
        %get3A_1872 = tpu.vector_load %arg11[%get3A_1870, %get3A_1871] {strides = array<i32>} : memref<800x128xi32, #tpu.memory_space<vmem>>, vector<1x16xi32>,
        %get3A_1873 = vector.shape_cast %get3A_1872 : vector<1x16xi32> to vector<16xi32>
        %shift_left3A_1874 = arith.constant 16 : i32
        %shift_left3A_1875 = vector.broadcast %shift_left3A_1874 : i32 to vector<16xi32>
        %shift_left3A_1876 = arith.shli %get3A_1873, %shift_left3A_1875 : vector<16xi32>
        %bitcast_convert_type3A_1877 = tpu.bitcast %shift_left3A_1876 : vector<16xi32> -> vector<16xf32>
        %and3A_1878 = arith.andi %get3A_1873, %broadcast_in_dim3A_421 : vector<16xi32>
        %bitcast_convert_type3A_1879 = tpu.bitcast %and3A_1878 : vector<16xi32> -> vector<16xf32>
        %mul3A_1880 = arith.mulf %broadcast_in_dim3A_1845, %bitcast_convert_type3A_1877 : vector<16xf32>
        %add3A_1881 = arith.addf %add3A_1840, %mul3A_1880 : vector<16xf32>
        %mul3A_1882 = arith.mulf %broadcast_in_dim3A_1845, %bitcast_convert_type3A_1879 : vector<16xf32>
        %add3A_1883 = arith.addf %add3A_1842, %mul3A_1882 : vector<16xf32>
        %slice3A_1884 = vector.extract_strided_slice %get3A_1792 {offsets = [2], sizes = [1], strides = [1]} : vector<16xf32> to vector<1xf32>
        %squeeze3A_1885 = vector.extract %slice3A_1884[0] : f32 from vector<1xf32>
        %broadcast_in_dim3A_1886 = vector.broadcast %squeeze3A_1885 : f32 to vector<16xf32>
        %slice3A_1887 = vector.extract_strided_slice %shift_left3A_1801 {offsets = [2], sizes = [1], strides = [1]} : vector<16xi32> to vector<1xi32>
        %squeeze3A_1888 = vector.extract %slice3A_1887[0] : i32 from vector<1xi32>
        %add3A_1889 = arith.constant 32 : i32
        %add3A_1890 = arith.addi %mul3A_448, %add3A_1889 : i32
        %add3A_1891 = arith.constant 2 : i32
        %add3A_1892 = arith.addi %add3A_1890, %add3A_1891 : i32
        %add3A_1893 = arith.constant 0 : i32
        %add3A_1894 = arith.addi %squeeze3A_1888, %add3A_1893 : i32
        %get3A_1895 = arith.index_cast %add3A_1892 : i32 to index
        %get3A_1896 = arith.index_cast %add3A_1894 : i32 to index
        %get3A_1897 = tpu.vector_load %arg11[%get3A_1895, %get3A_1896] {strides = array<i32>} : memref<800x128xi32, #tpu.memory_space<vmem>>, vector<1x16xi32>,
        %get3A_1898 = vector.shape_cast %get3A_1897 : vector<1x16xi32> to vector<16xi32>
        %shift_left3A_1899 = arith.constant 16 : i32
        %shift_left3A_1900 = vector.broadcast %shift_left3A_1899 : i32 to vector<16xi32>
        %shift_left3A_1901 = arith.shli %get3A_1898, %shift_left3A_1900 : vector<16xi32>
        %bitcast_convert_type3A_1902 = tpu.bitcast %shift_left3A_1901 : vector<16xi32> -> vector<16xf32>
        %and3A_1903 = arith.andi %get3A_1898, %broadcast_in_dim3A_421 : vector<16xi32>
        %bitcast_convert_type3A_1904 = tpu.bitcast %and3A_1903 : vector<16xi32> -> vector<16xf32>
        %mul3A_1905 = arith.mulf %broadcast_in_dim3A_1886, %bitcast_convert_type3A_1902 : vector<16xf32>
        %add3A_1906 = arith.addf %add3A_1865, %mul3A_1905 : vector<16xf32>
        %mul3A_1907 = arith.mulf %broadcast_in_dim3A_1886, %bitcast_convert_type3A_1904 : vector<16xf32>
        %add3A_1908 = arith.addf %add3A_1867, %mul3A_1907 : vector<16xf32>
        %add3A_1909 = arith.constant 16 : i32
        %add3A_1910 = arith.addi %squeeze3A_1888, %add3A_1909 : i32
        %get3A_1911 = arith.index_cast %add3A_1892 : i32 to index
        %get3A_1912 = arith.index_cast %add3A_1910 : i32 to index
        %get3A_1913 = tpu.vector_load %arg11[%get3A_1911, %get3A_1912] {strides = array<i32>} : memref<800x128xi32, #tpu.memory_space<vmem>>, vector<1x16xi32>,
        %get3A_1914 = vector.shape_cast %get3A_1913 : vector<1x16xi32> to vector<16xi32>
        %shift_left3A_1915 = arith.constant 16 : i32
        %shift_left3A_1916 = vector.broadcast %shift_left3A_1915 : i32 to vector<16xi32>
        %shift_left3A_1917 = arith.shli %get3A_1914, %shift_left3A_1916 : vector<16xi32>
        %bitcast_convert_type3A_1918 = tpu.bitcast %shift_left3A_1917 : vector<16xi32> -> vector<16xf32>
        %and3A_1919 = arith.andi %get3A_1914, %broadcast_in_dim3A_421 : vector<16xi32>
        %bitcast_convert_type3A_1920 = tpu.bitcast %and3A_1919 : vector<16xi32> -> vector<16xf32>
        %mul3A_1921 = arith.mulf %broadcast_in_dim3A_1886, %bitcast_convert_type3A_1918 : vector<16xf32>
        %add3A_1922 = arith.addf %add3A_1881, %mul3A_1921 : vector<16xf32>
        %mul3A_1923 = arith.mulf %broadcast_in_dim3A_1886, %bitcast_convert_type3A_1920 : vector<16xf32>
        %add3A_1924 = arith.addf %add3A_1883, %mul3A_1923 : vector<16xf32>
        %slice3A_1925 = vector.extract_strided_slice %get3A_1792 {offsets = [3], sizes = [1], strides = [1]} : vector<16xf32> to vector<1xf32>
        %squeeze3A_1926 = vector.extract %slice3A_1925[0] : f32 from vector<1xf32>
        %broadcast_in_dim3A_1927 = vector.broadcast %squeeze3A_1926 : f32 to vector<16xf32>
        %slice3A_1928 = vector.extract_strided_slice %shift_left3A_1801 {offsets = [3], sizes = [1], strides = [1]} : vector<16xi32> to vector<1xi32>
        %squeeze3A_1929 = vector.extract %slice3A_1928[0] : i32 from vector<1xi32>
        %add3A_1930 = arith.constant 32 : i32
        %add3A_1931 = arith.addi %mul3A_448, %add3A_1930 : i32
        %add3A_1932 = arith.constant 3 : i32
        %add3A_1933 = arith.addi %add3A_1931, %add3A_1932 : i32
        %add3A_1934 = arith.constant 0 : i32
        %add3A_1935 = arith.addi %squeeze3A_1929, %add3A_1934 : i32
        %get3A_1936 = arith.index_cast %add3A_1933 : i32 to index
        %get3A_1937 = arith.index_cast %add3A_1935 : i32 to index
        %get3A_1938 = tpu.vector_load %arg11[%get3A_1936, %get3A_1937] {strides = array<i32>} : memref<800x128xi32, #tpu.memory_space<vmem>>, vector<1x16xi32>,
        %get3A_1939 = vector.shape_cast %get3A_1938 : vector<1x16xi32> to vector<16xi32>
        %shift_left3A_1940 = arith.constant 16 : i32
        %shift_left3A_1941 = vector.broadcast %shift_left3A_1940 : i32 to vector<16xi32>
        %shift_left3A_1942 = arith.shli %get3A_1939, %shift_left3A_1941 : vector<16xi32>
        %bitcast_convert_type3A_1943 = tpu.bitcast %shift_left3A_1942 : vector<16xi32> -> vector<16xf32>
        %and3A_1944 = arith.andi %get3A_1939, %broadcast_in_dim3A_421 : vector<16xi32>
        %bitcast_convert_type3A_1945 = tpu.bitcast %and3A_1944 : vector<16xi32> -> vector<16xf32>
        %mul3A_1946 = arith.mulf %broadcast_in_dim3A_1927, %bitcast_convert_type3A_1943 : vector<16xf32>
        %add3A_1947 = arith.addf %add3A_1906, %mul3A_1946 : vector<16xf32>
        %mul3A_1948 = arith.mulf %broadcast_in_dim3A_1927, %bitcast_convert_type3A_1945 : vector<16xf32>
        %add3A_1949 = arith.addf %add3A_1908, %mul3A_1948 : vector<16xf32>
        %add3A_1950 = arith.constant 16 : i32
        %add3A_1951 = arith.addi %squeeze3A_1929, %add3A_1950 : i32
        %get3A_1952 = arith.index_cast %add3A_1933 : i32 to index
        %get3A_1953 = arith.index_cast %add3A_1951 : i32 to index
        %get3A_1954 = tpu.vector_load %arg11[%get3A_1952, %get3A_1953] {strides = array<i32>} : memref<800x128xi32, #tpu.memory_space<vmem>>, vector<1x16xi32>,
        %get3A_1955 = vector.shape_cast %get3A_1954 : vector<1x16xi32> to vector<16xi32>
        %shift_left3A_1956 = arith.constant 16 : i32
        %shift_left3A_1957 = vector.broadcast %shift_left3A_1956 : i32 to vector<16xi32>
        %shift_left3A_1958 = arith.shli %get3A_1955, %shift_left3A_1957 : vector<16xi32>
        %bitcast_convert_type3A_1959 = tpu.bitcast %shift_left3A_1958 : vector<16xi32> -> vector<16xf32>
        %and3A_1960 = arith.andi %get3A_1955, %broadcast_in_dim3A_421 : vector<16xi32>
        %bitcast_convert_type3A_1961 = tpu.bitcast %and3A_1960 : vector<16xi32> -> vector<16xf32>
        %mul3A_1962 = arith.mulf %broadcast_in_dim3A_1927, %bitcast_convert_type3A_1959 : vector<16xf32>
        %add3A_1963 = arith.addf %add3A_1922, %mul3A_1962 : vector<16xf32>
        %mul3A_1964 = arith.mulf %broadcast_in_dim3A_1927, %bitcast_convert_type3A_1961 : vector<16xf32>
        %add3A_1965 = arith.addf %add3A_1924, %mul3A_1964 : vector<16xf32>
        %slice3A_1966 = vector.extract_strided_slice %get3A_1792 {offsets = [4], sizes = [1], strides = [1]} : vector<16xf32> to vector<1xf32>
        %squeeze3A_1967 = vector.extract %slice3A_1966[0] : f32 from vector<1xf32>
        %broadcast_in_dim3A_1968 = vector.broadcast %squeeze3A_1967 : f32 to vector<16xf32>
        %slice3A_1969 = vector.extract_strided_slice %shift_left3A_1801 {offsets = [4], sizes = [1], strides = [1]} : vector<16xi32> to vector<1xi32>
        %squeeze3A_1970 = vector.extract %slice3A_1969[0] : i32 from vector<1xi32>
        %add3A_1971 = arith.constant 32 : i32
        %add3A_1972 = arith.addi %mul3A_448, %add3A_1971 : i32
        %add3A_1973 = arith.constant 4 : i32
        %add3A_1974 = arith.addi %add3A_1972, %add3A_1973 : i32
        %add3A_1975 = arith.constant 0 : i32
        %add3A_1976 = arith.addi %squeeze3A_1970, %add3A_1975 : i32
        %get3A_1977 = arith.index_cast %add3A_1974 : i32 to index
        %get3A_1978 = arith.index_cast %add3A_1976 : i32 to index
        %get3A_1979 = tpu.vector_load %arg11[%get3A_1977, %get3A_1978] {strides = array<i32>} : memref<800x128xi32, #tpu.memory_space<vmem>>, vector<1x16xi32>,
        %get3A_1980 = vector.shape_cast %get3A_1979 : vector<1x16xi32> to vector<16xi32>
        %shift_left3A_1981 = arith.constant 16 : i32
        %shift_left3A_1982 = vector.broadcast %shift_left3A_1981 : i32 to vector<16xi32>
        %shift_left3A_1983 = arith.shli %get3A_1980, %shift_left3A_1982 : vector<16xi32>
        %bitcast_convert_type3A_1984 = tpu.bitcast %shift_left3A_1983 : vector<16xi32> -> vector<16xf32>
        %and3A_1985 = arith.andi %get3A_1980, %broadcast_in_dim3A_421 : vector<16xi32>
        %bitcast_convert_type3A_1986 = tpu.bitcast %and3A_1985 : vector<16xi32> -> vector<16xf32>
        %mul3A_1987 = arith.mulf %broadcast_in_dim3A_1968, %bitcast_convert_type3A_1984 : vector<16xf32>
        %add3A_1988 = arith.addf %add3A_1947, %mul3A_1987 : vector<16xf32>
        %mul3A_1989 = arith.mulf %broadcast_in_dim3A_1968, %bitcast_convert_type3A_1986 : vector<16xf32>
        %add3A_1990 = arith.addf %add3A_1949, %mul3A_1989 : vector<16xf32>
        %add3A_1991 = arith.constant 16 : i32
        %add3A_1992 = arith.addi %squeeze3A_1970, %add3A_1991 : i32
        %get3A_1993 = arith.index_cast %add3A_1974 : i32 to index
        %get3A_1994 = arith.index_cast %add3A_1992 : i32 to index
        %get3A_1995 = tpu.vector_load %arg11[%get3A_1993, %get3A_1994] {strides = array<i32>} : memref<800x128xi32, #tpu.memory_space<vmem>>, vector<1x16xi32>,
        %get3A_1996 = vector.shape_cast %get3A_1995 : vector<1x16xi32> to vector<16xi32>
        %shift_left3A_1997 = arith.constant 16 : i32
        %shift_left3A_1998 = vector.broadcast %shift_left3A_1997 : i32 to vector<16xi32>
        %shift_left3A_1999 = arith.shli %get3A_1996, %shift_left3A_1998 : vector<16xi32>
        %bitcast_convert_type3A_2000 = tpu.bitcast %shift_left3A_1999 : vector<16xi32> -> vector<16xf32>
        %and3A_2001 = arith.andi %get3A_1996, %broadcast_in_dim3A_421 : vector<16xi32>
        %bitcast_convert_type3A_2002 = tpu.bitcast %and3A_2001 : vector<16xi32> -> vector<16xf32>
        %mul3A_2003 = arith.mulf %broadcast_in_dim3A_1968, %bitcast_convert_type3A_2000 : vector<16xf32>
        %add3A_2004 = arith.addf %add3A_1963, %mul3A_2003 : vector<16xf32>
        %mul3A_2005 = arith.mulf %broadcast_in_dim3A_1968, %bitcast_convert_type3A_2002 : vector<16xf32>
        %add3A_2006 = arith.addf %add3A_1965, %mul3A_2005 : vector<16xf32>
        %slice3A_2007 = vector.extract_strided_slice %get3A_1792 {offsets = [5], sizes = [1], strides = [1]} : vector<16xf32> to vector<1xf32>
        %squeeze3A_2008 = vector.extract %slice3A_2007[0] : f32 from vector<1xf32>
        %broadcast_in_dim3A_2009 = vector.broadcast %squeeze3A_2008 : f32 to vector<16xf32>
        %slice3A_2010 = vector.extract_strided_slice %shift_left3A_1801 {offsets = [5], sizes = [1], strides = [1]} : vector<16xi32> to vector<1xi32>
        %squeeze3A_2011 = vector.extract %slice3A_2010[0] : i32 from vector<1xi32>
        %add3A_2012 = arith.constant 32 : i32
        %add3A_2013 = arith.addi %mul3A_448, %add3A_2012 : i32
        %add3A_2014 = arith.constant 5 : i32
        %add3A_2015 = arith.addi %add3A_2013, %add3A_2014 : i32
        %add3A_2016 = arith.constant 0 : i32
        %add3A_2017 = arith.addi %squeeze3A_2011, %add3A_2016 : i32
        %get3A_2018 = arith.index_cast %add3A_2015 : i32 to index
        %get3A_2019 = arith.index_cast %add3A_2017 : i32 to index
        %get3A_2020 = tpu.vector_load %arg11[%get3A_2018, %get3A_2019] {strides = array<i32>} : memref<800x128xi32, #tpu.memory_space<vmem>>, vector<1x16xi32>,
        %get3A_2021 = vector.shape_cast %get3A_2020 : vector<1x16xi32> to vector<16xi32>
        %shift_left3A_2022 = arith.constant 16 : i32
        %shift_left3A_2023 = vector.broadcast %shift_left3A_2022 : i32 to vector<16xi32>
        %shift_left3A_2024 = arith.shli %get3A_2021, %shift_left3A_2023 : vector<16xi32>
        %bitcast_convert_type3A_2025 = tpu.bitcast %shift_left3A_2024 : vector<16xi32> -> vector<16xf32>
        %and3A_2026 = arith.andi %get3A_2021, %broadcast_in_dim3A_421 : vector<16xi32>
        %bitcast_convert_type3A_2027 = tpu.bitcast %and3A_2026 : vector<16xi32> -> vector<16xf32>
        %mul3A_2028 = arith.mulf %broadcast_in_dim3A_2009, %bitcast_convert_type3A_2025 : vector<16xf32>
        %add3A_2029 = arith.addf %add3A_1988, %mul3A_2028 : vector<16xf32>
        %mul3A_2030 = arith.mulf %broadcast_in_dim3A_2009, %bitcast_convert_type3A_2027 : vector<16xf32>
        %add3A_2031 = arith.addf %add3A_1990, %mul3A_2030 : vector<16xf32>
        %add3A_2032 = arith.constant 16 : i32
        %add3A_2033 = arith.addi %squeeze3A_2011, %add3A_2032 : i32
        %get3A_2034 = arith.index_cast %add3A_2015 : i32 to index
        %get3A_2035 = arith.index_cast %add3A_2033 : i32 to index
        %get3A_2036 = tpu.vector_load %arg11[%get3A_2034, %get3A_2035] {strides = array<i32>} : memref<800x128xi32, #tpu.memory_space<vmem>>, vector<1x16xi32>,
        %get3A_2037 = vector.shape_cast %get3A_2036 : vector<1x16xi32> to vector<16xi32>
        %shift_left3A_2038 = arith.constant 16 : i32
        %shift_left3A_2039 = vector.broadcast %shift_left3A_2038 : i32 to vector<16xi32>
        %shift_left3A_2040 = arith.shli %get3A_2037, %shift_left3A_2039 : vector<16xi32>
        %bitcast_convert_type3A_2041 = tpu.bitcast %shift_left3A_2040 : vector<16xi32> -> vector<16xf32>
        %and3A_2042 = arith.andi %get3A_2037, %broadcast_in_dim3A_421 : vector<16xi32>
        %bitcast_convert_type3A_2043 = tpu.bitcast %and3A_2042 : vector<16xi32> -> vector<16xf32>
        %mul3A_2044 = arith.mulf %broadcast_in_dim3A_2009, %bitcast_convert_type3A_2041 : vector<16xf32>
        %add3A_2045 = arith.addf %add3A_2004, %mul3A_2044 : vector<16xf32>
        %mul3A_2046 = arith.mulf %broadcast_in_dim3A_2009, %bitcast_convert_type3A_2043 : vector<16xf32>
        %add3A_2047 = arith.addf %add3A_2006, %mul3A_2046 : vector<16xf32>
        %slice3A_2048 = vector.extract_strided_slice %get3A_1792 {offsets = [6], sizes = [1], strides = [1]} : vector<16xf32> to vector<1xf32>
        %squeeze3A_2049 = vector.extract %slice3A_2048[0] : f32 from vector<1xf32>
        %broadcast_in_dim3A_2050 = vector.broadcast %squeeze3A_2049 : f32 to vector<16xf32>
        %slice3A_2051 = vector.extract_strided_slice %shift_left3A_1801 {offsets = [6], sizes = [1], strides = [1]} : vector<16xi32> to vector<1xi32>
        %squeeze3A_2052 = vector.extract %slice3A_2051[0] : i32 from vector<1xi32>
        %add3A_2053 = arith.constant 32 : i32
        %add3A_2054 = arith.addi %mul3A_448, %add3A_2053 : i32
        %add3A_2055 = arith.constant 6 : i32
        %add3A_2056 = arith.addi %add3A_2054, %add3A_2055 : i32
        %add3A_2057 = arith.constant 0 : i32
        %add3A_2058 = arith.addi %squeeze3A_2052, %add3A_2057 : i32
        %get3A_2059 = arith.index_cast %add3A_2056 : i32 to index
        %get3A_2060 = arith.index_cast %add3A_2058 : i32 to index
        %get3A_2061 = tpu.vector_load %arg11[%get3A_2059, %get3A_2060] {strides = array<i32>} : memref<800x128xi32, #tpu.memory_space<vmem>>, vector<1x16xi32>,
        %get3A_2062 = vector.shape_cast %get3A_2061 : vector<1x16xi32> to vector<16xi32>
        %shift_left3A_2063 = arith.constant 16 : i32
        %shift_left3A_2064 = vector.broadcast %shift_left3A_2063 : i32 to vector<16xi32>
        %shift_left3A_2065 = arith.shli %get3A_2062, %shift_left3A_2064 : vector<16xi32>
        %bitcast_convert_type3A_2066 = tpu.bitcast %shift_left3A_2065 : vector<16xi32> -> vector<16xf32>
        %and3A_2067 = arith.andi %get3A_2062, %broadcast_in_dim3A_421 : vector<16xi32>
        %bitcast_convert_type3A_2068 = tpu.bitcast %and3A_2067 : vector<16xi32> -> vector<16xf32>
        %mul3A_2069 = arith.mulf %broadcast_in_dim3A_2050, %bitcast_convert_type3A_2066 : vector<16xf32>
        %add3A_2070 = arith.addf %add3A_2029, %mul3A_2069 : vector<16xf32>
        %mul3A_2071 = arith.mulf %broadcast_in_dim3A_2050, %bitcast_convert_type3A_2068 : vector<16xf32>
        %add3A_2072 = arith.addf %add3A_2031, %mul3A_2071 : vector<16xf32>
        %add3A_2073 = arith.constant 16 : i32
        %add3A_2074 = arith.addi %squeeze3A_2052, %add3A_2073 : i32
        %get3A_2075 = arith.index_cast %add3A_2056 : i32 to index
        %get3A_2076 = arith.index_cast %add3A_2074 : i32 to index
        %get3A_2077 = tpu.vector_load %arg11[%get3A_2075, %get3A_2076] {strides = array<i32>} : memref<800x128xi32, #tpu.memory_space<vmem>>, vector<1x16xi32>,
        %get3A_2078 = vector.shape_cast %get3A_2077 : vector<1x16xi32> to vector<16xi32>
        %shift_left3A_2079 = arith.constant 16 : i32
        %shift_left3A_2080 = vector.broadcast %shift_left3A_2079 : i32 to vector<16xi32>
        %shift_left3A_2081 = arith.shli %get3A_2078, %shift_left3A_2080 : vector<16xi32>
        %bitcast_convert_type3A_2082 = tpu.bitcast %shift_left3A_2081 : vector<16xi32> -> vector<16xf32>
        %and3A_2083 = arith.andi %get3A_2078, %broadcast_in_dim3A_421 : vector<16xi32>
        %bitcast_convert_type3A_2084 = tpu.bitcast %and3A_2083 : vector<16xi32> -> vector<16xf32>
        %mul3A_2085 = arith.mulf %broadcast_in_dim3A_2050, %bitcast_convert_type3A_2082 : vector<16xf32>
        %add3A_2086 = arith.addf %add3A_2045, %mul3A_2085 : vector<16xf32>
        %mul3A_2087 = arith.mulf %broadcast_in_dim3A_2050, %bitcast_convert_type3A_2084 : vector<16xf32>
        %add3A_2088 = arith.addf %add3A_2047, %mul3A_2087 : vector<16xf32>
        %slice3A_2089 = vector.extract_strided_slice %get3A_1792 {offsets = [7], sizes = [1], strides = [1]} : vector<16xf32> to vector<1xf32>
        %squeeze3A_2090 = vector.extract %slice3A_2089[0] : f32 from vector<1xf32>
        %broadcast_in_dim3A_2091 = vector.broadcast %squeeze3A_2090 : f32 to vector<16xf32>
        %slice3A_2092 = vector.extract_strided_slice %shift_left3A_1801 {offsets = [7], sizes = [1], strides = [1]} : vector<16xi32> to vector<1xi32>
        %squeeze3A_2093 = vector.extract %slice3A_2092[0] : i32 from vector<1xi32>
        %add3A_2094 = arith.constant 32 : i32
        %add3A_2095 = arith.addi %mul3A_448, %add3A_2094 : i32
        %add3A_2096 = arith.constant 7 : i32
        %add3A_2097 = arith.addi %add3A_2095, %add3A_2096 : i32
        %add3A_2098 = arith.constant 0 : i32
        %add3A_2099 = arith.addi %squeeze3A_2093, %add3A_2098 : i32
        %get3A_2100 = arith.index_cast %add3A_2097 : i32 to index
        %get3A_2101 = arith.index_cast %add3A_2099 : i32 to index
        %get3A_2102 = tpu.vector_load %arg11[%get3A_2100, %get3A_2101] {strides = array<i32>} : memref<800x128xi32, #tpu.memory_space<vmem>>, vector<1x16xi32>,
        %get3A_2103 = vector.shape_cast %get3A_2102 : vector<1x16xi32> to vector<16xi32>
        %shift_left3A_2104 = arith.constant 16 : i32
        %shift_left3A_2105 = vector.broadcast %shift_left3A_2104 : i32 to vector<16xi32>
        %shift_left3A_2106 = arith.shli %get3A_2103, %shift_left3A_2105 : vector<16xi32>
        %bitcast_convert_type3A_2107 = tpu.bitcast %shift_left3A_2106 : vector<16xi32> -> vector<16xf32>
        %and3A_2108 = arith.andi %get3A_2103, %broadcast_in_dim3A_421 : vector<16xi32>
        %bitcast_convert_type3A_2109 = tpu.bitcast %and3A_2108 : vector<16xi32> -> vector<16xf32>
        %mul3A_2110 = arith.mulf %broadcast_in_dim3A_2091, %bitcast_convert_type3A_2107 : vector<16xf32>
        %add3A_2111 = arith.addf %add3A_2070, %mul3A_2110 : vector<16xf32>
        %mul3A_2112 = arith.mulf %broadcast_in_dim3A_2091, %bitcast_convert_type3A_2109 : vector<16xf32>
        %add3A_2113 = arith.addf %add3A_2072, %mul3A_2112 : vector<16xf32>
        %add3A_2114 = arith.constant 16 : i32
        %add3A_2115 = arith.addi %squeeze3A_2093, %add3A_2114 : i32
        %get3A_2116 = arith.index_cast %add3A_2097 : i32 to index
        %get3A_2117 = arith.index_cast %add3A_2115 : i32 to index
        %get3A_2118 = tpu.vector_load %arg11[%get3A_2116, %get3A_2117] {strides = array<i32>} : memref<800x128xi32, #tpu.memory_space<vmem>>, vector<1x16xi32>,
        %get3A_2119 = vector.shape_cast %get3A_2118 : vector<1x16xi32> to vector<16xi32>
        %shift_left3A_2120 = arith.constant 16 : i32
        %shift_left3A_2121 = vector.broadcast %shift_left3A_2120 : i32 to vector<16xi32>
        %shift_left3A_2122 = arith.shli %get3A_2119, %shift_left3A_2121 : vector<16xi32>
        %bitcast_convert_type3A_2123 = tpu.bitcast %shift_left3A_2122 : vector<16xi32> -> vector<16xf32>
        %and3A_2124 = arith.andi %get3A_2119, %broadcast_in_dim3A_421 : vector<16xi32>
        %bitcast_convert_type3A_2125 = tpu.bitcast %and3A_2124 : vector<16xi32> -> vector<16xf32>
        %mul3A_2126 = arith.mulf %broadcast_in_dim3A_2091, %bitcast_convert_type3A_2123 : vector<16xf32>
        %add3A_2127 = arith.addf %add3A_2086, %mul3A_2126 : vector<16xf32>
        %mul3A_2128 = arith.mulf %broadcast_in_dim3A_2091, %bitcast_convert_type3A_2125 : vector<16xf32>
        %add3A_2129 = arith.addf %add3A_2088, %mul3A_2128 : vector<16xf32>
        %slice3A_2130 = vector.extract_strided_slice %get3A_1792 {offsets = [8], sizes = [1], strides = [1]} : vector<16xf32> to vector<1xf32>
        %squeeze3A_2131 = vector.extract %slice3A_2130[0] : f32 from vector<1xf32>
        %broadcast_in_dim3A_2132 = vector.broadcast %squeeze3A_2131 : f32 to vector<16xf32>
        %slice3A_2133 = vector.extract_strided_slice %shift_left3A_1801 {offsets = [8], sizes = [1], strides = [1]} : vector<16xi32> to vector<1xi32>
        %squeeze3A_2134 = vector.extract %slice3A_2133[0] : i32 from vector<1xi32>
        %add3A_2135 = arith.constant 32 : i32
        %add3A_2136 = arith.addi %mul3A_448, %add3A_2135 : i32
        %add3A_2137 = arith.constant 8 : i32
        %add3A_2138 = arith.addi %add3A_2136, %add3A_2137 : i32
        %add3A_2139 = arith.constant 0 : i32
        %add3A_2140 = arith.addi %squeeze3A_2134, %add3A_2139 : i32
        %get3A_2141 = arith.index_cast %add3A_2138 : i32 to index
        %get3A_2142 = arith.index_cast %add3A_2140 : i32 to index
        %get3A_2143 = tpu.vector_load %arg11[%get3A_2141, %get3A_2142] {strides = array<i32>} : memref<800x128xi32, #tpu.memory_space<vmem>>, vector<1x16xi32>,
        %get3A_2144 = vector.shape_cast %get3A_2143 : vector<1x16xi32> to vector<16xi32>
        %shift_left3A_2145 = arith.constant 16 : i32
        %shift_left3A_2146 = vector.broadcast %shift_left3A_2145 : i32 to vector<16xi32>
        %shift_left3A_2147 = arith.shli %get3A_2144, %shift_left3A_2146 : vector<16xi32>
        %bitcast_convert_type3A_2148 = tpu.bitcast %shift_left3A_2147 : vector<16xi32> -> vector<16xf32>
        %and3A_2149 = arith.andi %get3A_2144, %broadcast_in_dim3A_421 : vector<16xi32>
        %bitcast_convert_type3A_2150 = tpu.bitcast %and3A_2149 : vector<16xi32> -> vector<16xf32>
        %mul3A_2151 = arith.mulf %broadcast_in_dim3A_2132, %bitcast_convert_type3A_2148 : vector<16xf32>
        %add3A_2152 = arith.addf %add3A_2111, %mul3A_2151 : vector<16xf32>
        %mul3A_2153 = arith.mulf %broadcast_in_dim3A_2132, %bitcast_convert_type3A_2150 : vector<16xf32>
        %add3A_2154 = arith.addf %add3A_2113, %mul3A_2153 : vector<16xf32>
        %add3A_2155 = arith.constant 16 : i32
        %add3A_2156 = arith.addi %squeeze3A_2134, %add3A_2155 : i32
        %get3A_2157 = arith.index_cast %add3A_2138 : i32 to index
        %get3A_2158 = arith.index_cast %add3A_2156 : i32 to index
        %get3A_2159 = tpu.vector_load %arg11[%get3A_2157, %get3A_2158] {strides = array<i32>} : memref<800x128xi32, #tpu.memory_space<vmem>>, vector<1x16xi32>,
        %get3A_2160 = vector.shape_cast %get3A_2159 : vector<1x16xi32> to vector<16xi32>
        %shift_left3A_2161 = arith.constant 16 : i32
        %shift_left3A_2162 = vector.broadcast %shift_left3A_2161 : i32 to vector<16xi32>
        %shift_left3A_2163 = arith.shli %get3A_2160, %shift_left3A_2162 : vector<16xi32>
        %bitcast_convert_type3A_2164 = tpu.bitcast %shift_left3A_2163 : vector<16xi32> -> vector<16xf32>
        %and3A_2165 = arith.andi %get3A_2160, %broadcast_in_dim3A_421 : vector<16xi32>
        %bitcast_convert_type3A_2166 = tpu.bitcast %and3A_2165 : vector<16xi32> -> vector<16xf32>
        %mul3A_2167 = arith.mulf %broadcast_in_dim3A_2132, %bitcast_convert_type3A_2164 : vector<16xf32>
        %add3A_2168 = arith.addf %add3A_2127, %mul3A_2167 : vector<16xf32>
        %mul3A_2169 = arith.mulf %broadcast_in_dim3A_2132, %bitcast_convert_type3A_2166 : vector<16xf32>
        %add3A_2170 = arith.addf %add3A_2129, %mul3A_2169 : vector<16xf32>
        %slice3A_2171 = vector.extract_strided_slice %get3A_1792 {offsets = [9], sizes = [1], strides = [1]} : vector<16xf32> to vector<1xf32>
        %squeeze3A_2172 = vector.extract %slice3A_2171[0] : f32 from vector<1xf32>
        %broadcast_in_dim3A_2173 = vector.broadcast %squeeze3A_2172 : f32 to vector<16xf32>
        %slice3A_2174 = vector.extract_strided_slice %shift_left3A_1801 {offsets = [9], sizes = [1], strides = [1]} : vector<16xi32> to vector<1xi32>
        %squeeze3A_2175 = vector.extract %slice3A_2174[0] : i32 from vector<1xi32>
        %add3A_2176 = arith.constant 32 : i32
        %add3A_2177 = arith.addi %mul3A_448, %add3A_2176 : i32
        %add3A_2178 = arith.constant 9 : i32
        %add3A_2179 = arith.addi %add3A_2177, %add3A_2178 : i32
        %add3A_2180 = arith.constant 0 : i32
        %add3A_2181 = arith.addi %squeeze3A_2175, %add3A_2180 : i32
        %get3A_2182 = arith.index_cast %add3A_2179 : i32 to index
        %get3A_2183 = arith.index_cast %add3A_2181 : i32 to index
        %get3A_2184 = tpu.vector_load %arg11[%get3A_2182, %get3A_2183] {strides = array<i32>} : memref<800x128xi32, #tpu.memory_space<vmem>>, vector<1x16xi32>,
        %get3A_2185 = vector.shape_cast %get3A_2184 : vector<1x16xi32> to vector<16xi32>
        %shift_left3A_2186 = arith.constant 16 : i32
        %shift_left3A_2187 = vector.broadcast %shift_left3A_2186 : i32 to vector<16xi32>
        %shift_left3A_2188 = arith.shli %get3A_2185, %shift_left3A_2187 : vector<16xi32>
        %bitcast_convert_type3A_2189 = tpu.bitcast %shift_left3A_2188 : vector<16xi32> -> vector<16xf32>
        %and3A_2190 = arith.andi %get3A_2185, %broadcast_in_dim3A_421 : vector<16xi32>
        %bitcast_convert_type3A_2191 = tpu.bitcast %and3A_2190 : vector<16xi32> -> vector<16xf32>
        %mul3A_2192 = arith.mulf %broadcast_in_dim3A_2173, %bitcast_convert_type3A_2189 : vector<16xf32>
        %add3A_2193 = arith.addf %add3A_2152, %mul3A_2192 : vector<16xf32>
        %mul3A_2194 = arith.mulf %broadcast_in_dim3A_2173, %bitcast_convert_type3A_2191 : vector<16xf32>
        %add3A_2195 = arith.addf %add3A_2154, %mul3A_2194 : vector<16xf32>
        %add3A_2196 = arith.constant 16 : i32
        %add3A_2197 = arith.addi %squeeze3A_2175, %add3A_2196 : i32
        %get3A_2198 = arith.index_cast %add3A_2179 : i32 to index
        %get3A_2199 = arith.index_cast %add3A_2197 : i32 to index
        %get3A_2200 = tpu.vector_load %arg11[%get3A_2198, %get3A_2199] {strides = array<i32>} : memref<800x128xi32, #tpu.memory_space<vmem>>, vector<1x16xi32>,
        %get3A_2201 = vector.shape_cast %get3A_2200 : vector<1x16xi32> to vector<16xi32>
        %shift_left3A_2202 = arith.constant 16 : i32
        %shift_left3A_2203 = vector.broadcast %shift_left3A_2202 : i32 to vector<16xi32>
        %shift_left3A_2204 = arith.shli %get3A_2201, %shift_left3A_2203 : vector<16xi32>
        %bitcast_convert_type3A_2205 = tpu.bitcast %shift_left3A_2204 : vector<16xi32> -> vector<16xf32>
        %and3A_2206 = arith.andi %get3A_2201, %broadcast_in_dim3A_421 : vector<16xi32>
        %bitcast_convert_type3A_2207 = tpu.bitcast %and3A_2206 : vector<16xi32> -> vector<16xf32>
        %mul3A_2208 = arith.mulf %broadcast_in_dim3A_2173, %bitcast_convert_type3A_2205 : vector<16xf32>
        %add3A_2209 = arith.addf %add3A_2168, %mul3A_2208 : vector<16xf32>
        %mul3A_2210 = arith.mulf %broadcast_in_dim3A_2173, %bitcast_convert_type3A_2207 : vector<16xf32>
        %add3A_2211 = arith.addf %add3A_2170, %mul3A_2210 : vector<16xf32>
        %slice3A_2212 = vector.extract_strided_slice %get3A_1792 {offsets = [10], sizes = [1], strides = [1]} : vector<16xf32> to vector<1xf32>
        %squeeze3A_2213 = vector.extract %slice3A_2212[0] : f32 from vector<1xf32>
        %broadcast_in_dim3A_2214 = vector.broadcast %squeeze3A_2213 : f32 to vector<16xf32>
        %slice3A_2215 = vector.extract_strided_slice %shift_left3A_1801 {offsets = [10], sizes = [1], strides = [1]} : vector<16xi32> to vector<1xi32>
        %squeeze3A_2216 = vector.extract %slice3A_2215[0] : i32 from vector<1xi32>
        %add3A_2217 = arith.constant 32 : i32
        %add3A_2218 = arith.addi %mul3A_448, %add3A_2217 : i32
        %add3A_2219 = arith.constant 10 : i32
        %add3A_2220 = arith.addi %add3A_2218, %add3A_2219 : i32
        %add3A_2221 = arith.constant 0 : i32
        %add3A_2222 = arith.addi %squeeze3A_2216, %add3A_2221 : i32
        %get3A_2223 = arith.index_cast %add3A_2220 : i32 to index
        %get3A_2224 = arith.index_cast %add3A_2222 : i32 to index
        %get3A_2225 = tpu.vector_load %arg11[%get3A_2223, %get3A_2224] {strides = array<i32>} : memref<800x128xi32, #tpu.memory_space<vmem>>, vector<1x16xi32>,
        %get3A_2226 = vector.shape_cast %get3A_2225 : vector<1x16xi32> to vector<16xi32>
        %shift_left3A_2227 = arith.constant 16 : i32
        %shift_left3A_2228 = vector.broadcast %shift_left3A_2227 : i32 to vector<16xi32>
        %shift_left3A_2229 = arith.shli %get3A_2226, %shift_left3A_2228 : vector<16xi32>
        %bitcast_convert_type3A_2230 = tpu.bitcast %shift_left3A_2229 : vector<16xi32> -> vector<16xf32>
        %and3A_2231 = arith.andi %get3A_2226, %broadcast_in_dim3A_421 : vector<16xi32>
        %bitcast_convert_type3A_2232 = tpu.bitcast %and3A_2231 : vector<16xi32> -> vector<16xf32>
        %mul3A_2233 = arith.mulf %broadcast_in_dim3A_2214, %bitcast_convert_type3A_2230 : vector<16xf32>
        %add3A_2234 = arith.addf %add3A_2193, %mul3A_2233 : vector<16xf32>
        %mul3A_2235 = arith.mulf %broadcast_in_dim3A_2214, %bitcast_convert_type3A_2232 : vector<16xf32>
        %add3A_2236 = arith.addf %add3A_2195, %mul3A_2235 : vector<16xf32>
        %add3A_2237 = arith.constant 16 : i32
        %add3A_2238 = arith.addi %squeeze3A_2216, %add3A_2237 : i32
        %get3A_2239 = arith.index_cast %add3A_2220 : i32 to index
        %get3A_2240 = arith.index_cast %add3A_2238 : i32 to index
        %get3A_2241 = tpu.vector_load %arg11[%get3A_2239, %get3A_2240] {strides = array<i32>} : memref<800x128xi32, #tpu.memory_space<vmem>>, vector<1x16xi32>,
        %get3A_2242 = vector.shape_cast %get3A_2241 : vector<1x16xi32> to vector<16xi32>
        %shift_left3A_2243 = arith.constant 16 : i32
        %shift_left3A_2244 = vector.broadcast %shift_left3A_2243 : i32 to vector<16xi32>
        %shift_left3A_2245 = arith.shli %get3A_2242, %shift_left3A_2244 : vector<16xi32>
        %bitcast_convert_type3A_2246 = tpu.bitcast %shift_left3A_2245 : vector<16xi32> -> vector<16xf32>
        %and3A_2247 = arith.andi %get3A_2242, %broadcast_in_dim3A_421 : vector<16xi32>
        %bitcast_convert_type3A_2248 = tpu.bitcast %and3A_2247 : vector<16xi32> -> vector<16xf32>
        %mul3A_2249 = arith.mulf %broadcast_in_dim3A_2214, %bitcast_convert_type3A_2246 : vector<16xf32>
        %add3A_2250 = arith.addf %add3A_2209, %mul3A_2249 : vector<16xf32>
        %mul3A_2251 = arith.mulf %broadcast_in_dim3A_2214, %bitcast_convert_type3A_2248 : vector<16xf32>
        %add3A_2252 = arith.addf %add3A_2211, %mul3A_2251 : vector<16xf32>
        %slice3A_2253 = vector.extract_strided_slice %get3A_1792 {offsets = [11], sizes = [1], strides = [1]} : vector<16xf32> to vector<1xf32>
        %squeeze3A_2254 = vector.extract %slice3A_2253[0] : f32 from vector<1xf32>
        %broadcast_in_dim3A_2255 = vector.broadcast %squeeze3A_2254 : f32 to vector<16xf32>
        %slice3A_2256 = vector.extract_strided_slice %shift_left3A_1801 {offsets = [11], sizes = [1], strides = [1]} : vector<16xi32> to vector<1xi32>
        %squeeze3A_2257 = vector.extract %slice3A_2256[0] : i32 from vector<1xi32>
        %add3A_2258 = arith.constant 32 : i32
        %add3A_2259 = arith.addi %mul3A_448, %add3A_2258 : i32
        %add3A_2260 = arith.constant 11 : i32
        %add3A_2261 = arith.addi %add3A_2259, %add3A_2260 : i32
        %add3A_2262 = arith.constant 0 : i32
        %add3A_2263 = arith.addi %squeeze3A_2257, %add3A_2262 : i32
        %get3A_2264 = arith.index_cast %add3A_2261 : i32 to index
        %get3A_2265 = arith.index_cast %add3A_2263 : i32 to index
        %get3A_2266 = tpu.vector_load %arg11[%get3A_2264, %get3A_2265] {strides = array<i32>} : memref<800x128xi32, #tpu.memory_space<vmem>>, vector<1x16xi32>,
        %get3A_2267 = vector.shape_cast %get3A_2266 : vector<1x16xi32> to vector<16xi32>
        %shift_left3A_2268 = arith.constant 16 : i32
        %shift_left3A_2269 = vector.broadcast %shift_left3A_2268 : i32 to vector<16xi32>
        %shift_left3A_2270 = arith.shli %get3A_2267, %shift_left3A_2269 : vector<16xi32>
        %bitcast_convert_type3A_2271 = tpu.bitcast %shift_left3A_2270 : vector<16xi32> -> vector<16xf32>
        %and3A_2272 = arith.andi %get3A_2267, %broadcast_in_dim3A_421 : vector<16xi32>
        %bitcast_convert_type3A_2273 = tpu.bitcast %and3A_2272 : vector<16xi32> -> vector<16xf32>
        %mul3A_2274 = arith.mulf %broadcast_in_dim3A_2255, %bitcast_convert_type3A_2271 : vector<16xf32>
        %add3A_2275 = arith.addf %add3A_2234, %mul3A_2274 : vector<16xf32>
        %mul3A_2276 = arith.mulf %broadcast_in_dim3A_2255, %bitcast_convert_type3A_2273 : vector<16xf32>
        %add3A_2277 = arith.addf %add3A_2236, %mul3A_2276 : vector<16xf32>
        %add3A_2278 = arith.constant 16 : i32
        %add3A_2279 = arith.addi %squeeze3A_2257, %add3A_2278 : i32
        %get3A_2280 = arith.index_cast %add3A_2261 : i32 to index
        %get3A_2281 = arith.index_cast %add3A_2279 : i32 to index
        %get3A_2282 = tpu.vector_load %arg11[%get3A_2280, %get3A_2281] {strides = array<i32>} : memref<800x128xi32, #tpu.memory_space<vmem>>, vector<1x16xi32>,
        %get3A_2283 = vector.shape_cast %get3A_2282 : vector<1x16xi32> to vector<16xi32>
        %shift_left3A_2284 = arith.constant 16 : i32
        %shift_left3A_2285 = vector.broadcast %shift_left3A_2284 : i32 to vector<16xi32>
        %shift_left3A_2286 = arith.shli %get3A_2283, %shift_left3A_2285 : vector<16xi32>
        %bitcast_convert_type3A_2287 = tpu.bitcast %shift_left3A_2286 : vector<16xi32> -> vector<16xf32>
        %and3A_2288 = arith.andi %get3A_2283, %broadcast_in_dim3A_421 : vector<16xi32>
        %bitcast_convert_type3A_2289 = tpu.bitcast %and3A_2288 : vector<16xi32> -> vector<16xf32>
        %mul3A_2290 = arith.mulf %broadcast_in_dim3A_2255, %bitcast_convert_type3A_2287 : vector<16xf32>
        %add3A_2291 = arith.addf %add3A_2250, %mul3A_2290 : vector<16xf32>
        %mul3A_2292 = arith.mulf %broadcast_in_dim3A_2255, %bitcast_convert_type3A_2289 : vector<16xf32>
        %add3A_2293 = arith.addf %add3A_2252, %mul3A_2292 : vector<16xf32>
        %slice3A_2294 = vector.extract_strided_slice %get3A_1792 {offsets = [12], sizes = [1], strides = [1]} : vector<16xf32> to vector<1xf32>
        %squeeze3A_2295 = vector.extract %slice3A_2294[0] : f32 from vector<1xf32>
        %broadcast_in_dim3A_2296 = vector.broadcast %squeeze3A_2295 : f32 to vector<16xf32>
        %slice3A_2297 = vector.extract_strided_slice %shift_left3A_1801 {offsets = [12], sizes = [1], strides = [1]} : vector<16xi32> to vector<1xi32>
        %squeeze3A_2298 = vector.extract %slice3A_2297[0] : i32 from vector<1xi32>
        %add3A_2299 = arith.constant 32 : i32
        %add3A_2300 = arith.addi %mul3A_448, %add3A_2299 : i32
        %add3A_2301 = arith.constant 12 : i32
        %add3A_2302 = arith.addi %add3A_2300, %add3A_2301 : i32
        %add3A_2303 = arith.constant 0 : i32
        %add3A_2304 = arith.addi %squeeze3A_2298, %add3A_2303 : i32
        %get3A_2305 = arith.index_cast %add3A_2302 : i32 to index
        %get3A_2306 = arith.index_cast %add3A_2304 : i32 to index
        %get3A_2307 = tpu.vector_load %arg11[%get3A_2305, %get3A_2306] {strides = array<i32>} : memref<800x128xi32, #tpu.memory_space<vmem>>, vector<1x16xi32>,
        %get3A_2308 = vector.shape_cast %get3A_2307 : vector<1x16xi32> to vector<16xi32>
        %shift_left3A_2309 = arith.constant 16 : i32
        %shift_left3A_2310 = vector.broadcast %shift_left3A_2309 : i32 to vector<16xi32>
        %shift_left3A_2311 = arith.shli %get3A_2308, %shift_left3A_2310 : vector<16xi32>
        %bitcast_convert_type3A_2312 = tpu.bitcast %shift_left3A_2311 : vector<16xi32> -> vector<16xf32>
        %and3A_2313 = arith.andi %get3A_2308, %broadcast_in_dim3A_421 : vector<16xi32>
        %bitcast_convert_type3A_2314 = tpu.bitcast %and3A_2313 : vector<16xi32> -> vector<16xf32>
        %mul3A_2315 = arith.mulf %broadcast_in_dim3A_2296, %bitcast_convert_type3A_2312 : vector<16xf32>
        %add3A_2316 = arith.addf %add3A_2275, %mul3A_2315 : vector<16xf32>
        %mul3A_2317 = arith.mulf %broadcast_in_dim3A_2296, %bitcast_convert_type3A_2314 : vector<16xf32>
        %add3A_2318 = arith.addf %add3A_2277, %mul3A_2317 : vector<16xf32>
        %add3A_2319 = arith.constant 16 : i32
        %add3A_2320 = arith.addi %squeeze3A_2298, %add3A_2319 : i32
        %get3A_2321 = arith.index_cast %add3A_2302 : i32 to index
        %get3A_2322 = arith.index_cast %add3A_2320 : i32 to index
        %get3A_2323 = tpu.vector_load %arg11[%get3A_2321, %get3A_2322] {strides = array<i32>} : memref<800x128xi32, #tpu.memory_space<vmem>>, vector<1x16xi32>,
        %get3A_2324 = vector.shape_cast %get3A_2323 : vector<1x16xi32> to vector<16xi32>
        %shift_left3A_2325 = arith.constant 16 : i32
        %shift_left3A_2326 = vector.broadcast %shift_left3A_2325 : i32 to vector<16xi32>
        %shift_left3A_2327 = arith.shli %get3A_2324, %shift_left3A_2326 : vector<16xi32>
        %bitcast_convert_type3A_2328 = tpu.bitcast %shift_left3A_2327 : vector<16xi32> -> vector<16xf32>
        %and3A_2329 = arith.andi %get3A_2324, %broadcast_in_dim3A_421 : vector<16xi32>
        %bitcast_convert_type3A_2330 = tpu.bitcast %and3A_2329 : vector<16xi32> -> vector<16xf32>
        %mul3A_2331 = arith.mulf %broadcast_in_dim3A_2296, %bitcast_convert_type3A_2328 : vector<16xf32>
        %add3A_2332 = arith.addf %add3A_2291, %mul3A_2331 : vector<16xf32>
        %mul3A_2333 = arith.mulf %broadcast_in_dim3A_2296, %bitcast_convert_type3A_2330 : vector<16xf32>
        %add3A_2334 = arith.addf %add3A_2293, %mul3A_2333 : vector<16xf32>
        %slice3A_2335 = vector.extract_strided_slice %get3A_1792 {offsets = [13], sizes = [1], strides = [1]} : vector<16xf32> to vector<1xf32>
        %squeeze3A_2336 = vector.extract %slice3A_2335[0] : f32 from vector<1xf32>
        %broadcast_in_dim3A_2337 = vector.broadcast %squeeze3A_2336 : f32 to vector<16xf32>
        %slice3A_2338 = vector.extract_strided_slice %shift_left3A_1801 {offsets = [13], sizes = [1], strides = [1]} : vector<16xi32> to vector<1xi32>
        %squeeze3A_2339 = vector.extract %slice3A_2338[0] : i32 from vector<1xi32>
        %add3A_2340 = arith.constant 32 : i32
        %add3A_2341 = arith.addi %mul3A_448, %add3A_2340 : i32
        %add3A_2342 = arith.constant 13 : i32
        %add3A_2343 = arith.addi %add3A_2341, %add3A_2342 : i32
        %add3A_2344 = arith.constant 0 : i32
        %add3A_2345 = arith.addi %squeeze3A_2339, %add3A_2344 : i32
        %get3A_2346 = arith.index_cast %add3A_2343 : i32 to index
        %get3A_2347 = arith.index_cast %add3A_2345 : i32 to index
        %get3A_2348 = tpu.vector_load %arg11[%get3A_2346, %get3A_2347] {strides = array<i32>} : memref<800x128xi32, #tpu.memory_space<vmem>>, vector<1x16xi32>,
        %get3A_2349 = vector.shape_cast %get3A_2348 : vector<1x16xi32> to vector<16xi32>
        %shift_left3A_2350 = arith.constant 16 : i32
        %shift_left3A_2351 = vector.broadcast %shift_left3A_2350 : i32 to vector<16xi32>
        %shift_left3A_2352 = arith.shli %get3A_2349, %shift_left3A_2351 : vector<16xi32>
        %bitcast_convert_type3A_2353 = tpu.bitcast %shift_left3A_2352 : vector<16xi32> -> vector<16xf32>
        %and3A_2354 = arith.andi %get3A_2349, %broadcast_in_dim3A_421 : vector<16xi32>
        %bitcast_convert_type3A_2355 = tpu.bitcast %and3A_2354 : vector<16xi32> -> vector<16xf32>
        %mul3A_2356 = arith.mulf %broadcast_in_dim3A_2337, %bitcast_convert_type3A_2353 : vector<16xf32>
        %add3A_2357 = arith.addf %add3A_2316, %mul3A_2356 : vector<16xf32>
        %mul3A_2358 = arith.mulf %broadcast_in_dim3A_2337, %bitcast_convert_type3A_2355 : vector<16xf32>
        %add3A_2359 = arith.addf %add3A_2318, %mul3A_2358 : vector<16xf32>
        %add3A_2360 = arith.constant 16 : i32
        %add3A_2361 = arith.addi %squeeze3A_2339, %add3A_2360 : i32
        %get3A_2362 = arith.index_cast %add3A_2343 : i32 to index
        %get3A_2363 = arith.index_cast %add3A_2361 : i32 to index
        %get3A_2364 = tpu.vector_load %arg11[%get3A_2362, %get3A_2363] {strides = array<i32>} : memref<800x128xi32, #tpu.memory_space<vmem>>, vector<1x16xi32>,
        %get3A_2365 = vector.shape_cast %get3A_2364 : vector<1x16xi32> to vector<16xi32>
        %shift_left3A_2366 = arith.constant 16 : i32
        %shift_left3A_2367 = vector.broadcast %shift_left3A_2366 : i32 to vector<16xi32>
        %shift_left3A_2368 = arith.shli %get3A_2365, %shift_left3A_2367 : vector<16xi32>
        %bitcast_convert_type3A_2369 = tpu.bitcast %shift_left3A_2368 : vector<16xi32> -> vector<16xf32>
        %and3A_2370 = arith.andi %get3A_2365, %broadcast_in_dim3A_421 : vector<16xi32>
        %bitcast_convert_type3A_2371 = tpu.bitcast %and3A_2370 : vector<16xi32> -> vector<16xf32>
        %mul3A_2372 = arith.mulf %broadcast_in_dim3A_2337, %bitcast_convert_type3A_2369 : vector<16xf32>
        %add3A_2373 = arith.addf %add3A_2332, %mul3A_2372 : vector<16xf32>
        %mul3A_2374 = arith.mulf %broadcast_in_dim3A_2337, %bitcast_convert_type3A_2371 : vector<16xf32>
        %add3A_2375 = arith.addf %add3A_2334, %mul3A_2374 : vector<16xf32>
        %slice3A_2376 = vector.extract_strided_slice %get3A_1792 {offsets = [14], sizes = [1], strides = [1]} : vector<16xf32> to vector<1xf32>
        %squeeze3A_2377 = vector.extract %slice3A_2376[0] : f32 from vector<1xf32>
        %broadcast_in_dim3A_2378 = vector.broadcast %squeeze3A_2377 : f32 to vector<16xf32>
        %slice3A_2379 = vector.extract_strided_slice %shift_left3A_1801 {offsets = [14], sizes = [1], strides = [1]} : vector<16xi32> to vector<1xi32>
        %squeeze3A_2380 = vector.extract %slice3A_2379[0] : i32 from vector<1xi32>
        %add3A_2381 = arith.constant 32 : i32
        %add3A_2382 = arith.addi %mul3A_448, %add3A_2381 : i32
        %add3A_2383 = arith.constant 14 : i32
        %add3A_2384 = arith.addi %add3A_2382, %add3A_2383 : i32
        %add3A_2385 = arith.constant 0 : i32
        %add3A_2386 = arith.addi %squeeze3A_2380, %add3A_2385 : i32
        %get3A_2387 = arith.index_cast %add3A_2384 : i32 to index
        %get3A_2388 = arith.index_cast %add3A_2386 : i32 to index
        %get3A_2389 = tpu.vector_load %arg11[%get3A_2387, %get3A_2388] {strides = array<i32>} : memref<800x128xi32, #tpu.memory_space<vmem>>, vector<1x16xi32>,
        %get3A_2390 = vector.shape_cast %get3A_2389 : vector<1x16xi32> to vector<16xi32>
        %shift_left3A_2391 = arith.constant 16 : i32
        %shift_left3A_2392 = vector.broadcast %shift_left3A_2391 : i32 to vector<16xi32>
        %shift_left3A_2393 = arith.shli %get3A_2390, %shift_left3A_2392 : vector<16xi32>
        %bitcast_convert_type3A_2394 = tpu.bitcast %shift_left3A_2393 : vector<16xi32> -> vector<16xf32>
        %and3A_2395 = arith.andi %get3A_2390, %broadcast_in_dim3A_421 : vector<16xi32>
        %bitcast_convert_type3A_2396 = tpu.bitcast %and3A_2395 : vector<16xi32> -> vector<16xf32>
        %mul3A_2397 = arith.mulf %broadcast_in_dim3A_2378, %bitcast_convert_type3A_2394 : vector<16xf32>
        %add3A_2398 = arith.addf %add3A_2357, %mul3A_2397 : vector<16xf32>
        %mul3A_2399 = arith.mulf %broadcast_in_dim3A_2378, %bitcast_convert_type3A_2396 : vector<16xf32>
        %add3A_2400 = arith.addf %add3A_2359, %mul3A_2399 : vector<16xf32>
        %add3A_2401 = arith.constant 16 : i32
        %add3A_2402 = arith.addi %squeeze3A_2380, %add3A_2401 : i32
        %get3A_2403 = arith.index_cast %add3A_2384 : i32 to index
        %get3A_2404 = arith.index_cast %add3A_2402 : i32 to index
        %get3A_2405 = tpu.vector_load %arg11[%get3A_2403, %get3A_2404] {strides = array<i32>} : memref<800x128xi32, #tpu.memory_space<vmem>>, vector<1x16xi32>,
        %get3A_2406 = vector.shape_cast %get3A_2405 : vector<1x16xi32> to vector<16xi32>
        %shift_left3A_2407 = arith.constant 16 : i32
        %shift_left3A_2408 = vector.broadcast %shift_left3A_2407 : i32 to vector<16xi32>
        %shift_left3A_2409 = arith.shli %get3A_2406, %shift_left3A_2408 : vector<16xi32>
        %bitcast_convert_type3A_2410 = tpu.bitcast %shift_left3A_2409 : vector<16xi32> -> vector<16xf32>
        %and3A_2411 = arith.andi %get3A_2406, %broadcast_in_dim3A_421 : vector<16xi32>
        %bitcast_convert_type3A_2412 = tpu.bitcast %and3A_2411 : vector<16xi32> -> vector<16xf32>
        %mul3A_2413 = arith.mulf %broadcast_in_dim3A_2378, %bitcast_convert_type3A_2410 : vector<16xf32>
        %add3A_2414 = arith.addf %add3A_2373, %mul3A_2413 : vector<16xf32>
        %mul3A_2415 = arith.mulf %broadcast_in_dim3A_2378, %bitcast_convert_type3A_2412 : vector<16xf32>
        %add3A_2416 = arith.addf %add3A_2375, %mul3A_2415 : vector<16xf32>
        %slice3A_2417 = vector.extract_strided_slice %get3A_1792 {offsets = [15], sizes = [1], strides = [1]} : vector<16xf32> to vector<1xf32>
        %squeeze3A_2418 = vector.extract %slice3A_2417[0] : f32 from vector<1xf32>
        %broadcast_in_dim3A_2419 = vector.broadcast %squeeze3A_2418 : f32 to vector<16xf32>
        %slice3A_2420 = vector.extract_strided_slice %shift_left3A_1801 {offsets = [15], sizes = [1], strides = [1]} : vector<16xi32> to vector<1xi32>
        %squeeze3A_2421 = vector.extract %slice3A_2420[0] : i32 from vector<1xi32>
        %add3A_2422 = arith.constant 32 : i32
        %add3A_2423 = arith.addi %mul3A_448, %add3A_2422 : i32
        %add3A_2424 = arith.constant 15 : i32
        %add3A_2425 = arith.addi %add3A_2423, %add3A_2424 : i32
        %add3A_2426 = arith.constant 0 : i32
        %add3A_2427 = arith.addi %squeeze3A_2421, %add3A_2426 : i32
        %get3A_2428 = arith.index_cast %add3A_2425 : i32 to index
        %get3A_2429 = arith.index_cast %add3A_2427 : i32 to index
        %get3A_2430 = tpu.vector_load %arg11[%get3A_2428, %get3A_2429] {strides = array<i32>} : memref<800x128xi32, #tpu.memory_space<vmem>>, vector<1x16xi32>,
        %get3A_2431 = vector.shape_cast %get3A_2430 : vector<1x16xi32> to vector<16xi32>
        %shift_left3A_2432 = arith.constant 16 : i32
        %shift_left3A_2433 = vector.broadcast %shift_left3A_2432 : i32 to vector<16xi32>
        %shift_left3A_2434 = arith.shli %get3A_2431, %shift_left3A_2433 : vector<16xi32>
        %bitcast_convert_type3A_2435 = tpu.bitcast %shift_left3A_2434 : vector<16xi32> -> vector<16xf32>
        %and3A_2436 = arith.andi %get3A_2431, %broadcast_in_dim3A_421 : vector<16xi32>
        %bitcast_convert_type3A_2437 = tpu.bitcast %and3A_2436 : vector<16xi32> -> vector<16xf32>
        %mul3A_2438 = arith.mulf %broadcast_in_dim3A_2419, %bitcast_convert_type3A_2435 : vector<16xf32>
        %add3A_2439 = arith.addf %add3A_2398, %mul3A_2438 : vector<16xf32>
        %mul3A_2440 = arith.mulf %broadcast_in_dim3A_2419, %bitcast_convert_type3A_2437 : vector<16xf32>
        %add3A_2441 = arith.addf %add3A_2400, %mul3A_2440 : vector<16xf32>
        %add3A_2442 = arith.constant 16 : i32
        %add3A_2443 = arith.addi %squeeze3A_2421, %add3A_2442 : i32
        %get3A_2444 = arith.index_cast %add3A_2425 : i32 to index
        %get3A_2445 = arith.index_cast %add3A_2443 : i32 to index
        %get3A_2446 = tpu.vector_load %arg11[%get3A_2444, %get3A_2445] {strides = array<i32>} : memref<800x128xi32, #tpu.memory_space<vmem>>, vector<1x16xi32>,
        %get3A_2447 = vector.shape_cast %get3A_2446 : vector<1x16xi32> to vector<16xi32>
        %shift_left3A_2448 = arith.constant 16 : i32
        %shift_left3A_2449 = vector.broadcast %shift_left3A_2448 : i32 to vector<16xi32>
        %shift_left3A_2450 = arith.shli %get3A_2447, %shift_left3A_2449 : vector<16xi32>
        %bitcast_convert_type3A_2451 = tpu.bitcast %shift_left3A_2450 : vector<16xi32> -> vector<16xf32>
        %and3A_2452 = arith.andi %get3A_2447, %broadcast_in_dim3A_421 : vector<16xi32>
        %bitcast_convert_type3A_2453 = tpu.bitcast %and3A_2452 : vector<16xi32> -> vector<16xf32>
        %mul3A_2454 = arith.mulf %broadcast_in_dim3A_2419, %bitcast_convert_type3A_2451 : vector<16xf32>
        %add3A_2455 = arith.addf %add3A_2414, %mul3A_2454 : vector<16xf32>
        %mul3A_2456 = arith.mulf %broadcast_in_dim3A_2419, %bitcast_convert_type3A_2453 : vector<16xf32>
        %add3A_2457 = arith.addf %add3A_2416, %mul3A_2456 : vector<16xf32>
        %add3A_2458 = arith.constant 48 : i32
        %add3A_2459 = arith.addi %mul3A_450, %add3A_2458 : i32
        %get3A_2460 = arith.index_cast %add3A_2459 : i32 to index
        %get3A_2461 = tpu.vector_load %arg10[%get3A_2460] {strides = array<i32>} : memref<1024xf32, #tpu.memory_space<vmem>>, vector<16xf32>,
        %get3A_2462 = vector.shape_cast %get3A_2461 : vector<16xf32> to vector<16xf32>
        %get3A_2463 = arith.index_cast %add3A_2459 : i32 to index
        %get3A_2464 = tpu.vector_load %arg9[%get3A_2463] {strides = array<i32>} : memref<1024xi32, #tpu.memory_space<vmem>>, vector<16xi32>,
        %get3A_2465 = vector.shape_cast %get3A_2464 : vector<16xi32> to vector<16xi32>
        %shift_right_logical3A_2466 = arith.constant 18 : i32
        %shift_right_logical3A_2467 = vector.broadcast %shift_right_logical3A_2466 : i32 to vector<16xi32>
        %shift_right_logical3A_2468 = arith.shrui %get3A_2465, %shift_right_logical3A_2467 : vector<16xi32>
        %shift_left3A_2469 = arith.constant 5 : i32
        %shift_left3A_2470 = vector.broadcast %shift_left3A_2469 : i32 to vector<16xi32>
        %shift_left3A_2471 = arith.shli %shift_right_logical3A_2468, %shift_left3A_2470 : vector<16xi32>
        %slice3A_2472 = vector.extract_strided_slice %get3A_2462 {offsets = [0], sizes = [1], strides = [1]} : vector<16xf32> to vector<1xf32>
        %squeeze3A_2473 = vector.extract %slice3A_2472[0] : f32 from vector<1xf32>
        %broadcast_in_dim3A_2474 = vector.broadcast %squeeze3A_2473 : f32 to vector<16xf32>
        %slice3A_2475 = vector.extract_strided_slice %shift_left3A_2471 {offsets = [0], sizes = [1], strides = [1]} : vector<16xi32> to vector<1xi32>
        %squeeze3A_2476 = vector.extract %slice3A_2475[0] : i32 from vector<1xi32>
        %add3A_2477 = arith.constant 48 : i32
        %add3A_2478 = arith.addi %mul3A_448, %add3A_2477 : i32
        %add3A_2479 = arith.constant 0 : i32
        %add3A_2480 = arith.addi %add3A_2478, %add3A_2479 : i32
        %add3A_2481 = arith.constant 0 : i32
        %add3A_2482 = arith.addi %squeeze3A_2476, %add3A_2481 : i32
        %get3A_2483 = arith.index_cast %add3A_2480 : i32 to index
        %get3A_2484 = arith.index_cast %add3A_2482 : i32 to index
        %get3A_2485 = tpu.vector_load %arg11[%get3A_2483, %get3A_2484] {strides = array<i32>} : memref<800x128xi32, #tpu.memory_space<vmem>>, vector<1x16xi32>,
        %get3A_2486 = vector.shape_cast %get3A_2485 : vector<1x16xi32> to vector<16xi32>
        %shift_left3A_2487 = arith.constant 16 : i32
        %shift_left3A_2488 = vector.broadcast %shift_left3A_2487 : i32 to vector<16xi32>
        %shift_left3A_2489 = arith.shli %get3A_2486, %shift_left3A_2488 : vector<16xi32>
        %bitcast_convert_type3A_2490 = tpu.bitcast %shift_left3A_2489 : vector<16xi32> -> vector<16xf32>
        %and3A_2491 = arith.andi %get3A_2486, %broadcast_in_dim3A_421 : vector<16xi32>
        %bitcast_convert_type3A_2492 = tpu.bitcast %and3A_2491 : vector<16xi32> -> vector<16xf32>
        %mul3A_2493 = arith.mulf %broadcast_in_dim3A_2474, %bitcast_convert_type3A_2490 : vector<16xf32>
        %add3A_2494 = arith.addf %add3A_2439, %mul3A_2493 : vector<16xf32>
        %mul3A_2495 = arith.mulf %broadcast_in_dim3A_2474, %bitcast_convert_type3A_2492 : vector<16xf32>
        %add3A_2496 = arith.addf %add3A_2441, %mul3A_2495 : vector<16xf32>
        %add3A_2497 = arith.constant 16 : i32
        %add3A_2498 = arith.addi %squeeze3A_2476, %add3A_2497 : i32
        %get3A_2499 = arith.index_cast %add3A_2480 : i32 to index
        %get3A_2500 = arith.index_cast %add3A_2498 : i32 to index
        %get3A_2501 = tpu.vector_load %arg11[%get3A_2499, %get3A_2500] {strides = array<i32>} : memref<800x128xi32, #tpu.memory_space<vmem>>, vector<1x16xi32>,
        %get3A_2502 = vector.shape_cast %get3A_2501 : vector<1x16xi32> to vector<16xi32>
        %shift_left3A_2503 = arith.constant 16 : i32
        %shift_left3A_2504 = vector.broadcast %shift_left3A_2503 : i32 to vector<16xi32>
        %shift_left3A_2505 = arith.shli %get3A_2502, %shift_left3A_2504 : vector<16xi32>
        %bitcast_convert_type3A_2506 = tpu.bitcast %shift_left3A_2505 : vector<16xi32> -> vector<16xf32>
        %and3A_2507 = arith.andi %get3A_2502, %broadcast_in_dim3A_421 : vector<16xi32>
        %bitcast_convert_type3A_2508 = tpu.bitcast %and3A_2507 : vector<16xi32> -> vector<16xf32>
        %mul3A_2509 = arith.mulf %broadcast_in_dim3A_2474, %bitcast_convert_type3A_2506 : vector<16xf32>
        %add3A_2510 = arith.addf %add3A_2455, %mul3A_2509 : vector<16xf32>
        %mul3A_2511 = arith.mulf %broadcast_in_dim3A_2474, %bitcast_convert_type3A_2508 : vector<16xf32>
        %add3A_2512 = arith.addf %add3A_2457, %mul3A_2511 : vector<16xf32>
        %slice3A_2513 = vector.extract_strided_slice %get3A_2462 {offsets = [1], sizes = [1], strides = [1]} : vector<16xf32> to vector<1xf32>
        %squeeze3A_2514 = vector.extract %slice3A_2513[0] : f32 from vector<1xf32>
        %broadcast_in_dim3A_2515 = vector.broadcast %squeeze3A_2514 : f32 to vector<16xf32>
        %slice3A_2516 = vector.extract_strided_slice %shift_left3A_2471 {offsets = [1], sizes = [1], strides = [1]} : vector<16xi32> to vector<1xi32>
        %squeeze3A_2517 = vector.extract %slice3A_2516[0] : i32 from vector<1xi32>
        %add3A_2518 = arith.constant 48 : i32
        %add3A_2519 = arith.addi %mul3A_448, %add3A_2518 : i32
        %add3A_2520 = arith.constant 1 : i32
        %add3A_2521 = arith.addi %add3A_2519, %add3A_2520 : i32
        %add3A_2522 = arith.constant 0 : i32
        %add3A_2523 = arith.addi %squeeze3A_2517, %add3A_2522 : i32
        %get3A_2524 = arith.index_cast %add3A_2521 : i32 to index
        %get3A_2525 = arith.index_cast %add3A_2523 : i32 to index
        %get3A_2526 = tpu.vector_load %arg11[%get3A_2524, %get3A_2525] {strides = array<i32>} : memref<800x128xi32, #tpu.memory_space<vmem>>, vector<1x16xi32>,
        %get3A_2527 = vector.shape_cast %get3A_2526 : vector<1x16xi32> to vector<16xi32>
        %shift_left3A_2528 = arith.constant 16 : i32
        %shift_left3A_2529 = vector.broadcast %shift_left3A_2528 : i32 to vector<16xi32>
        %shift_left3A_2530 = arith.shli %get3A_2527, %shift_left3A_2529 : vector<16xi32>
        %bitcast_convert_type3A_2531 = tpu.bitcast %shift_left3A_2530 : vector<16xi32> -> vector<16xf32>
        %and3A_2532 = arith.andi %get3A_2527, %broadcast_in_dim3A_421 : vector<16xi32>
        %bitcast_convert_type3A_2533 = tpu.bitcast %and3A_2532 : vector<16xi32> -> vector<16xf32>
        %mul3A_2534 = arith.mulf %broadcast_in_dim3A_2515, %bitcast_convert_type3A_2531 : vector<16xf32>
        %add3A_2535 = arith.addf %add3A_2494, %mul3A_2534 : vector<16xf32>
        %mul3A_2536 = arith.mulf %broadcast_in_dim3A_2515, %bitcast_convert_type3A_2533 : vector<16xf32>
        %add3A_2537 = arith.addf %add3A_2496, %mul3A_2536 : vector<16xf32>
        %add3A_2538 = arith.constant 16 : i32
        %add3A_2539 = arith.addi %squeeze3A_2517, %add3A_2538 : i32
        %get3A_2540 = arith.index_cast %add3A_2521 : i32 to index
        %get3A_2541 = arith.index_cast %add3A_2539 : i32 to index
        %get3A_2542 = tpu.vector_load %arg11[%get3A_2540, %get3A_2541] {strides = array<i32>} : memref<800x128xi32, #tpu.memory_space<vmem>>, vector<1x16xi32>,
        %get3A_2543 = vector.shape_cast %get3A_2542 : vector<1x16xi32> to vector<16xi32>
        %shift_left3A_2544 = arith.constant 16 : i32
        %shift_left3A_2545 = vector.broadcast %shift_left3A_2544 : i32 to vector<16xi32>
        %shift_left3A_2546 = arith.shli %get3A_2543, %shift_left3A_2545 : vector<16xi32>
        %bitcast_convert_type3A_2547 = tpu.bitcast %shift_left3A_2546 : vector<16xi32> -> vector<16xf32>
        %and3A_2548 = arith.andi %get3A_2543, %broadcast_in_dim3A_421 : vector<16xi32>
        %bitcast_convert_type3A_2549 = tpu.bitcast %and3A_2548 : vector<16xi32> -> vector<16xf32>
        %mul3A_2550 = arith.mulf %broadcast_in_dim3A_2515, %bitcast_convert_type3A_2547 : vector<16xf32>
        %add3A_2551 = arith.addf %add3A_2510, %mul3A_2550 : vector<16xf32>
        %mul3A_2552 = arith.mulf %broadcast_in_dim3A_2515, %bitcast_convert_type3A_2549 : vector<16xf32>
        %add3A_2553 = arith.addf %add3A_2512, %mul3A_2552 : vector<16xf32>
        %shift_right_logical3A_2554 = arith.constant 1 : i32
        %shift_right_logical3A_2555 = arith.shrui %scan3A_446, %shift_right_logical3A_2554 : i32
        %and3A_2556 = arith.constant 1 : i32
        %and3A_2557 = arith.andi %scan3A_446, %and3A_2556 : i32
        %shift_left3A_2558 = arith.constant 6 : i32
        %shift_left3A_2559 = arith.shli %and3A_2557, %shift_left3A_2558 : i32
        %mul3A_2560 = arith.constant 2.000000e-02 : f32
        %mul3A_2561 = vector.broadcast %mul3A_2560 : f32 to vector<16xf32>
        %mul3A_2562 = arith.mulf %add3A_2535, %mul3A_2561 : vector<16xf32>
        %add3A_2563 = arith.constant 0 : i32
        %add3A_2564 = arith.addi %shift_left3A_2559, %add3A_2563 : i32
        %swap3A_2565 = arith.index_cast %shift_right_logical3A_2555 : i32 to index
        %swap3A_2566 = arith.index_cast %add3A_2564 : i32 to index
        %swap3A_2567 = tpu.vector_load %arg12[%swap3A_2565, %swap3A_2566] {strides = array<i32>} : memref<8x128xf32, #tpu.memory_space<vmem>>, vector<1x16xf32>,
        %swap3A_2568 = vector.shape_cast %swap3A_2567 : vector<1x16xf32> to vector<16xf32>
        %swap3A_2569 = vector.shape_cast %mul3A_2562 : vector<16xf32> to vector<1x16xf32>
        tpu.vector_store %arg12[%swap3A_2565, %swap3A_2566], %swap3A_2569 {strides = array<i32>} : memref<8x128xf32, #tpu.memory_space<vmem>>, vector<1x16xf32>,
        %mul3A_2570 = arith.constant 2.000000e-02 : f32
        %mul3A_2571 = vector.broadcast %mul3A_2570 : f32 to vector<16xf32>
        %mul3A_2572 = arith.mulf %add3A_2551, %mul3A_2571 : vector<16xf32>
        %add3A_2573 = arith.constant 16 : i32
        %add3A_2574 = arith.addi %shift_left3A_2559, %add3A_2573 : i32
        %swap3A_2575 = arith.index_cast %shift_right_logical3A_2555 : i32 to index
        %swap3A_2576 = arith.index_cast %add3A_2574 : i32 to index
        %swap3A_2577 = tpu.vector_load %arg12[%swap3A_2575, %swap3A_2576] {strides = array<i32>} : memref<8x128xf32, #tpu.memory_space<vmem>>, vector<1x16xf32>,
        %swap3A_2578 = vector.shape_cast %swap3A_2577 : vector<1x16xf32> to vector<16xf32>
        %swap3A_2579 = vector.shape_cast %mul3A_2572 : vector<16xf32> to vector<1x16xf32>
        tpu.vector_store %arg12[%swap3A_2575, %swap3A_2576], %swap3A_2579 {strides = array<i32>} : memref<8x128xf32, #tpu.memory_space<vmem>>, vector<1x16xf32>,
        %mul3A_2580 = arith.constant 2.000000e-02 : f32
        %mul3A_2581 = vector.broadcast %mul3A_2580 : f32 to vector<16xf32>
        %mul3A_2582 = arith.mulf %add3A_2537, %mul3A_2581 : vector<16xf32>
        %add3A_2583 = arith.constant 32 : i32
        %add3A_2584 = arith.addi %shift_left3A_2559, %add3A_2583 : i32
        %swap3A_2585 = arith.index_cast %shift_right_logical3A_2555 : i32 to index
        %swap3A_2586 = arith.index_cast %add3A_2584 : i32 to index
        %swap3A_2587 = tpu.vector_load %arg12[%swap3A_2585, %swap3A_2586] {strides = array<i32>} : memref<8x128xf32, #tpu.memory_space<vmem>>, vector<1x16xf32>,
        %swap3A_2588 = vector.shape_cast %swap3A_2587 : vector<1x16xf32> to vector<16xf32>
        %swap3A_2589 = vector.shape_cast %mul3A_2582 : vector<16xf32> to vector<1x16xf32>
        tpu.vector_store %arg12[%swap3A_2585, %swap3A_2586], %swap3A_2589 {strides = array<i32>} : memref<8x128xf32, #tpu.memory_space<vmem>>, vector<1x16xf32>,
        %mul3A_2590 = arith.constant 2.000000e-02 : f32
        %mul3A_2591 = vector.broadcast %mul3A_2590 : f32 to vector<16xf32>
        %mul3A_2592 = arith.mulf %add3A_2553, %mul3A_2591 : vector<16xf32>
        %add3A_2593 = arith.constant 48 : i32
        %add3A_2594 = arith.addi %shift_left3A_2559, %add3A_2593 : i32
        %swap3A_2595 = arith.index_cast %shift_right_logical3A_2555 : i32 to index
        %swap3A_2596 = arith.index_cast %add3A_2594 : i32 to index
        %swap3A_2597 = tpu.vector_load %arg12[%swap3A_2595, %swap3A_2596] {strides = array<i32>} : memref<8x128xf32, #tpu.memory_space<vmem>>, vector<1x16xf32>,
        %swap3A_2598 = vector.shape_cast %swap3A_2597 : vector<1x16xf32> to vector<16xf32>
        %swap3A_2599 = vector.shape_cast %mul3A_2592 : vector<16xf32> to vector<1x16xf32>
        tpu.vector_store %arg12[%swap3A_2595, %swap3A_2596], %swap3A_2599 {strides = array<i32>} : memref<8x128xf32, #tpu.memory_space<vmem>>, vector<1x16xf32>,
      }
      %scan3A_427 = arith.constant 16 : i32
      %jit3A = arith.constant 2 : i32
      %div3A = arith.divsi %multiple_of3A, %jit3A : i32
      %sign3A = arith.constant 0 : i32
      %sign3A_428 = arith.cmpi sgt, %multiple_of3A, %sign3A : i32
      %sign3A_429 = arith.extui %sign3A_428 : i1 to i32
      %sign3A_430 = arith.constant 0 : i32
      %sign3A_431 = arith.cmpi slt, %multiple_of3A, %sign3A_430 : i32
      %sign3A_432 = arith.extui %sign3A_431 : i1 to i32
      %sign3A_433 = arith.subi %sign3A_429, %sign3A_432 : i32
      %sign3A_434 = arith.constant 0 : i32
      %sign3A_435 = arith.cmpi sgt, %jit3A, %sign3A_434 : i32
      %sign3A_436 = arith.extui %sign3A_435 : i1 to i32
      %sign3A_437 = arith.constant 0 : i32
      %sign3A_438 = arith.cmpi slt, %jit3A, %sign3A_437 : i32
      %sign3A_439 = arith.extui %sign3A_438 : i1 to i32
      %sign3A_440 = arith.subi %sign3A_436, %sign3A_439 : i32
      %ne3A = arith.cmpi ne, %sign3A_433, %sign3A_440 : i32
      %rem3A = arith.remsi %multiple_of3A, %jit3A : i32
      %ne3A_441 = arith.constant 0 : i32
      %ne3A_442 = arith.cmpi ne, %rem3A, %ne3A_441 : i32
      %and3A_443 = arith.andi %ne3A, %ne3A_442 : i1
      %sub3A = arith.constant 1 : i32
      %sub3A_444 = arith.subi %div3A, %sub3A : i32
      %select_n3A = arith.select %and3A_443, %sub3A_444, %div3A : i32
      %multiple_of3A_445 = tpu.assume_multiple %select_n3A, 8 : i32
      "tpu.region"() ({
        %run_scoped3A = tpu.sem_alloc : memref<!tpu.dma_semaphore, #tpu.memory_space<semaphore_mem>>
        %dma_start3A_446 = arith.constant 0 : i32
        %dma_start3A_447 = tpu.memref_slice %arg6[%multiple_of3A_445, %dma_start3A_446] : memref<8192x128xf32, #tpu.memory_space<hbm>> -> memref<8x128xf32, #tpu.memory_space<hbm>>
        %dma_start3A_448 = arith.constant 0 : i32
        %dma_start3A_449 = tpu.memref_slice %arg6[%multiple_of3A_445, %dma_start3A_448] : memref<8192x128xf32, #tpu.memory_space<hbm>> -> memref<8x128xf32, #tpu.memory_space<hbm>>
        tpu.enqueue_dma source(%arg12 : memref<8x128xf32, #tpu.memory_space<vmem>>) target(%dma_start3A_449 : memref<8x128xf32, #tpu.memory_space<hbm>>) target_semaphore(%run_scoped3A : memref<!tpu.dma_semaphore, #tpu.memory_space<semaphore_mem>>)
        %dma_wait3A_450 = arith.constant 0 : i32
        %dma_wait3A_451 = tpu.memref_slice %arg6[%multiple_of3A_445, %dma_wait3A_450] : memref<8192x128xf32, #tpu.memory_space<hbm>> -> memref<8x128xf32, #tpu.memory_space<hbm>>
        %dma_wait3A_452 = arith.constant 0 : i32
        %dma_wait3A_453 = tpu.memref_slice %arg6[%multiple_of3A_445, %dma_wait3A_452] : memref<8192x128xf32, #tpu.memory_space<hbm>> -> memref<8x128xf32, #tpu.memory_space<hbm>>
        tpu.wait_dma2 semaphore(%run_scoped3A : memref<!tpu.dma_semaphore, #tpu.memory_space<semaphore_mem>>) src(%arg12 : memref<8x128xf32, #tpu.memory_space<vmem>>) dst(%dma_wait3A_453 : memref<8x128xf32, #tpu.memory_space<hbm>>)
        tpu.yield
      }) : () -> ()
    }
    %scan3A_7 = arith.constant 32 : i32
    return
  }
}

module attributes {stable_mosaic.version = 14 : i64} {
  func.func @_tr_body(%arg0: i32, %arg1: memref<64x8192xf32, #tpu.memory_space<vmem>>, %arg2: memref<64x8192xf32, #tpu.memory_space<vmem>>, %arg3: memref<64x8192xf32, #tpu.memory_space<vmem>>, %arg4: memref<64x8192xf32, #tpu.memory_space<vmem>>, %arg5: memref<8192x128xi32, #tpu.memory_space<vmem>>) attributes {dimension_semantics = [#tpu.dimension_semantics<arbitrary>], iteration_bounds = array<i64: 32>, scalar_prefetch = 0 : i64, scratch_operands = 0 : i64, tpu.core_type = #tpu.core_type<tc>, window_params = [{transform_indices = @transform_0, window_bounds = array<i64: 64, 8192>}, {transform_indices = @transform_1, window_bounds = array<i64: 64, 8192>}, {transform_indices = @transform_2, window_bounds = array<i64: 64, 8192>}, {transform_indices = @transform_3, window_bounds = array<i64: 64, 8192>}, {transform_indices = @transform_4, window_bounds = array<i64: 8192, 128>}]} {
    %get3A = arith.constant 0 : index
    %get3A_0 = arith.constant 0 : index
    %get3A_1 = vector.load %arg1[%get3A, %get3A_0] : memref<64x8192xf32, #tpu.memory_space<vmem>>, vector<64x8192xf32>
    %bitcast_convert_type3A = tpu.bitcast %get3A_1 : vector<64x8192xf32> -> vector<64x8192xi32>
    %slice3A = vector.extract_strided_slice %bitcast_convert_type3A {offsets = [0, 0], sizes = [32, 8192], strides = [1, 1]} : vector<64x8192xi32> to vector<32x8192xi32>
    %add3A = arith.constant 32768 : i32
    %add3A_2 = vector.broadcast %add3A : i32 to vector<32x8192xi32>
    %add3A_3 = arith.addi %slice3A, %add3A_2 : vector<32x8192xi32>
    %shift_right_logical3A = arith.constant 16 : i32
    %shift_right_logical3A_4 = vector.broadcast %shift_right_logical3A : i32 to vector<32x8192xi32>
    %shift_right_logical3A_5 = arith.shrui %add3A_3, %shift_right_logical3A_4 : vector<32x8192xi32>
    %slice3A_6 = vector.extract_strided_slice %bitcast_convert_type3A {offsets = [32, 0], sizes = [32, 8192], strides = [1, 1]} : vector<64x8192xi32> to vector<32x8192xi32>
    %add3A_7 = arith.constant 32768 : i32
    %add3A_8 = vector.broadcast %add3A_7 : i32 to vector<32x8192xi32>
    %add3A_9 = arith.addi %slice3A_6, %add3A_8 : vector<32x8192xi32>
    %and3A = arith.constant -65536 : i32
    %and3A_10 = vector.broadcast %and3A : i32 to vector<32x8192xi32>
    %and3A_11 = arith.andi %add3A_9, %and3A_10 : vector<32x8192xi32>
    %or3A = arith.ori %shift_right_logical3A_5, %and3A_11 : vector<32x8192xi32>
    %get3A_12 = arith.constant 0 : index
    %get3A_13 = arith.constant 0 : index
    %get3A_14 = vector.load %arg2[%get3A_12, %get3A_13] : memref<64x8192xf32, #tpu.memory_space<vmem>>, vector<64x8192xf32>
    %bitcast_convert_type3A_15 = tpu.bitcast %get3A_14 : vector<64x8192xf32> -> vector<64x8192xi32>
    %slice3A_16 = vector.extract_strided_slice %bitcast_convert_type3A_15 {offsets = [0, 0], sizes = [32, 8192], strides = [1, 1]} : vector<64x8192xi32> to vector<32x8192xi32>
    %add3A_17 = arith.constant 32768 : i32
    %add3A_18 = vector.broadcast %add3A_17 : i32 to vector<32x8192xi32>
    %add3A_19 = arith.addi %slice3A_16, %add3A_18 : vector<32x8192xi32>
    %shift_right_logical3A_20 = arith.constant 16 : i32
    %shift_right_logical3A_21 = vector.broadcast %shift_right_logical3A_20 : i32 to vector<32x8192xi32>
    %shift_right_logical3A_22 = arith.shrui %add3A_19, %shift_right_logical3A_21 : vector<32x8192xi32>
    %slice3A_23 = vector.extract_strided_slice %bitcast_convert_type3A_15 {offsets = [32, 0], sizes = [32, 8192], strides = [1, 1]} : vector<64x8192xi32> to vector<32x8192xi32>
    %add3A_24 = arith.constant 32768 : i32
    %add3A_25 = vector.broadcast %add3A_24 : i32 to vector<32x8192xi32>
    %add3A_26 = arith.addi %slice3A_23, %add3A_25 : vector<32x8192xi32>
    %and3A_27 = arith.constant -65536 : i32
    %and3A_28 = vector.broadcast %and3A_27 : i32 to vector<32x8192xi32>
    %and3A_29 = arith.andi %add3A_26, %and3A_28 : vector<32x8192xi32>
    %or3A_30 = arith.ori %shift_right_logical3A_22, %and3A_29 : vector<32x8192xi32>
    %get3A_31 = arith.constant 0 : index
    %get3A_32 = arith.constant 0 : index
    %get3A_33 = vector.load %arg3[%get3A_31, %get3A_32] : memref<64x8192xf32, #tpu.memory_space<vmem>>, vector<64x8192xf32>
    %bitcast_convert_type3A_34 = tpu.bitcast %get3A_33 : vector<64x8192xf32> -> vector<64x8192xi32>
    %slice3A_35 = vector.extract_strided_slice %bitcast_convert_type3A_34 {offsets = [0, 0], sizes = [32, 8192], strides = [1, 1]} : vector<64x8192xi32> to vector<32x8192xi32>
    %add3A_36 = arith.constant 32768 : i32
    %add3A_37 = vector.broadcast %add3A_36 : i32 to vector<32x8192xi32>
    %add3A_38 = arith.addi %slice3A_35, %add3A_37 : vector<32x8192xi32>
    %shift_right_logical3A_39 = arith.constant 16 : i32
    %shift_right_logical3A_40 = vector.broadcast %shift_right_logical3A_39 : i32 to vector<32x8192xi32>
    %shift_right_logical3A_41 = arith.shrui %add3A_38, %shift_right_logical3A_40 : vector<32x8192xi32>
    %slice3A_42 = vector.extract_strided_slice %bitcast_convert_type3A_34 {offsets = [32, 0], sizes = [32, 8192], strides = [1, 1]} : vector<64x8192xi32> to vector<32x8192xi32>
    %add3A_43 = arith.constant 32768 : i32
    %add3A_44 = vector.broadcast %add3A_43 : i32 to vector<32x8192xi32>
    %add3A_45 = arith.addi %slice3A_42, %add3A_44 : vector<32x8192xi32>
    %and3A_46 = arith.constant -65536 : i32
    %and3A_47 = vector.broadcast %and3A_46 : i32 to vector<32x8192xi32>
    %and3A_48 = arith.andi %add3A_45, %and3A_47 : vector<32x8192xi32>
    %or3A_49 = arith.ori %shift_right_logical3A_41, %and3A_48 : vector<32x8192xi32>
    %get3A_50 = arith.constant 0 : index
    %get3A_51 = arith.constant 0 : index
    %get3A_52 = vector.load %arg4[%get3A_50, %get3A_51] : memref<64x8192xf32, #tpu.memory_space<vmem>>, vector<64x8192xf32>
    %bitcast_convert_type3A_53 = tpu.bitcast %get3A_52 : vector<64x8192xf32> -> vector<64x8192xi32>
    %slice3A_54 = vector.extract_strided_slice %bitcast_convert_type3A_53 {offsets = [0, 0], sizes = [32, 8192], strides = [1, 1]} : vector<64x8192xi32> to vector<32x8192xi32>
    %add3A_55 = arith.constant 32768 : i32
    %add3A_56 = vector.broadcast %add3A_55 : i32 to vector<32x8192xi32>
    %add3A_57 = arith.addi %slice3A_54, %add3A_56 : vector<32x8192xi32>
    %shift_right_logical3A_58 = arith.constant 16 : i32
    %shift_right_logical3A_59 = vector.broadcast %shift_right_logical3A_58 : i32 to vector<32x8192xi32>
    %shift_right_logical3A_60 = arith.shrui %add3A_57, %shift_right_logical3A_59 : vector<32x8192xi32>
    %slice3A_61 = vector.extract_strided_slice %bitcast_convert_type3A_53 {offsets = [32, 0], sizes = [32, 8192], strides = [1, 1]} : vector<64x8192xi32> to vector<32x8192xi32>
    %add3A_62 = arith.constant 32768 : i32
    %add3A_63 = vector.broadcast %add3A_62 : i32 to vector<32x8192xi32>
    %add3A_64 = arith.addi %slice3A_61, %add3A_63 : vector<32x8192xi32>
    %and3A_65 = arith.constant -65536 : i32
    %and3A_66 = vector.broadcast %and3A_65 : i32 to vector<32x8192xi32>
    %and3A_67 = arith.andi %add3A_64, %and3A_66 : vector<32x8192xi32>
    %or3A_68 = arith.ori %shift_right_logical3A_60, %and3A_67 : vector<32x8192xi32>
    %concatenate3A = tpu.concatenate %or3A, %or3A_30, %or3A_49, %or3A_68 in 0 : vector<32x8192xi32>, vector<32x8192xi32>, vector<32x8192xi32>, vector<32x8192xi32> -> vector<128x8192xi32>
    %transpose3A = tpu.transpose %concatenate3A, [1, 0] : vector<128x8192xi32> -> vector<8192x128xi32>
    %bitcast_convert_type3A_69 = tpu.bitcast %transpose3A : vector<8192x128xi32> -> vector<8192x128xi32>
    %swap3A = arith.constant 0 : index
    %swap3A_70 = arith.constant 0 : index
    %swap3A_71 = vector.load %arg5[%swap3A, %swap3A_70] : memref<8192x128xi32, #tpu.memory_space<vmem>>, vector<8192x128xi32>
    tpu.vector_store %arg5[%swap3A, %swap3A_70], %bitcast_convert_type3A_69 {strides = array<i32>} : memref<8192x128xi32, #tpu.memory_space<vmem>>, vector<8192x128xi32>,
    return
  }
  func.func @transform_0(%arg0: i32) -> (i32, i32) {
    %add3A = arith.constant 0 : i32
    %add3A_0 = arith.addi %arg0, %add3A : i32
    %min3A = arith.constant 122 : i32
    %min3A_1 = arith.minsi %add3A_0, %min3A : i32
    %c0_i32 = arith.constant 0 : i32
    %c0_i32_2 = arith.constant 0 : i32
    return %c0_i32, %min3A_1 : i32, i32
  }
  func.func @transform_1(%arg0: i32) -> (i32, i32) {
    %add3A = arith.constant 32 : i32
    %add3A_0 = arith.addi %arg0, %add3A : i32
    %min3A = arith.constant 122 : i32
    %min3A_1 = arith.minsi %add3A_0, %min3A : i32
    %c0_i32 = arith.constant 0 : i32
    %c0_i32_2 = arith.constant 0 : i32
    return %c0_i32, %min3A_1 : i32, i32
  }
  func.func @transform_2(%arg0: i32) -> (i32, i32) {
    %add3A = arith.constant 64 : i32
    %add3A_0 = arith.addi %arg0, %add3A : i32
    %min3A = arith.constant 122 : i32
    %min3A_1 = arith.minsi %add3A_0, %min3A : i32
    %c0_i32 = arith.constant 0 : i32
    %c0_i32_2 = arith.constant 0 : i32
    return %c0_i32, %min3A_1 : i32, i32
  }
  func.func @transform_3(%arg0: i32) -> (i32, i32) {
    %add3A = arith.constant 96 : i32
    %add3A_0 = arith.addi %arg0, %add3A : i32
    %min3A = arith.constant 122 : i32
    %min3A_1 = arith.minsi %add3A_0, %min3A : i32
    %c0_i32 = arith.constant 0 : i32
    %c0_i32_2 = arith.constant 0 : i32
    return %c0_i32, %min3A_1 : i32, i32
  }
  func.func @transform_4(%arg0: i32) -> (i32, i32) {
    %c0_i32 = arith.constant 0 : i32
    %c0_i32_0 = arith.constant 0 : i32
    return %arg0, %c0_i32 : i32, i32
  }
}

</mosaic_0001>

<sc_bundles>
// kernel: kernel.4.cloned.1.call-start
scs
__scs_entry_jumppad:
0x0: {  	(pc) =	sbr.rel $0x88, $3  }
0x1: {  	(tag) =	ssettag $0x0;
	lr =	simm.s32 $0x1  }
0x2: {  	[smem:$0x3F9E] =	sst lr;
	_ =	strace $0xD0000000  }
0x3: {  	_ = 	snop  }
0x4: {  	_ = 	snop  }
0x5: {  	_ = 	snop  }
0x6: {  	_ = 	snop  }
0x7: {  	_ = 	snop  }
__scs_overlays_trampoline_lowered:
0x8: {  	[smem:$0x3FAD] =	sst s0  }
0x9: {  	[smem:$0x3FAE] =	sst s1  }
0xa: {  	[smem:$0x3FAF] =	sst s2  }
0xb: {  	[smem:$0x3FB0] =	sst s3  }
0xc: {  	[smem:$0x3FB1] =	sst s4  }
0xd: {  	[smem:$0x3FB2] =	sst s5  }
0xe: {  	[smem:$0x3FB3] =	sst s6  }
0xf: {  	[smem:$0x3FB4] =	sst s7  }
0x10: {  	[smem:$0x3FB5] =	sst s8  }
0x11: {  	[smem:$0x3FB6] =	sst s9;
	s0 =	simm.s32 @!p0 $0x0  }
0x12: {  	s1 =	sld [smem:$0x3F9C];
	s0 =	simm.s32 @p0 $0x1  }
0x13: {  	[smem:$0x3FB7] =	sst s0;
	s0 =	simm.s32 @!p1 $0x0  }
0x14: {  	s2 =	sld [smem:$0x3F9B];
	s0 =	simm.s32 @p1 $0x1  }
0x15: {  	[smem:$0x3FB8] =	sst s0;
	s0 =	simm.s32 @!p2 $0x0  }
0x16: {  	s3 =	sld [smem:$0x3FDB];
	s0 =	simm.s32 @p2 $0x1  }
0x17: {  	s4 =	simm.s32 $0x1BF5;
	[smem:$0x3FBA] =	sst s0  }
0x18: {  	s0 =	sld [smem:$0x3F9D];
	_ =	swait.ge [sflag:s4], $0x0  }
0x19: {  	s7 =	sld [smem:$0x3F9E]  }
0x1a: {  	s8 =	sadd.s32 $0xFFFFE003, lr  }
0x1b: {  	s9 =	sadd.s32 $0xFFFFFEF7, lr;
	s5 =	simm.s32 $0xFFFFFFFF;
	p2 =	slt.u32 s8, $0xFFFFF086  }
0x1c: {  	p1 =	slt.u32 s9, $0xF7A;
	s5 =	simm.s32 @!p2 $0x0  }
0x1d: {  	s5 =	simm.s32 @p1 $0x1;
	p0 =	seq.s32 s7, s2  }
0x1e: {  	s7 =	smul.u32 @!p0 $0xF7A, s2;
	p2 =	seq.s32 @!p0 s5, $0x0  }
0x1f: {  	s9 =	smul.u32 $0xF7A, s1;
	s8 =	simm.s32 @!p0 $0x1BF5;
	p2 =	por !p2, p0  }
0x20: {  	[sflag:s8] =	ssyncset.s32 @!p0 $0xFFFFF086;
	s6 =	sadd.s32 @!p0 s3, s7;
	s7 =	simm.s32 @!p0 $0x108  }
0x21: {  	s3 =	sadd.s32 s3, s9;
	s6 =	sadd.s32 @!p0 $0x88, s6;
	s7 =	simm.s32 @p2 $0x1082  }
0x22: {  	[simem:s7], [sflag:s8] =	dma.local @!p0 [hbm:s6], $0xF7A  }
0x23: {  	s9 =	sor.u32 $0xD0000000, s2;
	s6 =	simm.s32 $0x108;
	_ =	swait.ge @!p0 [sflag:s8], $0x0  }
0x24: {  	s3 =	sadd.s32 $0x88, s3;
	s6 =	simm.s32 @!p1 $0x1082;
	[sflag:s4] =	ssyncset.s32 $0xFFFFF086  }
0x25: {  	[simem:s6], [sflag:s4] =	dma.local [hbm:s3], $0xF7A  }
0x26: {  	[smem:$0x3F9E] =	sst s1;
	(tag) =	ssettag s2;
	_ =	strace s9  }
0x27: {  	s1 =	sld [smem:$0x3FAE]  }
0x28: {  	s2 =	sld [smem:$0x3FAF]  }
0x29: {  	s4 =	sld [smem:$0x3FB1]  }
0x2a: {  	p0 =	seq.s32 s5, $0x0;
	s5 =	sld [smem:$0x3FB2]  }
0x2b: {  	s6 =	sld [smem:$0x3FB3]  }
0x2c: {  	s7 =	sld [smem:$0x3FB4]  }
0x2d: {  	s3 =	simm.s32 $0x108;
	s8 =	sld [smem:$0x3FB5]  }
0x2e: {  	s3 =	simm.s32 @!p0 $0x1082;
	s9 =	sld [smem:$0x3FB6]  }
0x2f: {  	lr =	sadd.s32 s0, s3;
	s0 =	sld [smem:$0x3FAD]  }
0x30: {  	s3 =	sld [smem:$0x3FB0]  }
0x31: {  	[smem:$0x3FB9] =	sst s10  }
0x32: {  	s10 =	sld [smem:$0x3FB7];
	_ =	sdelay $0x3  }
0x33: {  	p0 =	seq.s32 s10, $0x1;
	s10 =	sld [smem:$0x3FB9];
	_ =	sdelay $0x3  }
0x34: {  	[smem:$0x3FB9] =	sst s10  }
0x35: {  	s10 =	sld [smem:$0x3FB8];
	_ =	sdelay $0x3  }
0x36: {  	p1 =	seq.s32 s10, $0x1;
	s10 =	sld [smem:$0x3FB9];
	_ =	sdelay $0x3  }
0x37: {  	[smem:$0x3FB9] =	sst s10  }
0x38: {  	s10 =	sld [smem:$0x3FBA]  }
0x39: {  	_ = 	snop;
	(pc) =	sbr.ind lr, $3  }
0x3a: {  	_ = 	snop  }
0x3b: {  	_ = 	snop  }
0x3c: {  	p2 =	seq.s32 s10, $0x1;
	s10 =	sld [smem:$0x3FB9]  }
0x3d: {  	_ =	shalt  }
0x3e: {  	_ =	shalt  }
0x3f: {  	_ =	shalt  }
0x40: {  	_ =	shalt  }
0x41: {  	_ =	shalt  }
0x42: {  	_ =	shalt  }
0x43: {  	_ =	shalt  }
0x44: {  	_ =	shalt  }
0x45: {  	_ =	shalt  }
0x46: {  	_ =	shalt  }
0x47: {  	_ =	shalt  }
0x48: {  	_ =	shalt  }
0x49: {  	_ =	shalt  }
0x4a: {  	_ =	shalt  }
0x4b: {  	_ =	shalt  }
0x4c: {  	_ =	shalt  }
0x4d: {  	_ =	shalt  }
0x4e: {  	_ =	shalt  }
0x4f: {  	_ =	shalt  }
0x50: {  	_ =	shalt  }
0x51: {  	_ =	shalt  }
0x52: {  	_ =	shalt  }
0x53: {  	_ =	shalt  }
0x54: {  	_ =	shalt  }
0x55: {  	_ =	shalt  }
0x56: {  	_ =	shalt  }
0x57: {  	_ =	shalt  }
0x58: {  	_ =	shalt  }
0x59: {  	_ =	shalt  }
0x5a: {  	_ =	shalt  }
0x5b: {  	_ =	shalt  }
0x5c: {  	_ =	shalt  }
0x5d: {  	_ =	shalt  }
0x5e: {  	_ =	shalt  }
0x5f: {  	_ =	shalt  }
0x60: {  	_ =	shalt  }
0x61: {  	_ =	shalt  }
0x62: {  	_ =	shalt  }
0x63: {  	_ =	shalt  }
0x64: {  	_ =	shalt  }
0x65: {  	_ =	shalt  }
0x66: {  	_ =	shalt  }
0x67: {  	_ =	shalt  }
0x68: {  	_ =	shalt  }
0x69: {  	_ =	shalt  }
0x6a: {  	_ =	shalt  }
0x6b: {  	_ =	shalt  }
0x6c: {  	_ =	shalt  }
0x6d: {  	_ =	shalt  }
0x6e: {  	_ =	shalt  }
0x6f: {  	_ =	shalt  }
0x70: {  	_ =	shalt  }
0x71: {  	_ =	shalt  }
0x72: {  	_ =	shalt  }
0x73: {  	_ =	shalt  }
0x74: {  	_ =	shalt  }
0x75: {  	_ =	shalt  }
0x76: {  	_ =	shalt  }
0x77: {  	_ =	shalt  }
0x78: {  	_ =	shalt  }
0x79: {  	_ =	shalt  }
0x7a: {  	_ =	shalt  }
0x7b: {  	_ =	shalt  }
0x7c: {  	_ =	shalt  }
0x7d: {  	_ =	shalt  }
0x7e: {  	_ =	shalt  }
0x7f: {  	_ =	shalt  }
0x80: {  	_ =	shalt  }
0x81: {  	_ =	shalt  }
0x82: {  	_ =	shalt  }
0x83: {  	_ =	shalt  }
0x84: {  	_ =	shalt  }
0x85: {  	_ =	shalt  }
0x86: {  	_ =	shalt  }
0x87: {  	_ =	shalt  }
.Lfunc_end0:
.L_simem_size_0:
called_computation_lowered:
.L_overlay_start_0:
0x88: {  	s2 =	sld [smem:$0x3FD9]  }
0x89: {  	s3 =	sld [smem:$0x3FFE];
	_ =	sdelay $0x1  }
0x8a: {  	s1 =	srdreg.scid  }
0x8b: {  	s0 =	sand.u32 $0x1, s1  }
0x8c: {  	s17 =	sshll.u32 s0, $0xA;
	s2 =	sadd.s32 s3, s2  }
0x8d: {  	s2 =	sadd.s32 s2, s17  }
0x8e: {  	[smem:$0x3FC5] =	sst s2  }
0x8f: {  	_ = 	snop  }
0x90: {  	s2 =	sld [smem:$0x3FD0];
	(tm) =	ssettm $0x1  }
0x91: {  	s18 =	sld [smem:$0x3FFB];
	_ =	sdelay $0x3  }
0x92: {  	_ =	strace s18  }
0x93: {  	s3 =	sld [smem:$0x3FFC];
	_ =	sdelay $0x3  }
0x94: {  	_ =	strace s3  }
0x95: {  	s3 =	sld [smem:$0x3FFD];
	_ =	sdelay $0x3  }
0x96: {  	_ =	strace s3  }
0x97: {  	_ =	strace $0x8FFFFFFF  }
0x98: {  	s19 =	sld [smem:$0x3FDB];
	_ =	sdelay $0x1  }
0x99: {  	s4 =	simm.s32 $_scs_section_size  }
0x9a: {  	s5 =	simm.s32 $_size__tile_overlayer_lowered;
	s6 =	simm.s32 $_tile_overlayer_lowered  }
0x9b: {  	s22 =	simm.s32 $0x1BFF;
	s21 =	sshll.u32 s6, $0x1;
	s3 =	sadd.s32 s4, s19  }
0x9c: {  	s7 =	simm.s32 $0x0;
	s20 =	sshll.u32 s5, $0x1;
	s5 =	sadd.s32 s21, s3  }
0x9d: {  	[timem:s7], [sflag:s22] =	dma.local [hbm:s5], s20  }
0x9e: {  	_ =	swait.ge [sflag:s22], s20  }
0x9f: {  	s4 =	ssub.s32 $0x0, s20;
	[sflag:s22] =	ssyncset.done $0x0  }
0xa0: {  	[sflag:s22] =	ssyncadd.s32 s4;
	_ =	sdelay $0x1  }
0xa1: {  	s23 =	simm.s32 $0x1B8B  }
0xa2: {  	_ =	swait.ge [sflag:s23], $0x1  }
0xa3: {  	[sflag:s23] =	ssyncset.done $0x0  }
0xa4: {  	s25 =	simm.s32 $0x1B8E;
	s24 =	sld [smem:$0x3FFE];
	[sflag:s23] =	ssyncadd.s32 $0xFFFFFFFF  }
0xa5: {  	s26 =	simm.s32 $execute0_lowered;
	[smem:$0x3FD2] =	sst s25  }
0xa6: {  	s5 =	sshll.u32 s26, $0x1;
	_ =	strace $0x80000046;
	[dreg:$0x1] =	wrdreg $0xFFFFFFFF  }
0xa7: {  	s28 =	simm.s32 $_size_execute0_lowered;
	s3 =	sadd.s32 s3, s5;
	[dreg:$0x0] =	wrdreg $0x0  }
0xa8: {  	s5 =	sshll.u32 s28, $0x1;
	[dreg:$0x2] =	wrdreg s3  }
0xa9: {  	[dreg:$0x3] =	wrdreg s5  }
0xaa: {  	[dreg:$0x4] =	wrdreg $0xC0  }
0xab: {  	_ =	task [dreg:s7], $0x5FFFF  }
0xac: {  	[dreg:$0x1] =	wrdreg $0xFFFFFFFF  }
0xad: {  	[dreg:$0x0] =	wrdreg $0x60  }
0xae: {  	[dreg:$0x2] =	wrdreg s24  }
0xaf: {  	[dreg:$0x3] =	wrdreg s2  }
0xb0: {  	[dreg:$0x4] =	wrdreg $0x9  }
0xb1: {  	_ =	task.clear_ibuf [dreg:s7], $0x5FFFF;
	_ =	strace $0x90000046  }
0xb2: {  	s29 =	simm.s32 $0x9;
	_ =	strace $0x80000048  }
0xb3: {  	_ =	swait.ge [sflag:s29], $0x1  }
0xb4: {  	[sflag:s29] =	ssyncadd.s32 $0xFFFFFFFF  }
0xb5: {  	_ =	strace $0x90000048  }
0xb6: {  	_ =	sfence  }
0xb7: {  	s30 =	sld [smem:$0x0];
	_ =	sdelay $0x2  }
0xb8: {  	s31 =	sshll.u32 s1, $0xD;
	s1 =	sshrl.u32 s1, $0x2  }
0xb9: {  	s3 =	sand.u32 $0x4000, s31;
	s1 =	sadd.s32 s1, s30  }
0xba: {  	s0 =	sor.u32 s3, s0;
	s1 =	sshll.u32 s1, $0x11  }
0xbb: {  	s0 =	sor.u32 s1, s0  }
0xbc: {  	s0 =	sadd.s32 $0x8F2B, s0  }
0xbd: {  	[sflag:s0] =	ssyncadd.remote.s32 $0x1  }
0xbe: {  	_ =	sfence.sel $0xFFFF  }
0xbf: {  	[dreg:$0x0] =	wrdreg $0xFFFFFFFF;
	(pc) =	sbr.abs _section_cstart, $3  }
0xc0: {  	[dreg:$0x1] =	wrdreg $0xFFFFFFFF  }
0xc1: {  	_ =	task.clear_ibuf [dreg:s7], $0x2FFFF;
	_ =	strace $0x9FFFFFFF  }
0xc2: {  	(tm) =	ssettm $0x7FFFFFFF  }
0xc3: {  	_ =	shalt  }
tec
execute0_lowered:
.L_overlay_start_1:
0x0: {  	(tag) =	ssettag $0x1  }
0x1: {  	s7 =	rddreg [dreg:$0x0]  }
0x2: {  	s1 =	rddreg [dreg:$0x1]  }
0x3: {  	s0 =	rddreg [dreg:$0x2];
	s2 =	simm.s32 $0x0;
	s3 =	srdreg.scid  }
0x4: {  	s11 =	simm.s32 $0x700;
	s12 =	simm.s32 $0xB00;
	s13 =	simm.s32 $0x320  }
0x5: {  	s14 =	simm.s32 $0x380;
	s15 =	simm.s32 $0xF00;
	s16 =	simm.s32 $0x1  }
0x6: {  	s17 =	simm.s32 $0x19F00;
	s18 =	simm.s32 $0x0;
	[smem:$0x7FF] =	sst s2  }
0x7: {  	s8 =	sand.u32 $0x1, s3;
	s4 =	sadd.s32 $0x1000, s7;
	s5 =	sadd.s32 $0x41000, s7  }
0x8: {  	s6 =	sadd.s32 $0x61000, s7;
	s3 =	stileid.u32;
	s9 =	ssub.s32 $0x2, s8  }
0x9: {  	s7 =	sadd.s32 $0x1A000, s7;
	_ =	strace $0x80000047;
	s10 =	sshrl.u32 s9, $0x1  }
0xa: {  	s31 =	sshll.u32 s3, $0xA;
	s8 =	sshll.u32 s8, $0x9;
	s9 =	ssub.s32 s9, s10  }
0xb: {  	s8 =	sor.u32 s8, s31;
	s10 =	simm.s32 $0x2;
	s9 =	smax.u32 s9, $0x1  }
.LBB2_1:
0xc: {  	s19 =	simm.s32 $0x0  }
.LBB2_2:
0xd: {  	s20 =	sshll.u32 s19, $0x4  }
0xe: {  	s21 =	sadd.s32 s8, s20  }
0xf: {  	s20 =	smul.u32 $0x32, s21;
	_ =	sdelay $0x1  }
0x10: {  	s20 =	sshrl.u32 s20, $0x3  }
0x11: {  	s22 =	sadd.s32 s4, s20;
	s20 =	simm.s32 $0x0  }
0x12: {  	[tilespmem:s20], [sflag:$0x2] =	stream.linear.gather [hbm4b:s22+s20], $0x320, $0x38;
	[tilespmem:$0x1A300] =	vst v63  }
0x13: {  	_ =	swait.ge [sflag:s10], $0x320  }
0x14: {  	s21 =	sshll.u32 s21, $0x3;
	[sflag:s10] =	ssyncset.done $0x0  }
0x15: {  	s30 =	sadd.s32 s1, s21;
	[sflag:s10] =	ssyncadd.s32 $0xFFFFFCE0  }
0x16: {  	[tilespmem:s11], [sflag:$0x2] =	stream.linear.gather [hbm4b:s30+s20], $0x400, $0x38;
	[tilespmem:$0x1A300] =	vst v63  }
0x17: {  	_ =	swait.ge [sflag:s10], $0x400  }
0x18: {  	[sflag:s10] =	ssyncset.done $0x0  }
0x19: {  	s31 =	sadd.s32 s5, s21;
	[sflag:s10] =	ssyncadd.s32 $0xFFFFFC00  }
0x1a: {  	[tilespmem:s12], [sflag:$0x2] =	stream.linear.gather [hbm4b:s31+s20], $0x400, $0x38;
	[tilespmem:$0x1A300] =	vst v63  }
0x1b: {  	_ =	swait.ge [sflag:s10], $0x400  }
0x1c: {  	[sflag:s10] =	ssyncset.done $0x0  }
0x1d: {  	[sflag:s10] =	ssyncadd.s32 $0xFFFFFC00  }
0x1e: {  	v0 =	vld [tilespmem:$0x0]  }
0x1f: {  	v1 =	vld [tilespmem:$0x10]  }
0x20: {  	v2 =	vld [tilespmem:$0x20]  }
0x21: {  	v3 =	vld [tilespmem:$0x30]  }
0x22: {  	v4 =	vld [tilespmem:$0x40]  }
0x23: {  	v5 =	vld [tilespmem:$0x50];
	v0 =	vand.u32 $0x3FFFF, v0  }
0x24: {  	v28 =	vld [tilespmem:$0x60];
	v27 =	vand.u32 $0x3FFFF, v1;
	[tilespmem:$0x380] =	vst v0  }
0x25: {  	v30 =	vld [tilespmem:$0x70];
	v29 =	vand.u32 $0x3FFFF, v2;
	[tilespmem:$0x390] =	vst v27  }
0x26: {  	v32 =	vld [tilespmem:$0x80];
	v31 =	vand.u32 $0x3FFFF, v3;
	[tilespmem:$0x3A0] =	vst v29  }
0x27: {  	v34 =	vld [tilespmem:$0x90];
	v33 =	vand.u32 $0x3FFFF, v4;
	[tilespmem:$0x3B0] =	vst v31  }
0x28: {  	v36 =	vld [tilespmem:$0xA0];
	v35 =	vand.u32 $0x3FFFF, v5;
	[tilespmem:$0x3C0] =	vst v33  }
0x29: {  	v38 =	vld [tilespmem:$0xB0];
	v37 =	vand.u32 $0x3FFFF, v28;
	[tilespmem:$0x3D0] =	vst v35  }
0x2a: {  	v40 =	vld [tilespmem:$0xC0];
	v39 =	vand.u32 $0x3FFFF, v30;
	[tilespmem:$0x3E0] =	vst v37  }
0x2b: {  	v42 =	vld [tilespmem:$0xD0];
	v41 =	vand.u32 $0x3FFFF, v32;
	[tilespmem:$0x3F0] =	vst v39  }
0x2c: {  	v44 =	vld [tilespmem:$0xE0];
	v43 =	vand.u32 $0x3FFFF, v34;
	[tilespmem:$0x400] =	vst v41  }
0x2d: {  	v46 =	vld [tilespmem:$0xF0];
	v45 =	vand.u32 $0x3FFFF, v36;
	[tilespmem:$0x410] =	vst v43  }
0x2e: {  	v48 =	vld [tilespmem:$0x100];
	v47 =	vand.u32 $0x3FFFF, v38;
	[tilespmem:$0x420] =	vst v45  }
0x2f: {  	v50 =	vld [tilespmem:$0x110];
	v49 =	vand.u32 $0x3FFFF, v40;
	[tilespmem:$0x430] =	vst v47  }
0x30: {  	v52 =	vld [tilespmem:$0x120];
	v51 =	vand.u32 $0x3FFFF, v42;
	[tilespmem:$0x440] =	vst v49  }
0x31: {  	v54 =	vld [tilespmem:$0x130];
	v53 =	vand.u32 $0x3FFFF, v44;
	[tilespmem:$0x450] =	vst v51  }
0x32: {  	v56 =	vld [tilespmem:$0x140];
	v55 =	vand.u32 $0x3FFFF, v46;
	[tilespmem:$0x460] =	vst v53  }
0x33: {  	v58 =	vld [tilespmem:$0x150];
	v57 =	vand.u32 $0x3FFFF, v48;
	[tilespmem:$0x470] =	vst v55  }
0x34: {  	v60 =	vld [tilespmem:$0x160];
	v59 =	vand.u32 $0x3FFFF, v50;
	[tilespmem:$0x480] =	vst v57  }
0x35: {  	v62 =	vld [tilespmem:$0x170];
	v61 =	vand.u32 $0x3FFFF, v52;
	[tilespmem:$0x490] =	vst v59  }
0x36: {  	v8 =	vld [tilespmem:$0x180];
	v63 =	vand.u32 $0x3FFFF, v54;
	[tilespmem:$0x4A0] =	vst v61  }
0x37: {  	v10 =	vld [tilespmem:$0x190];
	v9 =	vand.u32 $0x3FFFF, v56;
	[tilespmem:$0x4B0] =	vst v63  }
0x38: {  	v12 =	vld [tilespmem:$0x1A0];
	v11 =	vand.u32 $0x3FFFF, v58;
	[tilespmem:$0x4C0] =	vst v9  }
0x39: {  	v14 =	vld [tilespmem:$0x1B0];
	v13 =	vand.u32 $0x3FFFF, v60;
	[tilespmem:$0x4D0] =	vst v11  }
0x3a: {  	v16 =	vld [tilespmem:$0x1C0];
	v15 =	vand.u32 $0x3FFFF, v62;
	[tilespmem:$0x4E0] =	vst v13  }
0x3b: {  	v18 =	vld [tilespmem:$0x1D0];
	v17 =	vand.u32 $0x3FFFF, v8;
	[tilespmem:$0x4F0] =	vst v15  }
0x3c: {  	v20 =	vld [tilespmem:$0x1E0];
	v19 =	vand.u32 $0x3FFFF, v10;
	[tilespmem:$0x500] =	vst v17  }
0x3d: {  	v22 =	vld [tilespmem:$0x1F0];
	v21 =	vand.u32 $0x3FFFF, v12;
	[tilespmem:$0x510] =	vst v19  }
0x3e: {  	v24 =	vld [tilespmem:$0x200];
	v23 =	vand.u32 $0x3FFFF, v14;
	[tilespmem:$0x520] =	vst v21  }
0x3f: {  	v26 =	vld [tilespmem:$0x210];
	v25 =	vand.u32 $0x3FFFF, v16;
	[tilespmem:$0x530] =	vst v23  }
0x40: {  	v28 =	vld [tilespmem:$0x220];
	[tilespmem:$0x540] =	vst v25;
	v27 =	vand.u32 $0x3FFFF, v18  }
0x41: {  	v30 =	vld [tilespmem:$0x230];
	v29 =	vand.u32 $0x3FFFF, v20;
	[tilespmem:$0x550] =	vst v27  }
0x42: {  	v32 =	vld [tilespmem:$0x240];
	v31 =	vand.u32 $0x3FFFF, v22;
	[tilespmem:$0x560] =	vst v29  }
0x43: {  	v34 =	vld [tilespmem:$0x250];
	v33 =	vand.u32 $0x3FFFF, v24;
	[tilespmem:$0x570] =	vst v31  }
0x44: {  	v36 =	vld [tilespmem:$0x260];
	v35 =	vand.u32 $0x3FFFF, v26;
	[tilespmem:$0x580] =	vst v33  }
0x45: {  	v38 =	vld [tilespmem:$0x270];
	[tilespmem:$0x590] =	vst v35;
	v37 =	vand.u32 $0x3FFFF, v28  }
0x46: {  	v40 =	vld [tilespmem:$0x280];
	v39 =	vand.u32 $0x3FFFF, v30;
	[tilespmem:$0x5A0] =	vst v37  }
0x47: {  	v42 =	vld [tilespmem:$0x290];
	v41 =	vand.u32 $0x3FFFF, v32;
	[tilespmem:$0x5B0] =	vst v39  }
0x48: {  	v44 =	vld [tilespmem:$0x2A0];
	v43 =	vand.u32 $0x3FFFF, v34;
	[tilespmem:$0x5C0] =	vst v41  }
0x49: {  	v46 =	vld [tilespmem:$0x2B0];
	v45 =	vand.u32 $0x3FFFF, v36;
	[tilespmem:$0x5D0] =	vst v43  }
0x4a: {  	v48 =	vld [tilespmem:$0x2C0];
	v47 =	vand.u32 $0x3FFFF, v38;
	[tilespmem:$0x5E0] =	vst v45  }
0x4b: {  	v50 =	vld [tilespmem:$0x2D0];
	v49 =	vand.u32 $0x3FFFF, v40;
	[tilespmem:$0x5F0] =	vst v47  }
0x4c: {  	v52 =	vld [tilespmem:$0x2E0];
	v51 =	vand.u32 $0x3FFFF, v42;
	[tilespmem:$0x600] =	vst v49  }
0x4d: {  	v54 =	vld [tilespmem:$0x2F0];
	v53 =	vand.u32 $0x3FFFF, v44;
	[tilespmem:$0x610] =	vst v51  }
0x4e: {  	v56 =	vld [tilespmem:$0x300];
	v55 =	vand.u32 $0x3FFFF, v46;
	[tilespmem:$0x620] =	vst v53  }
0x4f: {  	v58 =	vld [tilespmem:$0x310];
	v57 =	vand.u32 $0x3FFFF, v48;
	[tilespmem:$0x630] =	vst v55  }
0x50: {  	v59 =	vand.u32 $0x3FFFF, v50;
	[tilespmem:$0x640] =	vst v57  }
0x51: {  	v60 =	vand.u32 $0x3FFFF, v52;
	[tilespmem:$0x650] =	vst v59  }
0x52: {  	v61 =	vand.u32 $0x3FFFF, v54;
	[tilespmem:$0x660] =	vst v60  }
0x53: {  	v62 =	vand.u32 $0x3FFFF, v56;
	[tilespmem:$0x670] =	vst v61  }
0x54: {  	v63 =	vand.u32 $0x3FFFF, v58;
	[tilespmem:$0x680] =	vst v62  }
0x55: {  	[tilespmem:$0x690] =	vst v63  }
0x56: {  	[tilespmem:s15], [sflag:$0x1] =	stream.indirect.gather [hbm4b:s6+s13], $0x80, s14, s13, $0xb8;
	[tilespmem:$0x1A300] =	vst v63  }
0x57: {  	_ =	swait.ge [sflag:s16], $0x19000  }
0x58: {  	s23 =	simm.s32 $0xB20;
	[sflag:s16] =	ssyncset.done $0x0  }
0x59: {  	s24 =	simm.s32 $0x0;
	s22 =	simm.s32 $0x720;
	[sflag:s16] =	ssyncadd.s32 $0xFFFE7000  }
.LBB2_3:
0x5a: {  	v0 =	vld [tilespmem:s22+$0xFFFFFFE0];
	_ =	sdelay $0x4  }
0x5b: {  	v1 =	vshrl.u32 v0, $0xD  }
0x5c: {  	(v2sf) =	vpush v1, $0x0;
	_ =	sdelay $0x2  }
0x5d: {  	(v2sf) =	vpush v1, $0x1;
	_ =	sdelay $0x9  }
0x5e: {  	(v2sf) =	vpush v1, $0x2;
	_ =	sdelay $0x1  }
0x5f: {  	s25 =	spop (v2sf);
	(v2sf) =	vpush v1, $0x3;
	_ =	sdelay $0x2  }
0x60: {  	s29 =	spop (v2sf);
	(v2sf) =	vpush v1, $0x4;
	_ =	sdelay $0x1  }
0x61: {  	v0 =	vld [tilespmem:s23+$0xFFFFFFE0]  }
0x62: {  	(v2sf) =	vpush v1, $0x5  }
0x63: {  	s26 =	sand.u32 $0x7FFE0, s25;
	s25 =	sshra.s32 s24, $0x2  }
0x64: {  	s26 =	sadd.s32 s25, s26  }
0x65: {  	v2 =	vld [tilespmem:s26+$0xF00]  }
0x66: {  	v4 =	vbroadcast v0, $0x0;
	v3 =	vld [tilespmem:s26+$0xF10];
	s26 =	sand.u32 $0x7FFE0, s29  }
0x67: {  	v9 =	vbroadcast v0, $0x1;
	v32 =	vbroadcast v0, $0x2;
	s26 =	sadd.s32 s25, s26  }
0x68: {  	v39 =	vbroadcast v0, $0x3;
	v47 =	vbroadcast v0, $0x4;
	v6 =	vld [tilespmem:s26+$0xF80]  }
0x69: {  	v55 =	vbroadcast v0, $0x5;
	v63 =	vbroadcast v0, $0x6;
	s30 =	spop (v2sf);
	v8 =	vld [tilespmem:s26+$0xF90]  }
0x6a: {  	v21 =	vbroadcast v0, $0x7;
	s26 =	sand.u32 $0x7FFE0, s30;
	v5 =	vshll.u32 v2, $0x10;
	v2 =	vand.u32 $0xFFFF0000, v2  }
0x6b: {  	s26 =	sadd.s32 s25, s26;
	v7 =	vshll.u32 v3, $0x10;
	v5 =	vmul.f32 v5, v4;
	s31 =	spop (v2sf);
	(v2sf) =	vpush v1, $0x6  }
0x6c: {  	v10 =	vld [tilespmem:s26+$0x1000];
	v3 =	vand.u32 $0xFFFF0000, v3;
	v2 =	vmul.f32 v2, v4;
	v7 =	vmul.f32 v7, v4  }
0x6d: {  	v12 =	vld [tilespmem:s26+$0x1010];
	v3 =	vmul.f32 v3, v4;
	v29 =	vshll.u32 v6, $0x10;
	v6 =	vand.u32 $0xFFFF0000, v6  }
0x6e: {  	v11 =	vshll.u32 v8, $0x10;
	v5 =	vadd.f32 $0.0e+00, v5;
	s28 =	spop (v2sf);
	(v2sf) =	vpush v1, $0x7  }
0x6f: {  	v30 =	vand.u32 $0xFFFF0000, v8;
	v2 =	vadd.f32 $0.0e+00, v2;
	v7 =	vadd.f32 $0.0e+00, v7  }
0x70: {  	v4 =	vmul.f32 v29, v9;
	v6 =	vmul.f32 v6, v9;
	v3 =	vadd.f32 $0.0e+00, v3;
	s26 =	sand.u32 $0x7FFE0, s31  }
0x71: {  	v11 =	vmul.f32 v11, v9;
	v33 =	vshll.u32 v10, $0x10;
	s26 =	sadd.s32 s25, s26;
	s29 =	spop (v2sf);
	(v2sf) =	vpush v1, $0x8  }
0x72: {  	v34 =	vand.u32 $0xFFFF0000, v10;
	v36 =	vshll.u32 v12, $0x10;
	v38 =	vand.u32 $0xFFFF0000, v12;
	v35 =	vld [tilespmem:s26+$0x1080]  }
0x73: {  	v4 =	vadd.f32 v4, v5;
	v2 =	vadd.f32 v6, v2;
	v5 =	vmul.f32 v30, v9;
	v13 =	vld [tilespmem:s26+$0x1090];
	s26 =	sand.u32 $0x7FFE0, s28  }
0x74: {  	v31 =	vadd.f32 v11, v7;
	v8 =	vmul.f32 v33, v32;
	v9 =	vmul.f32 v34, v32;
	s26 =	sadd.s32 s25, s26  }
0x75: {  	v37 =	vmul.f32 v36, v32;
	v7 =	vmul.f32 v38, v32;
	v3 =	vadd.f32 v5, v3;
	v42 =	vld [tilespmem:s26+$0x1100]  }
0x76: {  	v29 =	vbroadcast v0, $0x8;
	v4 =	vadd.f32 v8, v4;
	v2 =	vadd.f32 v9, v2;
	v44 =	vld [tilespmem:s26+$0x1110]  }
0x77: {  	v5 =	vadd.f32 v37, v31;
	v37 =	vbroadcast v0, $0x9;
	v3 =	vadd.f32 v7, v3  }
0x78: {  	s26 =	sand.u32 $0x7FFE0, s29;
	v40 =	vshll.u32 v35, $0x10;
	v41 =	vand.u32 $0xFFFF0000, v35;
	v43 =	vshll.u32 v13, $0x10  }
0x79: {  	s26 =	sadd.s32 s25, s26;
	v46 =	vand.u32 $0xFFFF0000, v13;
	v8 =	vmul.f32 v40, v39;
	v9 =	vmul.f32 v41, v39  }
0x7a: {  	v50 =	vld [tilespmem:s26+$0x1180];
	v45 =	vmul.f32 v43, v39;
	v6 =	vmul.f32 v46, v39;
	s30 =	spop (v2sf);
	(v2sf) =	vpush v1, $0x9  }
0x7b: {  	v52 =	vld [tilespmem:s26+$0x1190];
	v48 =	vshll.u32 v42, $0x10;
	v49 =	vand.u32 $0xFFFF0000, v42;
	v51 =	vshll.u32 v44, $0x10  }
0x7c: {  	v54 =	vand.u32 $0xFFFF0000, v44;
	v4 =	vadd.f32 v8, v4;
	v2 =	vadd.f32 v9, v2  }
0x7d: {  	v5 =	vadd.f32 v45, v5;
	v8 =	vmul.f32 v48, v47;
	s31 =	spop (v2sf);
	(v2sf) =	vpush v1, $0xA  }
0x7e: {  	v9 =	vmul.f32 v49, v47;
	v3 =	vadd.f32 v6, v3;
	v53 =	vmul.f32 v51, v47;
	s26 =	sand.u32 $0x7FFE0, s30  }
0x7f: {  	v7 =	vmul.f32 v54, v47;
	v45 =	vbroadcast v0, $0xA;
	v56 =	vshll.u32 v50, $0x10;
	s26 =	sadd.s32 s25, s26  }
0x80: {  	v57 =	vand.u32 $0xFFFF0000, v50;
	v59 =	vshll.u32 v52, $0x10;
	s28 =	spop (v2sf);
	(v2sf) =	vpush v1, $0xB;
	v58 =	vld [tilespmem:s26+$0x1200]  }
0x81: {  	v62 =	vand.u32 $0xFFFF0000, v52;
	v4 =	vadd.f32 v8, v4;
	v2 =	vadd.f32 v9, v2;
	v60 =	vld [tilespmem:s26+$0x1210];
	s26 =	sand.u32 $0x7FFE0, s31  }
0x82: {  	v5 =	vadd.f32 v53, v5;
	v8 =	vmul.f32 v56, v55;
	v9 =	vmul.f32 v57, v55;
	s26 =	sadd.s32 s25, s26  }
0x83: {  	v3 =	vadd.f32 v7, v3;
	v61 =	vmul.f32 v59, v55;
	v6 =	vmul.f32 v62, v55;
	v16 =	vld [tilespmem:s26+$0x1280]  }
0x84: {  	v54 =	vbroadcast v0, $0xB;
	v4 =	vadd.f32 v8, v4;
	v2 =	vadd.f32 v9, v2;
	v18 =	vld [tilespmem:s26+$0x1290]  }
0x85: {  	v5 =	vadd.f32 v61, v5;
	v3 =	vadd.f32 v6, v3;
	v61 =	vbroadcast v0, $0xC  }
0x86: {  	s26 =	sand.u32 $0x7FFE0, s28;
	v14 =	vshll.u32 v58, $0x10;
	v15 =	vand.u32 $0xFFFF0000, v58;
	v17 =	vshll.u32 v60, $0x10  }
0x87: {  	s26 =	sadd.s32 s25, s26;
	v20 =	vand.u32 $0xFFFF0000, v60;
	v8 =	vmul.f32 v14, v63;
	v9 =	vmul.f32 v15, v63  }
0x88: {  	v24 =	vld [tilespmem:s26+$0x1300];
	v19 =	vmul.f32 v17, v63;
	v7 =	vmul.f32 v20, v63;
	v22 =	vshll.u32 v16, $0x10  }
0x89: {  	v26 =	vld [tilespmem:s26+$0x1310];
	v23 =	vand.u32 $0xFFFF0000, v16;
	v25 =	vshll.u32 v18, $0x10;
	s29 =	spop (v2sf);
	(v2sf) =	vpush v1, $0xC  }
0x8a: {  	v28 =	vand.u32 $0xFFFF0000, v18;
	v4 =	vadd.f32 v8, v4;
	v2 =	vadd.f32 v9, v2  }
0x8b: {  	v5 =	vadd.f32 v19, v5;
	v8 =	vmul.f32 v22, v21;
	v9 =	vmul.f32 v23, v21  }
0x8c: {  	v3 =	vadd.f32 v7, v3;
	v27 =	vmul.f32 v25, v21;
	s26 =	sand.u32 $0x7FFE0, s29;
	s30 =	spop (v2sf);
	(v2sf) =	vpush v1, $0xD  }
0x8d: {  	v6 =	vmul.f32 v28, v21;
	v19 =	vbroadcast v0, $0xD;
	v30 =	vshll.u32 v24, $0x10;
	s26 =	sadd.s32 s25, s26  }
0x8e: {  	v31 =	vand.u32 $0xFFFF0000, v24;
	v33 =	vshll.u32 v26, $0x10;
	v4 =	vadd.f32 v8, v4;
	v32 =	vld [tilespmem:s26+$0x1380]  }
0x8f: {  	v36 =	vand.u32 $0xFFFF0000, v26;
	v2 =	vadd.f32 v9, v2;
	s31 =	spop (v2sf);
	(v2sf) =	vpush v1, $0xE;
	v34 =	vld [tilespmem:s26+$0x1390];
	s26 =	sand.u32 $0x7FFE0, s30  }
0x90: {  	v5 =	vadd.f32 v27, v5;
	v8 =	vmul.f32 v30, v29;
	v9 =	vmul.f32 v31, v29;
	s26 =	sadd.s32 s25, s26  }
0x91: {  	v3 =	vadd.f32 v6, v3;
	v35 =	vmul.f32 v33, v29;
	v7 =	vmul.f32 v36, v29;
	v40 =	vld [tilespmem:s26+$0x1400]  }
0x92: {  	v27 =	vbroadcast v0, $0xE;
	v4 =	vadd.f32 v8, v4;
	v2 =	vadd.f32 v9, v2;
	v42 =	vld [tilespmem:s26+$0x1410]  }
0x93: {  	v5 =	vadd.f32 v35, v5;
	v3 =	vadd.f32 v7, v3;
	v35 =	vbroadcast v0, $0xF;
	v0 =	vld [tilespmem:s23+$0xFFFFFFF0]  }
0x94: {  	v38 =	vshll.u32 v32, $0x10;
	v39 =	vand.u32 $0xFFFF0000, v32;
	v41 =	vshll.u32 v34, $0x10  }
0x95: {  	v50 =	vld [tilespmem:s22+$0xFFFFFFF0];
	s26 =	sand.u32 $0x7FFE0, s31;
	v44 =	vand.u32 $0xFFFF0000, v34;
	v8 =	vmul.f32 v38, v37;
	v9 =	vmul.f32 v39, v37  }
0x96: {  	s26 =	sadd.s32 s25, s26;
	v43 =	vmul.f32 v41, v37;
	v6 =	vmul.f32 v44, v37;
	v46 =	vshll.u32 v40, $0x10  }
0x97: {  	v48 =	vld [tilespmem:s26+$0x1480];
	v47 =	vand.u32 $0xFFFF0000, v40;
	v49 =	vshll.u32 v42, $0x10;
	v53 =	vand.u32 $0xFFFF0000, v42  }
0x98: {  	v52 =	vld [tilespmem:s26+$0x1490];
	v42 =	vbroadcast v0, $0x0;
	v4 =	vadd.f32 v8, v4;
	s28 =	spop (v2sf);
	(v2sf) =	vpush v1, $0xF  }
0x99: {  	v2 =	vadd.f32 v9, v2;
	v5 =	vadd.f32 v43, v5;
	v8 =	vmul.f32 v46, v45  }
0x9a: {  	v9 =	vmul.f32 v47, v45;
	v3 =	vadd.f32 v6, v3;
	v1 =	vshrl.u32 v50, $0xD;
	s28 =	sand.u32 $0x7FFE0, s28  }
0x9b: {  	v51 =	vmul.f32 v49, v45;
	v7 =	vmul.f32 v53, v45;
	s29 =	spop (v2sf);
	(v2sf) =	vpush v1, $0x0;
	s26 =	sadd.s32 s25, s28  }
0x9c: {  	v55 =	vshll.u32 v48, $0x10;
	v56 =	vand.u32 $0xFFFF0000, v48;
	v4 =	vadd.f32 v8, v4;
	v57 =	vld [tilespmem:s26+$0x1500]  }
0x9d: {  	v59 =	vshll.u32 v52, $0x10;
	v2 =	vadd.f32 v9, v2;
	v5 =	vadd.f32 v51, v5;
	s30 =	sand.u32 $0x7FFE0, s29;
	v60 =	vld [tilespmem:s26+$0x1510]  }
0x9e: {  	v58 =	vmul.f32 v55, v54;
	v9 =	vmul.f32 v56, v54;
	s31 =	spop (v2sf);
	(v2sf) =	vpush v1, $0x1;
	s26 =	sadd.s32 s25, s30  }
0x9f: {  	v3 =	vadd.f32 v7, v3;
	v8 =	vand.u32 $0xFFFF0000, v52;
	v7 =	vmul.f32 v59, v54;
	v63 =	vld [tilespmem:s26+$0x1580]  }
0xa0: {  	v6 =	vmul.f32 v8, v54;
	v4 =	vadd.f32 v58, v4;
	v2 =	vadd.f32 v9, v2;
	v17 =	vld [tilespmem:s26+$0x1590]  }
0xa1: {  	v5 =	vadd.f32 v7, v5;
	v50 =	vbroadcast v0, $0x1;
	s28 =	sand.u32 $0x7FFE0, s31;
	v62 =	vshll.u32 v57, $0x10  }
0xa2: {  	s26 =	sadd.s32 s25, s28;
	v10 =	vand.u32 $0xFFFF0000, v57;
	v16 =	vshll.u32 v60, $0x10;
	v57 =	vbroadcast v0, $0x2  }
0xa3: {  	v22 =	vld [tilespmem:s26+$0x1600];
	v18 =	vand.u32 $0xFFFF0000, v60;
	v14 =	vmul.f32 v62, v61;
	v15 =	vmul.f32 v10, v61  }
0xa4: {  	v3 =	vadd.f32 v6, v3;
	v26 =	vld [tilespmem:s26+$0x1610];
	v6 =	vmul.f32 v16, v61;
	v8 =	vmul.f32 v18, v61  }
0xa5: {  	v20 =	vshll.u32 v63, $0x10;
	v21 =	vand.u32 $0xFFFF0000, v63;
	v25 =	vshll.u32 v17, $0x10  }
0xa6: {  	v7 =	vand.u32 $0xFFFF0000, v17;
	v17 =	vbroadcast v0, $0x3;
	v23 =	vmul.f32 v20, v19  }
0xa7: {  	v24 =	vmul.f32 v21, v19;
	v7 =	vmul.f32 v7, v19;
	s29 =	spop (v2sf);
	(v2sf) =	vpush v1, $0x2  }
0xa8: {  	v28 =	vshll.u32 v22, $0x10;
	v29 =	vand.u32 $0xFFFF0000, v22;
	v4 =	vadd.f32 v14, v4  }
0xa9: {  	v33 =	vshll.u32 v26, $0x10;
	v2 =	vadd.f32 v15, v2;
	v5 =	vadd.f32 v6, v5;
	s30 =	sand.u32 $0x7FFE0, s29  }
0xaa: {  	v3 =	vadd.f32 v8, v3;
	v6 =	vmul.f32 v25, v19;
	s31 =	spop (v2sf);
	(v2sf) =	vpush v1, $0x3;
	s26 =	sadd.s32 s25, s30  }
0xab: {  	v31 =	vmul.f32 v28, v27;
	v32 =	vmul.f32 v29, v27;
	v8 =	vand.u32 $0xFFFF0000, v26;
	v30 =	vld [tilespmem:s26+$0x1680]  }
0xac: {  	v29 =	vbroadcast v0, $0x5;
	v4 =	vadd.f32 v23, v4;
	v2 =	vadd.f32 v24, v2;
	s28 =	sand.u32 $0x7FFE0, s31;
	v34 =	vld [tilespmem:s26+$0x1690]  }
0xad: {  	v5 =	vadd.f32 v6, v5;
	v3 =	vadd.f32 v7, v3;
	v6 =	vmul.f32 v33, v27;
	s29 =	spop (v2sf);
	s26 =	sadd.s32 s25, s28  }
0xae: {  	v8 =	vmul.f32 v8, v27;
	v4 =	vadd.f32 v31, v4;
	(v2sf) =	vpush v1, $0x4;
	s28 =	sand.u32 $0x7FFE0, s29;
	v38 =	vld [tilespmem:s26+$0x1700]  }
0xaf: {  	v24 =	vbroadcast v0, $0x4;
	v2 =	vadd.f32 v32, v2;
	v5 =	vadd.f32 v6, v5;
	v43 =	vld [tilespmem:s26+$0x1710];
	s30 =	sadd.s32 s25, s28  }
0xb0: {  	v3 =	vadd.f32 v8, v3;
	(v2sf) =	vpush v1, $0x5;
	v46 =	vld [tilespmem:s30+$0x1780];
	v36 =	vshll.u32 v30, $0x10  }
0xb1: {  	v47 =	vld [tilespmem:s30+$0x1790];
	v37 =	vand.u32 $0xFFFF0000, v30;
	v41 =	vshll.u32 v34, $0x10;
	v39 =	vmul.f32 v36, v35  }
0xb2: {  	v7 =	vand.u32 $0xFFFF0000, v34;
	v40 =	vmul.f32 v37, v35;
	v6 =	vmul.f32 v41, v35  }
0xb3: {  	v7 =	vmul.f32 v7, v35;
	v44 =	vshll.u32 v38, $0x10;
	v45 =	vand.u32 $0xFFFF0000, v38  }
0xb4: {  	v49 =	vand.u32 $0xFFFF0000, v43;
	v37 =	vbroadcast v0, $0x6;
	v9 =	vmul.f32 v44, v42  }
0xb5: {  	v48 =	vshll.u32 v43, $0x10;
	v11 =	vmul.f32 v45, v42;
	v8 =	vmul.f32 v49, v42  }
0xb6: {  	v51 =	vshll.u32 v46, $0x10;
	v12 =	vand.u32 $0xFFFF0000, v46;
	v54 =	vshll.u32 v47, $0x10;
	s31 =	spop (v2sf)  }
0xb7: {  	v45 =	vbroadcast v0, $0x7;
	v4 =	vadd.f32 v39, v4;
	v2 =	vadd.f32 v40, v2;
	s26 =	sand.u32 $0x7FFE0, s31  }
0xb8: {  	v5 =	vadd.f32 v6, v5;
	v3 =	vadd.f32 v7, v3;
	v7 =	vmul.f32 v48, v42;
	s26 =	sadd.s32 s25, s26  }
0xb9: {  	v53 =	vmul.f32 v12, v50;
	v56 =	vmul.f32 v54, v50;
	(v2sf) =	vpush v1, $0x6;
	s28 =	spop (v2sf);
	v52 =	vld [tilespmem:s26+$0x1800]  }
0xba: {  	v4 =	vadd.f32 v9, v4;
	v2 =	vadd.f32 v11, v2;
	v9 =	vmul.f32 v51, v50;
	v55 =	vld [tilespmem:s26+$0x1810];
	s26 =	sand.u32 $0x7FFE0, s28  }
0xbb: {  	v6 =	vand.u32 $0xFFFF0000, v47;
	v5 =	vadd.f32 v7, v5;
	v3 =	vadd.f32 v8, v3;
	s26 =	sadd.s32 s25, s26  }
0xbc: {  	v6 =	vmul.f32 v6, v50;
	v4 =	vadd.f32 v9, v4;
	v2 =	vadd.f32 v53, v2;
	v59 =	vld [tilespmem:s26+$0x1880]  }
0xbd: {  	v54 =	vbroadcast v0, $0x8;
	v5 =	vadd.f32 v56, v5;
	(v2sf) =	vpush v1, $0x7;
	s29 =	spop (v2sf);
	v63 =	vld [tilespmem:s26+$0x1890]  }
0xbe: {  	v3 =	vadd.f32 v6, v3;
	(v2sf) =	vpush v1, $0x8;
	s26 =	sand.u32 $0x7FFE0, s29;
	v58 =	vshll.u32 v52, $0x10  }
0xbf: {  	s26 =	sadd.s32 s25, s26;
	v60 =	vand.u32 $0xFFFF0000, v52;
	v61 =	vshll.u32 v55, $0x10;
	v8 =	vmul.f32 v58, v57  }
0xc0: {  	v19 =	vld [tilespmem:s26+$0x1900];
	v62 =	vand.u32 $0xFFFF0000, v55;
	v10 =	vmul.f32 v60, v57;
	v16 =	vmul.f32 v61, v57  }
0xc1: {  	s30 =	spop (v2sf);
	(v2sf) =	vpush v1, $0x9;
	v20 =	vld [tilespmem:s26+$0x1910];
	v7 =	vmul.f32 v62, v57;
	v58 =	vbroadcast v0, $0x9  }
0xc2: {  	s26 =	sand.u32 $0x7FFE0, s30;
	v18 =	vshll.u32 v59, $0x10;
	v9 =	vand.u32 $0xFFFF0000, v59;
	v21 =	vshll.u32 v63, $0x10  }
0xc3: {  	s26 =	sadd.s32 s25, s26;
	v22 =	vand.u32 $0xFFFF0000, v63;
	v4 =	vadd.f32 v8, v4;
	v2 =	vadd.f32 v10, v2  }
0xc4: {  	v25 =	vld [tilespmem:s26+$0x1980];
	v5 =	vadd.f32 v16, v5;
	v6 =	vmul.f32 v18, v17;
	v9 =	vmul.f32 v9, v17  }
0xc5: {  	v30 =	vld [tilespmem:s26+$0x1990];
	v3 =	vadd.f32 v7, v3;
	v23 =	vmul.f32 v21, v17;
	v8 =	vmul.f32 v22, v17  }
0xc6: {  	v26 =	vshll.u32 v19, $0x10;
	v7 =	vand.u32 $0xFFFF0000, v19;
	v27 =	vshll.u32 v20, $0x10  }
0xc7: {  	v10 =	vand.u32 $0xFFFF0000, v20;
	v4 =	vadd.f32 v6, v4;
	v2 =	vadd.f32 v9, v2  }
0xc8: {  	v5 =	vadd.f32 v23, v5;
	v6 =	vmul.f32 v26, v24;
	v7 =	vmul.f32 v7, v24;
	s31 =	spop (v2sf)  }
0xc9: {  	v3 =	vadd.f32 v8, v3;
	v8 =	vmul.f32 v27, v24;
	v28 =	vmul.f32 v10, v24;
	s28 =	sand.u32 $0x7FFE0, s31  }
0xca: {  	v31 =	vshll.u32 v25, $0x10;
	v11 =	vand.u32 $0xFFFF0000, v25;
	v35 =	vshll.u32 v30, $0x10;
	s28 =	sadd.s32 s25, s28  }
0xcb: {  	v36 =	vand.u32 $0xFFFF0000, v30;
	v4 =	vadd.f32 v6, v4;
	(v2sf) =	vpush v1, $0xA;
	v32 =	vld [tilespmem:s28+$0x1A00]  }
0xcc: {  	v2 =	vadd.f32 v7, v2;
	v33 =	vmul.f32 v31, v29;
	v11 =	vmul.f32 v11, v29;
	s29 =	spop (v2sf);
	v34 =	vld [tilespmem:s28+$0x1A10]  }
0xcd: {  	v5 =	vadd.f32 v8, v5;
	v3 =	vadd.f32 v28, v3;
	v7 =	vmul.f32 v35, v29;
	s26 =	sand.u32 $0x7FFE0, s29  }
0xce: {  	v8 =	vmul.f32 v36, v29;
	(v2sf) =	vpush v1, $0xB;
	v4 =	vadd.f32 v33, v4;
	s26 =	sadd.s32 s25, s26  }
0xcf: {  	v16 =	vbroadcast v0, $0xA;
	v2 =	vadd.f32 v11, v2;
	v5 =	vadd.f32 v7, v5;
	s30 =	spop (v2sf);
	v39 =	vld [tilespmem:s26+$0x1A80]  }
0xd0: {  	v26 =	vbroadcast v0, $0xB;
	v3 =	vadd.f32 v8, v3;
	(v2sf) =	vpush v1, $0xC;
	v43 =	vld [tilespmem:s26+$0x1A90];
	s26 =	sand.u32 $0x7FFE0, s30  }
0xd1: {  	s31 =	spop (v2sf);
	s26 =	sadd.s32 s25, s26;
	v38 =	vshll.u32 v32, $0x10;
	v40 =	vand.u32 $0xFFFF0000, v32;
	v42 =	vshll.u32 v34, $0x10  }
0xd2: {  	s28 =	sand.u32 $0x7FFE0, s31;
	v47 =	vld [tilespmem:s26+$0x1B00];
	v6 =	vand.u32 $0xFFFF0000, v34;
	v34 =	vbroadcast v0, $0xC;
	v9 =	vmul.f32 v38, v37  }
0xd3: {  	(v2sf) =	vpush v1, $0xD;
	s29 =	sadd.s32 s25, s28;
	v51 =	vld [tilespmem:s26+$0x1B10];
	v41 =	vmul.f32 v40, v37;
	v44 =	vmul.f32 v42, v37  }
0xd4: {  	v53 =	vld [tilespmem:s29+$0x1B80];
	v6 =	vmul.f32 v6, v37;
	v46 =	vshll.u32 v39, $0x10;
	v48 =	vand.u32 $0xFFFF0000, v39  }
0xd5: {  	v59 =	vld [tilespmem:s29+$0x1B90];
	v49 =	vshll.u32 v43, $0x10;
	v50 =	vand.u32 $0xFFFF0000, v43;
	v8 =	vmul.f32 v46, v45  }
0xd6: {  	v10 =	vmul.f32 v48, v45;
	v52 =	vmul.f32 v49, v45;
	v4 =	vadd.f32 v9, v4  }
0xd7: {  	v7 =	vmul.f32 v50, v45;
	v2 =	vadd.f32 v41, v2;
	v5 =	vadd.f32 v44, v5  }
0xd8: {  	v3 =	vadd.f32 v6, v3;
	v55 =	vshll.u32 v47, $0x10;
	v56 =	vand.u32 $0xFFFF0000, v47  }
0xd9: {  	v57 =	vshll.u32 v51, $0x10;
	v13 =	vand.u32 $0xFFFF0000, v51;
	v14 =	vshll.u32 v53, $0x10  }
0xda: {  	v62 =	vand.u32 $0xFFFF0000, v53;
	v17 =	vand.u32 $0xFFFF0000, v59;
	v6 =	vmul.f32 v55, v54;
	s30 =	spop (v2sf)  }
0xdb: {  	v9 =	vmul.f32 v57, v54;
	v60 =	vmul.f32 v13, v54;
	v4 =	vadd.f32 v8, v4;
	s28 =	sand.u32 $0x7FFE0, s30  }
0xdc: {  	v61 =	vmul.f32 v14, v58;
	v2 =	vadd.f32 v10, v2;
	v5 =	vadd.f32 v52, v5;
	s31 =	sadd.s32 s25, s28  }
0xdd: {  	v3 =	vadd.f32 v7, v3;
	v7 =	vmul.f32 v56, v54;
	s29 =	spop (v2sf);
	(v2sf) =	vpush v1, $0xE;
	v15 =	vld [tilespmem:s31+$0x1C00]  }
0xde: {  	v63 =	vmul.f32 v62, v58;
	v14 =	vshll.u32 v59, $0x10;
	v4 =	vadd.f32 v6, v4;
	s28 =	sand.u32 $0x7FFE0, s29;
	v19 =	vld [tilespmem:s31+$0x1C10]  }
0xdf: {  	v23 =	vld [tilespmem:s22+$0x0];
	v2 =	vadd.f32 v7, v2;
	v5 =	vadd.f32 v9, v5;
	v7 =	vmul.f32 v14, v58;
	s30 =	sadd.s32 s25, s28  }
0xe0: {  	v3 =	vadd.f32 v60, v3;
	v9 =	vmul.f32 v17, v58;
	v4 =	vadd.f32 v61, v4;
	v21 =	vld [tilespmem:s30+$0x1C80]  }
0xe1: {  	v43 =	vbroadcast v0, $0xD;
	v2 =	vadd.f32 v63, v2;
	v5 =	vadd.f32 v7, v5;
	s31 =	spop (v2sf);
	v27 =	vld [tilespmem:s30+$0x1C90]  }
0xe2: {  	v3 =	vadd.f32 v9, v3;
	(v2sf) =	vpush v1, $0xF;
	s28 =	sand.u32 $0x7FFE0, s31;
	v18 =	vshll.u32 v15, $0x10  }
0xe3: {  	s29 =	sadd.s32 s25, s28;
	v20 =	vand.u32 $0xFFFF0000, v15;
	v24 =	vshll.u32 v19, $0x10;
	v11 =	vmul.f32 v18, v16  }
0xe4: {  	s30 =	spop (v2sf);
	v29 =	vld [tilespmem:s29+$0x1D00];
	v25 =	vand.u32 $0xFFFF0000, v19;
	v22 =	vmul.f32 v20, v16;
	v1 =	vmul.f32 v24, v16  }
0xe5: {  	s28 =	sand.u32 $0x7FFE0, s30;
	v8 =	vmul.f32 v25, v16;
	v28 =	vshll.u32 v21, $0x10;
	v30 =	vand.u32 $0xFFFF0000, v21  }
0xe6: {  	v35 =	vld [tilespmem:s29+$0x1D10];
	s31 =	sadd.s32 s25, s28;
	v33 =	vshll.u32 v27, $0x10;
	v6 =	vadd.f32 v22, v2;
	v2 =	vshrl.u32 v23, $0xD  }
0xe7: {  	v37 =	vld [tilespmem:s31+$0x1D80];
	v10 =	vand.u32 $0xFFFF0000, v27;
	v31 =	vmul.f32 v28, v26;
	(v2sf) =	vpush v2, $0x0  }
0xe8: {  	v41 =	vld [tilespmem:s31+$0x1D90];
	v32 =	vmul.f32 v30, v26;
	v9 =	vmul.f32 v10, v26;
	v4 =	vadd.f32 v11, v4  }
0xe9: {  	v1 =	vadd.f32 v1, v5;
	v3 =	vadd.f32 v8, v3;
	v36 =	vshll.u32 v29, $0x10  }
0xea: {  	v38 =	vand.u32 $0xFFFF0000, v29;
	v5 =	vadd.f32 v32, v6;
	v6 =	vmul.f32 v33, v26  }
0xeb: {  	v42 =	vshll.u32 v35, $0x10;
	v8 =	vand.u32 $0xFFFF0000, v35;
	(v2sf) =	vpush v2, $0x1  }
0xec: {  	v39 =	vmul.f32 v36, v34;
	v1 =	vadd.f32 v6, v1;
	v6 =	vmul.f32 v42, v34;
	s28 =	spop (v2sf)  }
0xed: {  	v40 =	vmul.f32 v38, v34;
	v44 =	vshll.u32 v37, $0x10;
	v47 =	vshll.u32 v41, $0x10;
	s26 =	sand.u32 $0x7FFE0, s28  }
0xee: {  	v7 =	vmul.f32 v8, v34;
	v49 =	vmul.f32 v47, v43;
	v1 =	vadd.f32 v6, v1;
	s26 =	sadd.s32 s25, s26  }
0xef: {  	v45 =	vand.u32 $0xFFFF0000, v37;
	v4 =	vadd.f32 v31, v4;
	(v2sf) =	vpush v2, $0x2;
	v46 =	vld [tilespmem:s26+$0x1E00]  }
0xf0: {  	v50 =	vand.u32 $0xFFFF0000, v41;
	v3 =	vadd.f32 v9, v3;
	v6 =	vadd.f32 v49, v1;
	v1 =	vld [tilespmem:s23+$0x0]  }
0xf1: {  	v11 =	vmul.f32 v44, v43;
	v8 =	vmul.f32 v45, v43;
	v4 =	vadd.f32 v39, v4;
	s29 =	spop (v2sf)  }
0xf2: {  	v5 =	vadd.f32 v40, v5;
	v3 =	vadd.f32 v7, v3;
	v7 =	vmul.f32 v50, v43;
	v48 =	vld [tilespmem:s26+$0x1E10];
	s26 =	sand.u32 $0x7FFE0, s29  }
0xf3: {  	v51 =	vbroadcast v0, $0xE;
	v0 =	vbroadcast v0, $0xF;
	v4 =	vadd.f32 v11, v4;
	s26 =	sadd.s32 s25, s26  }
0xf4: {  	v5 =	vadd.f32 v8, v5;
	v3 =	vadd.f32 v7, v3;
	v54 =	vld [tilespmem:s26+$0x1E80];
	v52 =	vshll.u32 v46, $0x10  }
0xf5: {  	v56 =	vld [tilespmem:s26+$0x1E90];
	v53 =	vand.u32 $0xFFFF0000, v46;
	v17 =	vbroadcast v1, $0x0;
	v25 =	vbroadcast v1, $0x1  }
0xf6: {  	v33 =	vbroadcast v1, $0x2;
	v40 =	vbroadcast v1, $0x3;
	s30 =	spop (v2sf);
	(v2sf) =	vpush v2, $0x3  }
0xf7: {  	v55 =	vshll.u32 v48, $0x10;
	v49 =	vbroadcast v1, $0x4;
	v8 =	vmul.f32 v52, v51  }
0xf8: {  	v57 =	vand.u32 $0xFFFF0000, v48;
	v9 =	vmul.f32 v53, v51;
	v11 =	vmul.f32 v55, v51  }
0xf9: {  	v58 =	vmul.f32 v57, v51;
	v60 =	vshll.u32 v54, $0x10;
	s26 =	sand.u32 $0x7FFE0, s30;
	(v2sf) =	vpush v2, $0x4  }
0xfa: {  	v61 =	vand.u32 $0xFFFF0000, v54;
	v62 =	vshll.u32 v56, $0x10;
	v4 =	vadd.f32 v8, v4;
	s31 =	spop (v2sf);
	s26 =	sadd.s32 s25, s26  }
0xfb: {  	v63 =	vand.u32 $0xFFFF0000, v56;
	v5 =	vadd.f32 v9, v5;
	s29 =	sand.u32 $0x7FFE0, s31;
	(v2sf) =	vpush v2, $0x5;
	v59 =	vld [tilespmem:s26+$0x1F00]  }
0xfc: {  	v6 =	vadd.f32 v11, v6;
	v7 =	vmul.f32 v60, v0;
	v9 =	vmul.f32 v61, v0;
	v16 =	vld [tilespmem:s26+$0x1F10];
	s26 =	sadd.s32 s25, s29  }
0xfd: {  	v3 =	vadd.f32 v58, v3;
	v10 =	vmul.f32 v62, v0;
	v0 =	vmul.f32 v63, v0;
	v19 =	vld [tilespmem:s26+$0x1F80]  }
0xfe: {  	v53 =	vbroadcast v1, $0x5;
	v4 =	vadd.f32 v7, v4;
	v5 =	vadd.f32 v9, v5;
	s30 =	spop (v2sf);
	v26 =	vld [tilespmem:s26+$0x1F90]  }
0xff: {  	v62 =	vbroadcast v1, $0x6;
	v6 =	vadd.f32 v10, v6;
	v0 =	vadd.f32 v0, v3;
	s28 =	sand.u32 $0x7FFE0, s30  }
0x100: {  	(v2sf) =	vpush v2, $0x6;
	s31 =	sadd.s32 s25, s28;
	v18 =	vshll.u32 v59, $0x10;
	v8 =	vand.u32 $0xFFFF0000, v59  }
0x101: {  	v29 =	vld [tilespmem:s31+$0x2000];
	v23 =	vshll.u32 v16, $0x10;
	v24 =	vand.u32 $0xFFFF0000, v16;
	v20 =	vmul.f32 v18, v17  }
0x102: {  	v30 =	vld [tilespmem:s31+$0x2010];
	v8 =	vmul.f32 v8, v17;
	v7 =	vmul.f32 v24, v17;
	v27 =	vshll.u32 v19, $0x10  }
0x103: {  	v28 =	vand.u32 $0xFFFF0000, v19;
	v31 =	vshll.u32 v26, $0x10;
	v32 =	vand.u32 $0xFFFF0000, v26  }
0x104: {  	v11 =	vmul.f32 v28, v25;
	v21 =	vadd.f32 v20, v4;
	v22 =	vadd.f32 v8, v5  }
0x105: {  	v5 =	vmul.f32 v23, v17;
	v8 =	vmul.f32 v27, v25;
	v0 =	vadd.f32 v7, v0;
	s28 =	spop (v2sf)  }
0x106: {  	v7 =	vmul.f32 v31, v25;
	v34 =	vshll.u32 v29, $0x10;
	v12 =	vand.u32 $0xFFFF0000, v29;
	s26 =	sand.u32 $0x7FFE0, s28  }
0x107: {  	v37 =	vshll.u32 v30, $0x10;
	v5 =	vadd.f32 v5, v6;
	v3 =	vadd.f32 v8, v21;
	s26 =	sadd.s32 s25, s26  }
0x108: {  	v8 =	vmul.f32 v32, v25;
	v9 =	vmul.f32 v34, v33;
	(v2sf) =	vpush v2, $0x7;
	s29 =	spop (v2sf);
	v35 =	vld [tilespmem:s26+$0x2080]  }
0x109: {  	v4 =	vadd.f32 v11, v22;
	v36 =	vmul.f32 v12, v33;
	v39 =	vmul.f32 v37, v33;
	v38 =	vld [tilespmem:s26+$0x2090];
	s26 =	sand.u32 $0x7FFE0, s29  }
0x10a: {  	v6 =	vand.u32 $0xFFFF0000, v30;
	v22 =	vbroadcast v1, $0x7;
	v5 =	vadd.f32 v7, v5;
	s30 =	spop (v2sf);
	s26 =	sadd.s32 s25, s26  }
0x10b: {  	v30 =	vbroadcast v1, $0x8;
	v0 =	vadd.f32 v8, v0;
	(v2sf) =	vpush v2, $0x8;
	s28 =	sand.u32 $0x7FFE0, s30;
	v42 =	vld [tilespmem:s26+$0x2100]  }
0x10c: {  	v6 =	vmul.f32 v6, v33;
	v3 =	vadd.f32 v9, v3;
	v4 =	vadd.f32 v36, v4;
	s31 =	sadd.s32 s25, s28;
	v46 =	vld [tilespmem:s26+$0x2110]  }
0x10d: {  	v5 =	vadd.f32 v39, v5;
	v48 =	vld [tilespmem:s31+$0x2180];
	v41 =	vshll.u32 v35, $0x10;
	v43 =	vand.u32 $0xFFFF0000, v35  }
0x10e: {  	v54 =	vld [tilespmem:s31+$0x2190];
	v44 =	vshll.u32 v38, $0x10;
	v45 =	vand.u32 $0xFFFF0000, v38;
	v38 =	vbroadcast v1, $0x9  }
0x10f: {  	v0 =	vadd.f32 v6, v0;
	s29 =	spop (v2sf);
	v8 =	vmul.f32 v41, v40;
	v10 =	vmul.f32 v43, v40  }
0x110: {  	(v2sf) =	vpush v2, $0x9;
	s30 =	sand.u32 $0x7FFE0, s29;
	v47 =	vmul.f32 v44, v40;
	v7 =	vmul.f32 v45, v40  }
0x111: {  	s26 =	sadd.s32 s25, s30;
	v50 =	vshll.u32 v42, $0x10;
	v51 =	vand.u32 $0xFFFF0000, v42;
	v52 =	vshll.u32 v46, $0x10  }
0x112: {  	v58 =	vld [tilespmem:s26+$0x2200];
	v13 =	vand.u32 $0xFFFF0000, v46;
	v55 =	vshll.u32 v48, $0x10;
	v59 =	vand.u32 $0xFFFF0000, v48  }
0x113: {  	v63 =	vld [tilespmem:s26+$0x2210];
	v60 =	vshll.u32 v54, $0x10;
	v61 =	vand.u32 $0xFFFF0000, v54;
	v46 =	vbroadcast v1, $0xA  }
0x114: {  	v3 =	vadd.f32 v8, v3;
	v4 =	vadd.f32 v10, v4;
	v6 =	vmul.f32 v50, v49  }
0x115: {  	v0 =	vadd.f32 v7, v0;
	v7 =	vmul.f32 v51, v49;
	v9 =	vmul.f32 v52, v49  }
0x116: {  	v5 =	vadd.f32 v47, v5;
	v56 =	vmul.f32 v13, v49;
	v57 =	vmul.f32 v55, v53  }
0x117: {  	v8 =	vmul.f32 v61, v53;
	v16 =	vshll.u32 v58, $0x10;
	s31 =	spop (v2sf);
	(v2sf) =	vpush v2, $0xA  }
0x118: {  	v17 =	vand.u32 $0xFFFF0000, v58;
	v21 =	vshll.u32 v63, $0x10;
	v24 =	vand.u32 $0xFFFF0000, v63  }
0x119: {  	v63 =	vbroadcast v1, $0xC;
	v3 =	vadd.f32 v6, v3;
	v4 =	vadd.f32 v7, v4;
	s28 =	sand.u32 $0x7FFE0, s31  }
0x11a: {  	v5 =	vadd.f32 v9, v5;
	v6 =	vmul.f32 v59, v53;
	s30 =	spop (v2sf);
	(v2sf) =	vpush v2, $0xB;
	s29 =	sadd.s32 s25, s28  }
0x11b: {  	v0 =	vadd.f32 v56, v0;
	v7 =	vmul.f32 v60, v53;
	v19 =	vmul.f32 v16, v62;
	v18 =	vld [tilespmem:s29+$0x2280]  }
0x11c: {  	v20 =	vmul.f32 v17, v62;
	v3 =	vadd.f32 v57, v3;
	s28 =	sand.u32 $0x7FFE0, s30;
	(v2sf) =	vpush v2, $0xC;
	v23 =	vld [tilespmem:s29+$0x2290]  }
0x11d: {  	v4 =	vadd.f32 v6, v4;
	v5 =	vadd.f32 v7, v5;
	v6 =	vmul.f32 v21, v62;
	s31 =	sadd.s32 s25, s28  }
0x11e: {  	v9 =	vmul.f32 v24, v62;
	v0 =	vadd.f32 v8, v0;
	v3 =	vadd.f32 v19, v3;
	v26 =	vld [tilespmem:s31+$0x2300]  }
0x11f: {  	v57 =	vbroadcast v1, $0xB;
	v4 =	vadd.f32 v20, v4;
	v5 =	vadd.f32 v6, v5;
	s29 =	spop (v2sf);
	v31 =	vld [tilespmem:s31+$0x2310]  }
0x120: {  	v0 =	vadd.f32 v9, v0;
	(v2sf) =	vpush v2, $0xD;
	s28 =	sand.u32 $0x7FFE0, s29;
	v25 =	vshll.u32 v18, $0x10  }
0x121: {  	s30 =	sadd.s32 s25, s28;
	v27 =	vand.u32 $0xFFFF0000, v18;
	v29 =	vshll.u32 v23, $0x10;
	v11 =	vmul.f32 v25, v22  }
0x122: {  	v33 =	vld [tilespmem:s30+$0x2380];
	v8 =	vand.u32 $0xFFFF0000, v23;
	v28 =	vmul.f32 v27, v22;
	v6 =	vmul.f32 v29, v22  }
0x123: {  	v36 =	vld [tilespmem:s30+$0x2390];
	v32 =	vshll.u32 v26, $0x10;
	v7 =	vmul.f32 v8, v22;
	v34 =	vand.u32 $0xFFFF0000, v26  }
0x124: {  	v37 =	vshll.u32 v31, $0x10;
	v10 =	vand.u32 $0xFFFF0000, v31;
	v22 =	vbroadcast v1, $0xD  }
0x125: {  	v35 =	vmul.f32 v34, v30;
	v9 =	vmul.f32 v10, v30;
	v3 =	vadd.f32 v11, v3  }
0x126: {  	v4 =	vadd.f32 v28, v4;
	v11 =	vmul.f32 v32, v30;
	v5 =	vadd.f32 v6, v5;
	s31 =	spop (v2sf)  }
0x127: {  	v45 =	vld [tilespmem:s22+$0x10];
	v0 =	vadd.f32 v7, v0;
	v6 =	vmul.f32 v37, v30;
	v39 =	vshll.u32 v33, $0x10;
	s26 =	sand.u32 $0x7FFE0, s31  }
0x128: {  	v40 =	vand.u32 $0xFFFF0000, v33;
	v42 =	vshll.u32 v36, $0x10;
	(v2sf) =	vpush v2, $0xE;
	s26 =	sadd.s32 s25, s26  }
0x129: {  	v8 =	vand.u32 $0xFFFF0000, v36;
	v32 =	vbroadcast v1, $0xE;
	v1 =	vbroadcast v1, $0xF;
	s28 =	spop (v2sf);
	v41 =	vld [tilespmem:s26+$0x2400]  }
0x12a: {  	v10 =	vmul.f32 v40, v38;
	v44 =	vmul.f32 v42, v38;
	v3 =	vadd.f32 v11, v3;
	v43 =	vld [tilespmem:s26+$0x2410];
	s26 =	sand.u32 $0x7FFE0, s28  }
0x12b: {  	v4 =	vadd.f32 v35, v4;
	v11 =	vmul.f32 v39, v38;
	v39 =	vld [tilespmem:s23+$0x10];
	(v2sf) =	vpush v2, $0xF;
	s29 =	spop (v2sf);
	s26 =	sadd.s32 s25, s26  }
0x12c: {  	v5 =	vadd.f32 v6, v5;
	v0 =	vadd.f32 v9, v0;
	v9 =	vshrl.u32 v45, $0xD;
	s28 =	sand.u32 $0x7FFE0, s29;
	v51 =	vld [tilespmem:s26+$0x2480]  }
0x12d: {  	v47 =	vmul.f32 v8, v38;
	v54 =	vand.u32 $0x7FFE0, v9;
	v3 =	vadd.f32 v11, v3;
	s30 =	sadd.s32 s25, s28;
	v53 =	vld [tilespmem:s26+$0x2490]  }
0x12e: {  	v4 =	vadd.f32 v10, v4;
	v5 =	vadd.f32 v44, v5;
	v56 =	vld [tilespmem:s30+$0x2500];
	v49 =	vand.u32 $0xFFFF0000, v41  }
0x12f: {  	v0 =	vadd.f32 v47, v0;
	v61 =	vld [tilespmem:s30+$0x2510];
	v48 =	vshll.u32 v41, $0x10;
	v8 =	vmul.f32 v49, v46  }
0x130: {  	s31 =	spop (v2sf);
	v50 =	vshll.u32 v43, $0x10;
	v55 =	vand.u32 $0xFFFF0000, v43;
	v7 =	vmul.f32 v48, v46  }
0x131: {  	s28 =	sand.u32 $0x7FFE0, s31;
	v52 =	vmul.f32 v50, v46;
	v4 =	vadd.f32 v8, v4;
	v8 =	vadd.s32 s25, v54  }
0x132: {  	s26 =	sadd.s32 s25, s28;
	v6 =	vmul.f32 v55, v46;
	v48 =	vbroadcast v39, $0x0;
	(v2sf) =	vpush v8, $0x1  }
0x133: {  	v17 =	vld [tilespmem:s26+$0x2580];
	v58 =	vshll.u32 v51, $0x10;
	v11 =	vand.u32 $0xFFFF0000, v51;
	v62 =	vshll.u32 v53, $0x10  }
0x134: {  	v19 =	vld [tilespmem:s26+$0x2590];
	v16 =	vshll.u32 v56, $0x10;
	v20 =	vshll.u32 v61, $0x10;
	(v2sf) =	vpush v8, $0x0  }
0x135: {  	v21 =	vand.u32 $0xFFFF0000, v61;
	v3 =	vadd.f32 v7, v3;
	v2 =	vadd.f32 v52, v5  }
0x136: {  	v0 =	vadd.f32 v6, v0;
	v59 =	vmul.f32 v58, v57;
	v60 =	vmul.f32 v11, v57  }
0x137: {  	v7 =	vand.u32 $0xFFFF0000, v53;
	v11 =	vmul.f32 v62, v57;
	v18 =	vmul.f32 v16, v63;
	s29 =	spop (v2sf)  }
0x138: {  	v5 =	vand.u32 $0xFFFF0000, v56;
	v6 =	vmul.f32 v20, v63;
	v23 =	vmul.f32 v21, v63;
	s30 =	sand.u32 $0x7FFE0, s29  }
0x139: {  	v24 =	vshll.u32 v17, $0x10;
	v26 =	vand.u32 $0xFFFF0000, v17;
	v29 =	vshll.u32 v19, $0x10;
	s26 =	sadd.s32 s25, s30  }
0x13a: {  	v7 =	vmul.f32 v7, v57;
	v5 =	vmul.f32 v5, v63;
	v3 =	vadd.f32 v59, v3;
	s31 =	spop (v2sf);
	v25 =	vld [tilespmem:s26+$0x2600]  }
0x13b: {  	v28 =	vmul.f32 v26, v22;
	v4 =	vadd.f32 v60, v4;
	v2 =	vadd.f32 v11, v2;
	s28 =	sand.u32 $0x7FFE0, s31;
	v27 =	vld [tilespmem:s26+$0x2610]  }
0x13c: {  	v8 =	vmul.f32 v24, v22;
	v0 =	vadd.f32 v7, v0;
	v3 =	vadd.f32 v18, v3;
	s25 =	sadd.s32 s25, s28  }
0x13d: {  	v4 =	vadd.f32 v5, v4;
	v2 =	vadd.f32 v6, v2;
	v6 =	vmul.f32 v29, v22;
	v30 =	vld [tilespmem:s25+$0x2680]  }
0x13e: {  	v7 =	vand.u32 $0xFFFF0000, v19;
	v0 =	vadd.f32 v23, v0;
	v3 =	vadd.f32 v8, v3;
	v37 =	vld [tilespmem:s25+$0x2690]  }
0x13f: {  	v31 =	vmul.f32 v7, v22;
	v4 =	vadd.f32 v28, v4;
	v2 =	vadd.f32 v6, v2  }
0x140: {  	v33 =	vshll.u32 v25, $0x10;
	v34 =	vand.u32 $0xFFFF0000, v25;
	v38 =	vshll.u32 v27, $0x10  }
0x141: {  	v11 =	vand.u32 $0xFFFF0000, v27;
	v35 =	vmul.f32 v33, v32;
	v36 =	vmul.f32 v34, v32;
	s28 =	spop (v2sf)  }
0x142: {  	v0 =	vadd.f32 v31, v0;
	v10 =	vmul.f32 v38, v32;
	v7 =	vmul.f32 v11, v32;
	v49 =	vld [tilespmem:s28+$0x2780]  }
0x143: {  	v40 =	vshll.u32 v30, $0x10;
	v43 =	vand.u32 $0xFFFF0000, v30;
	v46 =	vshll.u32 v37, $0x10;
	s29 =	spop (v2sf);
	v51 =	vld [tilespmem:s28+$0x2790]  }
0x144: {  	v47 =	vand.u32 $0xFFFF0000, v37;
	v42 =	vmul.f32 v40, v1;
	v45 =	vmul.f32 v43, v1;
	v41 =	vld [tilespmem:s29+$0x2700]  }
0x145: {  	v6 =	vmul.f32 v46, v1;
	v3 =	vadd.f32 v35, v3;
	v4 =	vadd.f32 v36, v4;
	v44 =	vld [tilespmem:s29+$0x2710]  }
0x146: {  	v1 =	vmul.f32 v47, v1;
	v2 =	vadd.f32 v10, v2;
	v0 =	vadd.f32 v7, v0  }
0x147: {  	v56 =	vbroadcast v39, $0x1;
	v3 =	vadd.f32 v42, v3;
	v4 =	vadd.f32 v45, v4  }
0x148: {  	v2 =	vadd.f32 v6, v2;
	v0 =	vadd.f32 v1, v0;
	v58 =	vshll.u32 v49, $0x10  }
0x149: {  	v60 =	vshll.u32 v51, $0x10;
	v61 =	vand.u32 $0xFFFF0000, v49;
	v50 =	vshll.u32 v41, $0x10  }
0x14a: {  	v52 =	vand.u32 $0xFFFF0000, v41;
	v54 =	vshll.u32 v44, $0x10;
	v5 =	vmul.f32 v50, v48  }
0x14b: {  	v57 =	vand.u32 $0xFFFF0000, v44;
	v53 =	vmul.f32 v52, v48;
	v55 =	vmul.f32 v54, v48  }
0x14c: {  	v59 =	vmul.f32 v58, v56;
	v7 =	vmul.f32 v60, v56;
	v3 =	vadd.f32 v5, v3  }
0x14d: {  	v1 =	vadd.f32 v53, v4;
	v2 =	vadd.f32 v55, v2;
	v4 =	vmul.f32 v57, v48  }
0x14e: {  	v8 =	vand.u32 $0xFFFF0000, v51;
	v62 =	vmul.f32 v61, v56;
	v3 =	vadd.f32 v59, v3  }
0x14f: {  	v63 =	vmul.f32 v8, v56;
	v0 =	vadd.f32 v4, v0;
	v2 =	vadd.f32 v7, v2  }
0x150: {  	p0 =	sne.s32 s24, $0x5DC00;
	v1 =	vadd.f32 v62, v1;
	v3 =	vmul.f32 $1.999999960e-02, v3  }
.Ltmp0:
0x151: {  	s30 =	sand.u32 $0x3C0, s20;
	v0 =	vadd.f32 v63, v0;
	v2 =	vmul.f32 $1.999999960e-02, v2;
	(pc) =	sbr.rel @p0 .LBB2_3-.Ltmp0, $4  }
0x152: {  	s31 =	sadd.s32 $0x19F00, s30;
	v1 =	vmul.f32 $1.999999960e-02, v1;
	[tilespmem:s30+$0x19F00] =	vst v3  }
0x153: {  	v0 =	vmul.f32 $1.999999960e-02, v0;
	[tilespmem:s31+$0x10] =	vst v2  }
0x154: {  	s24 =	sadd.s32 $0x6400, s24;
	[tilespmem:s31+$0x20] =	vst v1  }
0x155: {  	s22 =	sadd.s32 $0x40, s22;
	s23 =	sadd.s32 $0x40, s23;
	s20 =	sadd.s32 $0x40, s20;
	[tilespmem:s31+$0x30] =	vst v0  }
0x156: {  	s19 =	sadd.s32 $0x1, s19  }
0x157: {  	p0 =	sne.s32 s19, $0x20  }
.Ltmp1:
0x158: {  	s20 =	sadd.s32 s7, s21;
	(pc) =	sbr.rel @p0 .LBB2_2-.Ltmp1, $4  }
0x159: {  	[hbm4b:s20+s2] =	stream.linear.scatter [tilespmem:s17], [sflag:$0x2], $0x400, $0x38;
	[tilespmem:$0x1A300] =	vst v63  }
0x15a: {  	_ =	swait.ge [sflag:s10], $0x400  }
0x15b: {  	[sflag:s10] =	ssyncset.done $0x0  }
0x15c: {  	[sflag:s10] =	ssyncadd.s32 $0xFFFFFC00  }
0x15d: {  	s18 =	sadd.s32 $0x1, s18  }
0x15e: {  	p0 =	sne.s32 s18, s9  }
.Ltmp2:
0x15f: {  	_ = 	snop;
	(pc) =	sbr.rel @p0 .LBB2_1-.Ltmp2, $1  }
0x160: {  	_ =	sdelay $0x3  }
0x161: {  	_ =	sfence.sel $0x180000  }
0x162: {  	[bflag:$0x0] =	sbarrier.arrive $0xFFFF  }
0x163: {  	p0 =	sne.s32 s3, $0x0;
	_ =	strace $0x90000047  }
0x164: {  	s0 =	sadd.s32 @!p0 $0x100000, s0;
	[bflag:$0x2] =	sbarrier.arrive $0xFFFF  }
0x165: {  	[sflag:s0] =	ssyncadd.tile.s32 @!p0 $0x1;
	_ =	shalt  }
.Lfunc_end2:
_tile_overlayer_lowered:
.L_overlay_start_2:
0x166: {  	(tag) =	ssettag $0x2  }
0x167: {  	s0 =	rddreg [dreg:$0x0];
	s2 =	stileid.u32  }
0x168: {  	s1 =	rddreg [dreg:$0x1];
	p0 =	sne.s32 s2, $0x0  }
0x169: {  	s3 =	rddreg [dreg:$0x2];
	[bflag:$0x3] =	sbarrier.arrive $0xFFFF;
	s2 =	simm.s32 @!p0 $0x1C02  }
0x16a: {  	[timem:s3], [sflag:s2] =	dma.local @!p0 [hbm:s0], s1  }
0x16b: {  	s0 =	simm.s32 @!p0 $0x2  }
0x16c: {  	_ =	swait.ge @!p0 [sflag:s0], s1  }
0x16d: {  	s1 =	ssub.s32 @!p0 $0x0, s1;
	[sflag:s0] =	ssyncset.done @!p0 $0x0  }
0x16e: {  	[sflag:s0] =	ssyncadd.s32 @!p0 s1  }
0x16f: {  	[bflag:$0x3] =	sbarrier.arrive $0xFFFF  }
0x170: {  	_ =	shalt  }

</sc_bundles>
